<compile_context>
chip_gen: v7x
topology: tpu7x:2x2x1
jax: 0.10.2.dev20260603
libtpu: 0.0.44.dev20260713+nightly
codegen_flags: <defaults>
</compile_context>

<pallas_src>
import functools

import jax
import jax.numpy as jnp
from jax import lax
from jax.experimental import pallas as pl
from jax.experimental.pallas import tpu as pltpu
from jax.experimental.pallas import tpu_sc as plsc

VOCAB = 1000000
DIM = 64
BATCH = 16384

_info = plsc.get_sparse_core_info()
_NC, _NS, _L = _info.num_cores, _info.num_subcores, _info.num_lanes
_NW = _NC * _NS
_BPW = BATCH // _NW
_TRING = 4
_CRING = 8
_UNROLL = 16
_TILE = 128


def _sc_body(vt_hbm, vc_hbm, wt_hbm, wc_hbm, out_hbm,
             vt_v, vc_v, dots_v, *ring):
    wid = lax.axis_index("s") * _NC + lax.axis_index("c")
    base = wid * _BPW

    pltpu.sync_copy(vt_hbm.at[wid], vt_v)
    pltpu.sync_copy(vc_hbm.at[wid], vc_v)

    t_bufs = ring[0:_TRING]
    c_bufs = ring[_TRING:_TRING + _CRING]
    t_sems = ring[_TRING + _CRING:2 * _TRING + _CRING]
    c_sems = ring[2 * _TRING + _CRING:2 * _TRING + 2 * _CRING]
    lane = lax.iota(jnp.int32, _L)

    def scalar_at(ref, i):
        chunk_base = (i >> 4) << 4
        chunk = ref[pl.ds(chunk_base, _L)]
        sel = jnp.where(lane == (i - chunk_base), chunk, 0)
        return jnp.sum(sel)

    def fire(tab, vref, row, buf, sem):
        v = scalar_at(vref, jnp.minimum(row, _BPW - 1))
        off = pl.multiple_of((v >> 7) << 7, _TILE)
        pltpu.async_copy(tab.at[:, pl.ds(off, _TILE)], buf, sem)
        return v & (_TILE - 1)

    def drain(tab, buf, sem):
        pltpu.make_async_copy(tab.at[:, pl.ds(0, _TILE)], buf, sem).wait()

    tcols = [fire(wt_hbm, vt_v, s, t_bufs[s], t_sems[s])
             for s in range(_TRING)]
    ccols = [fire(wc_hbm, vc_v, s, c_bufs[s], c_sems[s])
             for s in range(_CRING)]

    def body(k, carry):
        carry = list(carry)
        tc = carry[0:_TRING]
        cc = carry[_TRING:_TRING + _CRING]
        accv = carry[-1]
        for s in range(_UNROLL):
            row = k * _UNROLL + s
            ts = s % _TRING
            cs = s % _CRING
            drain(wt_hbm, t_bufs[ts], t_sems[ts])
            drain(wc_hbm, c_bufs[cs], c_sems[cs])
            ctv = jnp.full((_L,), 0, jnp.int32) + tc[ts]
            ccv = jnp.full((_L,), 0, jnp.int32) + cc[cs]
            acc = jnp.zeros((_L,), jnp.float32)
            for kk in range(DIM // _L):
                rows16 = lane + kk * _L
                tv = plsc.load_gather(t_bufs[ts], [rows16, ctv])
                cv = plsc.load_gather(c_bufs[cs], [rows16, ccv])
                acc = acc + tv * cv
            accv = jnp.where(lane == (row & (_L - 1)), jnp.sum(acc), accv)
            tc[ts] = fire(wt_hbm, vt_v, row + _TRING, t_bufs[ts], t_sems[ts])
            cc[cs] = fire(wc_hbm, vc_v, row + _CRING, c_bufs[cs], c_sems[cs])
        last = k * _UNROLL + _UNROLL - 1
        dots_v[pl.ds((last >> 4) << 4, _L)] = accv
        return tuple(tc) + tuple(cc) + (accv,)

    lax.fori_loop(0, _BPW // _UNROLL, body,
                  tuple(tcols) + tuple(ccols)
                  + (jnp.zeros((_L,), jnp.float32),))

    for s in range(_TRING):
        drain(wt_hbm, t_bufs[s], t_sems[s])
    for s in range(_CRING):
        drain(wc_hbm, c_bufs[s], c_sems[s])

    pltpu.sync_copy(dots_v, out_hbm.at[pl.ds(base, _BPW)])


@jax.jit
def kernel(target, context, W_t, W_c):
    vt = target.reshape(_NW, _BPW).astype(jnp.int32)
    vc = context.reshape(_NW, _BPW).astype(jnp.int32)

    run = functools.partial(
        pl.kernel,
        out_type=jax.ShapeDtypeStruct((BATCH,), jnp.float32),
        mesh=plsc.VectorSubcoreMesh(core_axis_name="c", subcore_axis_name="s"),
        compiler_params=pltpu.CompilerParams(
            needs_layout_passes=False, use_tc_tiling_on_sc=True),
        scratch_types=[
            pltpu.VMEM((_BPW,), jnp.int32),
            pltpu.VMEM((_BPW,), jnp.int32),
            pltpu.VMEM((_BPW,), jnp.float32),
        ] + [pltpu.VMEM((DIM, _TILE), jnp.float32)] * (_TRING + _CRING)
          + [pltpu.SemaphoreType.DMA] * (_TRING + _CRING),
    )(_sc_body)
    dots = run(vt, vc, W_t.T, W_c.T)
    return dots.reshape(BATCH, 1)

# --- scband reference (transcript-rebuilt; emitter-appended) ---
"""Pipeline reference for scband-glove-model-n-17892833755280 (READ-ONLY COPY).

The authoritative reference and input builder live on the scoring server;
editing this copy changes nothing except your own understanding.
"""

import jax, jax.numpy as jnp
import numpy as np

VOCAB = 1000000
DIM = 64
BATCH = 16384

def setup_inputs(seed: int = 0) -> dict:
    key = jax.random.key(seed)
    k1, k2, k3, k4 = jax.random.split(key, 4)
    target = jax.random.randint(k1, (BATCH, 1), 0, VOCAB, dtype=jnp.int64 if jax.config.jax_enable_x64 else jnp.int32)
    context = jax.random.randint(k2, (BATCH, 1), 0, VOCAB, dtype=jnp.int64 if jax.config.jax_enable_x64 else jnp.int32)
    W_t = jax.random.normal(k3, (VOCAB, DIM), dtype=jnp.float32) * 0.05
    W_c = jax.random.normal(k4, (VOCAB, DIM), dtype=jnp.float32) * 0.05
    return {"target": target, "context": context, "W_t": W_t, "W_c": W_c}

def reference(target, context, W_t, W_c):
    # Embedding lookups (Keras Embedding -> gather on axis 0)
    te = jnp.take(W_t, target, axis=0)   # [B, 1, D]
    ce = jnp.take(W_c, context, axis=0)  # [B, 1, D]
    # Dot(axes=(2,2)): batched dot over the feature axis -> [B, 1, 1]
    dot = jnp.einsum('bid,bjd->bij', ce, te)
    # Flatten -> [B, 1]
    return dot.reshape(dot.shape[0], -1)

if __name__ == "__main__":
    import jax
    _d = setup_inputs()
    print(jax.jit(kernel)(*tuple(_d.values())))

</pallas_src>

<mosaic_0001>
#map = affine_map<(d0, d1) -> (0, 0)>
#map1 = affine_map<(d0, d1) -> (0)>
module attributes {stable_mosaic.version = 14 : i64} {
  func.func @_sc_body(%arg0: i32, %arg1: i32, %arg2: memref<32x512xi32, #tpu.memory_space<hbm>>, %arg3: memref<32x512xi32, #tpu.memory_space<hbm>>, %arg4: memref<64x1000000xf32, #tpu.memory_space<hbm>>, %arg5: memref<64x1000000xf32, #tpu.memory_space<hbm>>, %arg6: memref<16384xf32, #tpu.memory_space<hbm>>, %arg7: memref<512xi32, #tpu.memory_space<vmem>>, %arg8: memref<512xi32, #tpu.memory_space<vmem>>, %arg9: memref<512xf32, #tpu.memory_space<vmem>>, %arg10: memref<64x128xf32, #tpu.memory_space<vmem>>, %arg11: memref<64x128xf32, #tpu.memory_space<vmem>>, %arg12: memref<64x128xf32, #tpu.memory_space<vmem>>, %arg13: memref<64x128xf32, #tpu.memory_space<vmem>>, %arg14: memref<64x128xf32, #tpu.memory_space<vmem>>, %arg15: memref<64x128xf32, #tpu.memory_space<vmem>>, %arg16: memref<64x128xf32, #tpu.memory_space<vmem>>, %arg17: memref<64x128xf32, #tpu.memory_space<vmem>>, %arg18: memref<64x128xf32, #tpu.memory_space<vmem>>, %arg19: memref<64x128xf32, #tpu.memory_space<vmem>>, %arg20: memref<64x128xf32, #tpu.memory_space<vmem>>, %arg21: memref<64x128xf32, #tpu.memory_space<vmem>>, %arg22: memref<!tpu.dma_semaphore, #tpu.memory_space<semaphore_mem>>, %arg23: memref<!tpu.dma_semaphore, #tpu.memory_space<semaphore_mem>>, %arg24: memref<!tpu.dma_semaphore, #tpu.memory_space<semaphore_mem>>, %arg25: memref<!tpu.dma_semaphore, #tpu.memory_space<semaphore_mem>>, %arg26: memref<!tpu.dma_semaphore, #tpu.memory_space<semaphore_mem>>, %arg27: memref<!tpu.dma_semaphore, #tpu.memory_space<semaphore_mem>>, %arg28: memref<!tpu.dma_semaphore, #tpu.memory_space<semaphore_mem>>, %arg29: memref<!tpu.dma_semaphore, #tpu.memory_space<semaphore_mem>>, %arg30: memref<!tpu.dma_semaphore, #tpu.memory_space<semaphore_mem>>, %arg31: memref<!tpu.dma_semaphore, #tpu.memory_space<semaphore_mem>>, %arg32: memref<!tpu.dma_semaphore, #tpu.memory_space<semaphore_mem>>, %arg33: memref<!tpu.dma_semaphore, #tpu.memory_space<semaphore_mem>>) attributes {dimension_semantics = [#tpu.dimension_semantics<core_parallel>, #tpu.dimension_semantics<subcore_parallel>], iteration_bounds = array<i64: 2, 16>, scalar_prefetch = 0 : i64, scratch_operands = 27 : i64, tpu.core_type = #tpu.core_type<sc_vector_subcore>, window_params = [{transform_indices = #map}, {transform_indices = #map}, {transform_indices = #map}, {transform_indices = #map}, {transform_indices = #map1}]} {
    %mul3A = arith.constant 2 : i32
    %mul3A_0 = arith.muli %arg1, %mul3A : i32
    %add3A = arith.addi %mul3A_0, %arg0 : i32
    %mul3A_1 = arith.constant 512 : i32
    %mul3A_2 = arith.muli %add3A, %mul3A_1 : i32
    "tpu.region"() ({
      %run_scoped3A = tpu.sem_alloc : memref<!tpu.dma_semaphore, #tpu.memory_space<semaphore_mem>>
      %dma_start3A_428 = arith.constant 0 : i32
      %dma_start3A_429 = tpu.memref_slice %arg2[%add3A, %dma_start3A_428] : memref<32x512xi32, #tpu.memory_space<hbm>> -> memref<1x512xi32, #tpu.memory_space<hbm>>
      %dma_start3A_430 = tpu.memref_squeeze %dma_start3A_429 : memref<1x512xi32, #tpu.memory_space<hbm>> -> memref<512xi32, #tpu.memory_space<hbm>>
      %dma_start3A_431 = arith.constant 0 : i32
      %dma_start3A_432 = tpu.memref_slice %arg2[%add3A, %dma_start3A_431] : memref<32x512xi32, #tpu.memory_space<hbm>> -> memref<1x512xi32, #tpu.memory_space<hbm>>
      %dma_start3A_433 = tpu.memref_squeeze %dma_start3A_432 : memref<1x512xi32, #tpu.memory_space<hbm>> -> memref<512xi32, #tpu.memory_space<hbm>>
      tpu.enqueue_dma source(%dma_start3A_433 : memref<512xi32, #tpu.memory_space<hbm>>) target(%arg7 : memref<512xi32, #tpu.memory_space<vmem>>) target_semaphore(%run_scoped3A : memref<!tpu.dma_semaphore, #tpu.memory_space<semaphore_mem>>)
      %dma_wait3A_434 = arith.constant 0 : i32
      %dma_wait3A_435 = tpu.memref_slice %arg2[%add3A, %dma_wait3A_434] : memref<32x512xi32, #tpu.memory_space<hbm>> -> memref<1x512xi32, #tpu.memory_space<hbm>>
      %dma_wait3A_436 = tpu.memref_squeeze %dma_wait3A_435 : memref<1x512xi32, #tpu.memory_space<hbm>> -> memref<512xi32, #tpu.memory_space<hbm>>
      %dma_wait3A_437 = arith.constant 0 : i32
      %dma_wait3A_438 = tpu.memref_slice %arg2[%add3A, %dma_wait3A_437] : memref<32x512xi32, #tpu.memory_space<hbm>> -> memref<1x512xi32, #tpu.memory_space<hbm>>
      %dma_wait3A_439 = tpu.memref_squeeze %dma_wait3A_438 : memref<1x512xi32, #tpu.memory_space<hbm>> -> memref<512xi32, #tpu.memory_space<hbm>>
      tpu.wait_dma2 semaphore(%run_scoped3A : memref<!tpu.dma_semaphore, #tpu.memory_space<semaphore_mem>>) src(%dma_wait3A_439 : memref<512xi32, #tpu.memory_space<hbm>>) dst(%arg7 : memref<512xi32, #tpu.memory_space<vmem>>)
      tpu.yield
    }) : () -> ()
    "tpu.region"() ({
      %run_scoped3A = tpu.sem_alloc : memref<!tpu.dma_semaphore, #tpu.memory_space<semaphore_mem>>
      %dma_start3A_428 = arith.constant 0 : i32
      %dma_start3A_429 = tpu.memref_slice %arg3[%add3A, %dma_start3A_428] : memref<32x512xi32, #tpu.memory_space<hbm>> -> memref<1x512xi32, #tpu.memory_space<hbm>>
      %dma_start3A_430 = tpu.memref_squeeze %dma_start3A_429 : memref<1x512xi32, #tpu.memory_space<hbm>> -> memref<512xi32, #tpu.memory_space<hbm>>
      %dma_start3A_431 = arith.constant 0 : i32
      %dma_start3A_432 = tpu.memref_slice %arg3[%add3A, %dma_start3A_431] : memref<32x512xi32, #tpu.memory_space<hbm>> -> memref<1x512xi32, #tpu.memory_space<hbm>>
      %dma_start3A_433 = tpu.memref_squeeze %dma_start3A_432 : memref<1x512xi32, #tpu.memory_space<hbm>> -> memref<512xi32, #tpu.memory_space<hbm>>
      tpu.enqueue_dma source(%dma_start3A_433 : memref<512xi32, #tpu.memory_space<hbm>>) target(%arg8 : memref<512xi32, #tpu.memory_space<vmem>>) target_semaphore(%run_scoped3A : memref<!tpu.dma_semaphore, #tpu.memory_space<semaphore_mem>>)
      %dma_wait3A_434 = arith.constant 0 : i32
      %dma_wait3A_435 = tpu.memref_slice %arg3[%add3A, %dma_wait3A_434] : memref<32x512xi32, #tpu.memory_space<hbm>> -> memref<1x512xi32, #tpu.memory_space<hbm>>
      %dma_wait3A_436 = tpu.memref_squeeze %dma_wait3A_435 : memref<1x512xi32, #tpu.memory_space<hbm>> -> memref<512xi32, #tpu.memory_space<hbm>>
      %dma_wait3A_437 = arith.constant 0 : i32
      %dma_wait3A_438 = tpu.memref_slice %arg3[%add3A, %dma_wait3A_437] : memref<32x512xi32, #tpu.memory_space<hbm>> -> memref<1x512xi32, #tpu.memory_space<hbm>>
      %dma_wait3A_439 = tpu.memref_squeeze %dma_wait3A_438 : memref<1x512xi32, #tpu.memory_space<hbm>> -> memref<512xi32, #tpu.memory_space<hbm>>
      tpu.wait_dma2 semaphore(%run_scoped3A : memref<!tpu.dma_semaphore, #tpu.memory_space<semaphore_mem>>) src(%dma_wait3A_439 : memref<512xi32, #tpu.memory_space<hbm>>) dst(%arg8 : memref<512xi32, #tpu.memory_space<vmem>>)
      tpu.yield
    }) : () -> ()
    %iota3A = tpu.iota {dimensions = array<i32: 0>} : vector<16xi32>
    %min3A = arith.constant 0 : i32
    %min3A_3 = arith.constant 511 : i32
    %min3A_4 = arith.minsi %min3A, %min3A_3 : i32
    %shift_right_arithmetic3A = arith.constant 4 : i32
    %shift_right_arithmetic3A_5 = arith.shrsi %min3A_4, %shift_right_arithmetic3A : i32
    %shift_left3A = arith.constant 4 : i32
    %shift_left3A_6 = arith.shli %shift_right_arithmetic3A_5, %shift_left3A : i32
    %get3A = arith.index_cast %shift_left3A_6 : i32 to index
    %get3A_7 = tpu.vector_load %arg7[%get3A] {strides = array<i32>} : memref<512xi32, #tpu.memory_space<vmem>>, vector<16xi32>,
    %sub3A = arith.subi %min3A_4, %shift_left3A_6 : i32
    %eq3A = vector.broadcast %sub3A : i32 to vector<16xi32>
    %eq3A_8 = arith.cmpi eq, %iota3A, %eq3A : vector<16xi32>
    %jit3A = arith.constant 0 : i32
    %broadcast_in_dim3A = vector.broadcast %jit3A : i32 to vector<16xi32>
    %select_n3A = arith.select %eq3A_8, %get3A_7, %broadcast_in_dim3A : vector<16xi1>, vector<16xi32>
    %reduce_sum3A = arith.constant true
    %reduce_sum3A_9 = vector.broadcast %reduce_sum3A : i1 to vector<16xi1>
    %reduce_sum3A_10 = tpu.scan <sum>, %select_n3A masked %reduce_sum3A_9 : vector<16xi32>, vector<16xi1> -> vector<16xi32>
    %reduce_sum3A_11 = vector.extract %reduce_sum3A_10[15] : i32 from vector<16xi32>
    %shift_right_arithmetic3A_12 = arith.constant 7 : i32
    %shift_right_arithmetic3A_13 = arith.shrsi %reduce_sum3A_11, %shift_right_arithmetic3A_12 : i32
    %shift_left3A_14 = arith.constant 7 : i32
    %shift_left3A_15 = arith.shli %shift_right_arithmetic3A_13, %shift_left3A_14 : i32
    %multiple_of3A = tpu.assume_multiple %shift_left3A_15, 128 : i32
    %dma_start3A = arith.constant 0 : i32
    %dma_start3A_16 = tpu.memref_slice %arg4[%dma_start3A, %multiple_of3A] : memref<64x1000000xf32, #tpu.memory_space<hbm>> -> memref<64x128xf32, #tpu.memory_space<hbm>>
    %dma_start3A_17 = arith.constant 0 : i32
    %dma_start3A_18 = tpu.memref_slice %arg4[%dma_start3A_17, %multiple_of3A] : memref<64x1000000xf32, #tpu.memory_space<hbm>> -> memref<64x128xf32, #tpu.memory_space<hbm>>
    tpu.enqueue_dma source(%dma_start3A_18 : memref<64x128xf32, #tpu.memory_space<hbm>>) target(%arg10 : memref<64x128xf32, #tpu.memory_space<vmem>>) target_semaphore(%arg22 : memref<!tpu.dma_semaphore, #tpu.memory_space<semaphore_mem>>)
    %and3A = arith.constant 127 : i32
    %and3A_19 = arith.andi %reduce_sum3A_11, %and3A : i32
    %min3A_20 = arith.constant 1 : i32
    %min3A_21 = arith.constant 511 : i32
    %min3A_22 = arith.minsi %min3A_20, %min3A_21 : i32
    %shift_right_arithmetic3A_23 = arith.constant 4 : i32
    %shift_right_arithmetic3A_24 = arith.shrsi %min3A_22, %shift_right_arithmetic3A_23 : i32
    %shift_left3A_25 = arith.constant 4 : i32
    %shift_left3A_26 = arith.shli %shift_right_arithmetic3A_24, %shift_left3A_25 : i32
    %get3A_27 = arith.index_cast %shift_left3A_26 : i32 to index
    %get3A_28 = tpu.vector_load %arg7[%get3A_27] {strides = array<i32>} : memref<512xi32, #tpu.memory_space<vmem>>, vector<16xi32>,
    %sub3A_29 = arith.subi %min3A_22, %shift_left3A_26 : i32
    %eq3A_30 = vector.broadcast %sub3A_29 : i32 to vector<16xi32>
    %eq3A_31 = arith.cmpi eq, %iota3A, %eq3A_30 : vector<16xi32>
    %jit3A_32 = arith.constant 0 : i32
    %broadcast_in_dim3A_33 = vector.broadcast %jit3A_32 : i32 to vector<16xi32>
    %select_n3A_34 = arith.select %eq3A_31, %get3A_28, %broadcast_in_dim3A_33 : vector<16xi1>, vector<16xi32>
    %reduce_sum3A_35 = arith.constant true
    %reduce_sum3A_36 = vector.broadcast %reduce_sum3A_35 : i1 to vector<16xi1>
    %reduce_sum3A_37 = tpu.scan <sum>, %select_n3A_34 masked %reduce_sum3A_36 : vector<16xi32>, vector<16xi1> -> vector<16xi32>
    %reduce_sum3A_38 = vector.extract %reduce_sum3A_37[15] : i32 from vector<16xi32>
    %shift_right_arithmetic3A_39 = arith.constant 7 : i32
    %shift_right_arithmetic3A_40 = arith.shrsi %reduce_sum3A_38, %shift_right_arithmetic3A_39 : i32
    %shift_left3A_41 = arith.constant 7 : i32
    %shift_left3A_42 = arith.shli %shift_right_arithmetic3A_40, %shift_left3A_41 : i32
    %multiple_of3A_43 = tpu.assume_multiple %shift_left3A_42, 128 : i32
    %dma_start3A_44 = arith.constant 0 : i32
    %dma_start3A_45 = tpu.memref_slice %arg4[%dma_start3A_44, %multiple_of3A_43] : memref<64x1000000xf32, #tpu.memory_space<hbm>> -> memref<64x128xf32, #tpu.memory_space<hbm>>
    %dma_start3A_46 = arith.constant 0 : i32
    %dma_start3A_47 = tpu.memref_slice %arg4[%dma_start3A_46, %multiple_of3A_43] : memref<64x1000000xf32, #tpu.memory_space<hbm>> -> memref<64x128xf32, #tpu.memory_space<hbm>>
    tpu.enqueue_dma source(%dma_start3A_47 : memref<64x128xf32, #tpu.memory_space<hbm>>) target(%arg11 : memref<64x128xf32, #tpu.memory_space<vmem>>) target_semaphore(%arg23 : memref<!tpu.dma_semaphore, #tpu.memory_space<semaphore_mem>>)
    %and3A_48 = arith.constant 127 : i32
    %and3A_49 = arith.andi %reduce_sum3A_38, %and3A_48 : i32
    %min3A_50 = arith.constant 2 : i32
    %min3A_51 = arith.constant 511 : i32
    %min3A_52 = arith.minsi %min3A_50, %min3A_51 : i32
    %shift_right_arithmetic3A_53 = arith.constant 4 : i32
    %shift_right_arithmetic3A_54 = arith.shrsi %min3A_52, %shift_right_arithmetic3A_53 : i32
    %shift_left3A_55 = arith.constant 4 : i32
    %shift_left3A_56 = arith.shli %shift_right_arithmetic3A_54, %shift_left3A_55 : i32
    %get3A_57 = arith.index_cast %shift_left3A_56 : i32 to index
    %get3A_58 = tpu.vector_load %arg7[%get3A_57] {strides = array<i32>} : memref<512xi32, #tpu.memory_space<vmem>>, vector<16xi32>,
    %sub3A_59 = arith.subi %min3A_52, %shift_left3A_56 : i32
    %eq3A_60 = vector.broadcast %sub3A_59 : i32 to vector<16xi32>
    %eq3A_61 = arith.cmpi eq, %iota3A, %eq3A_60 : vector<16xi32>
    %jit3A_62 = arith.constant 0 : i32
    %broadcast_in_dim3A_63 = vector.broadcast %jit3A_62 : i32 to vector<16xi32>
    %select_n3A_64 = arith.select %eq3A_61, %get3A_58, %broadcast_in_dim3A_63 : vector<16xi1>, vector<16xi32>
    %reduce_sum3A_65 = arith.constant true
    %reduce_sum3A_66 = vector.broadcast %reduce_sum3A_65 : i1 to vector<16xi1>
    %reduce_sum3A_67 = tpu.scan <sum>, %select_n3A_64 masked %reduce_sum3A_66 : vector<16xi32>, vector<16xi1> -> vector<16xi32>
    %reduce_sum3A_68 = vector.extract %reduce_sum3A_67[15] : i32 from vector<16xi32>
    %shift_right_arithmetic3A_69 = arith.constant 7 : i32
    %shift_right_arithmetic3A_70 = arith.shrsi %reduce_sum3A_68, %shift_right_arithmetic3A_69 : i32
    %shift_left3A_71 = arith.constant 7 : i32
    %shift_left3A_72 = arith.shli %shift_right_arithmetic3A_70, %shift_left3A_71 : i32
    %multiple_of3A_73 = tpu.assume_multiple %shift_left3A_72, 128 : i32
    %dma_start3A_74 = arith.constant 0 : i32
    %dma_start3A_75 = tpu.memref_slice %arg4[%dma_start3A_74, %multiple_of3A_73] : memref<64x1000000xf32, #tpu.memory_space<hbm>> -> memref<64x128xf32, #tpu.memory_space<hbm>>
    %dma_start3A_76 = arith.constant 0 : i32
    %dma_start3A_77 = tpu.memref_slice %arg4[%dma_start3A_76, %multiple_of3A_73] : memref<64x1000000xf32, #tpu.memory_space<hbm>> -> memref<64x128xf32, #tpu.memory_space<hbm>>
    tpu.enqueue_dma source(%dma_start3A_77 : memref<64x128xf32, #tpu.memory_space<hbm>>) target(%arg12 : memref<64x128xf32, #tpu.memory_space<vmem>>) target_semaphore(%arg24 : memref<!tpu.dma_semaphore, #tpu.memory_space<semaphore_mem>>)
    %and3A_78 = arith.constant 127 : i32
    %and3A_79 = arith.andi %reduce_sum3A_68, %and3A_78 : i32
    %min3A_80 = arith.constant 3 : i32
    %min3A_81 = arith.constant 511 : i32
    %min3A_82 = arith.minsi %min3A_80, %min3A_81 : i32
    %shift_right_arithmetic3A_83 = arith.constant 4 : i32
    %shift_right_arithmetic3A_84 = arith.shrsi %min3A_82, %shift_right_arithmetic3A_83 : i32
    %shift_left3A_85 = arith.constant 4 : i32
    %shift_left3A_86 = arith.shli %shift_right_arithmetic3A_84, %shift_left3A_85 : i32
    %get3A_87 = arith.index_cast %shift_left3A_86 : i32 to index
    %get3A_88 = tpu.vector_load %arg7[%get3A_87] {strides = array<i32>} : memref<512xi32, #tpu.memory_space<vmem>>, vector<16xi32>,
    %sub3A_89 = arith.subi %min3A_82, %shift_left3A_86 : i32
    %eq3A_90 = vector.broadcast %sub3A_89 : i32 to vector<16xi32>
    %eq3A_91 = arith.cmpi eq, %iota3A, %eq3A_90 : vector<16xi32>
    %jit3A_92 = arith.constant 0 : i32
    %broadcast_in_dim3A_93 = vector.broadcast %jit3A_92 : i32 to vector<16xi32>
    %select_n3A_94 = arith.select %eq3A_91, %get3A_88, %broadcast_in_dim3A_93 : vector<16xi1>, vector<16xi32>
    %reduce_sum3A_95 = arith.constant true
    %reduce_sum3A_96 = vector.broadcast %reduce_sum3A_95 : i1 to vector<16xi1>
    %reduce_sum3A_97 = tpu.scan <sum>, %select_n3A_94 masked %reduce_sum3A_96 : vector<16xi32>, vector<16xi1> -> vector<16xi32>
    %reduce_sum3A_98 = vector.extract %reduce_sum3A_97[15] : i32 from vector<16xi32>
    %shift_right_arithmetic3A_99 = arith.constant 7 : i32
    %shift_right_arithmetic3A_100 = arith.shrsi %reduce_sum3A_98, %shift_right_arithmetic3A_99 : i32
    %shift_left3A_101 = arith.constant 7 : i32
    %shift_left3A_102 = arith.shli %shift_right_arithmetic3A_100, %shift_left3A_101 : i32
    %multiple_of3A_103 = tpu.assume_multiple %shift_left3A_102, 128 : i32
    %dma_start3A_104 = arith.constant 0 : i32
    %dma_start3A_105 = tpu.memref_slice %arg4[%dma_start3A_104, %multiple_of3A_103] : memref<64x1000000xf32, #tpu.memory_space<hbm>> -> memref<64x128xf32, #tpu.memory_space<hbm>>
    %dma_start3A_106 = arith.constant 0 : i32
    %dma_start3A_107 = tpu.memref_slice %arg4[%dma_start3A_106, %multiple_of3A_103] : memref<64x1000000xf32, #tpu.memory_space<hbm>> -> memref<64x128xf32, #tpu.memory_space<hbm>>
    tpu.enqueue_dma source(%dma_start3A_107 : memref<64x128xf32, #tpu.memory_space<hbm>>) target(%arg13 : memref<64x128xf32, #tpu.memory_space<vmem>>) target_semaphore(%arg25 : memref<!tpu.dma_semaphore, #tpu.memory_space<semaphore_mem>>)
    %and3A_108 = arith.constant 127 : i32
    %and3A_109 = arith.andi %reduce_sum3A_98, %and3A_108 : i32
    %min3A_110 = arith.constant 0 : i32
    %min3A_111 = arith.constant 511 : i32
    %min3A_112 = arith.minsi %min3A_110, %min3A_111 : i32
    %shift_right_arithmetic3A_113 = arith.constant 4 : i32
    %shift_right_arithmetic3A_114 = arith.shrsi %min3A_112, %shift_right_arithmetic3A_113 : i32
    %shift_left3A_115 = arith.constant 4 : i32
    %shift_left3A_116 = arith.shli %shift_right_arithmetic3A_114, %shift_left3A_115 : i32
    %get3A_117 = arith.index_cast %shift_left3A_116 : i32 to index
    %get3A_118 = tpu.vector_load %arg8[%get3A_117] {strides = array<i32>} : memref<512xi32, #tpu.memory_space<vmem>>, vector<16xi32>,
    %sub3A_119 = arith.subi %min3A_112, %shift_left3A_116 : i32
    %eq3A_120 = vector.broadcast %sub3A_119 : i32 to vector<16xi32>
    %eq3A_121 = arith.cmpi eq, %iota3A, %eq3A_120 : vector<16xi32>
    %jit3A_122 = arith.constant 0 : i32
    %broadcast_in_dim3A_123 = vector.broadcast %jit3A_122 : i32 to vector<16xi32>
    %select_n3A_124 = arith.select %eq3A_121, %get3A_118, %broadcast_in_dim3A_123 : vector<16xi1>, vector<16xi32>
    %reduce_sum3A_125 = arith.constant true
    %reduce_sum3A_126 = vector.broadcast %reduce_sum3A_125 : i1 to vector<16xi1>
    %reduce_sum3A_127 = tpu.scan <sum>, %select_n3A_124 masked %reduce_sum3A_126 : vector<16xi32>, vector<16xi1> -> vector<16xi32>
    %reduce_sum3A_128 = vector.extract %reduce_sum3A_127[15] : i32 from vector<16xi32>
    %shift_right_arithmetic3A_129 = arith.constant 7 : i32
    %shift_right_arithmetic3A_130 = arith.shrsi %reduce_sum3A_128, %shift_right_arithmetic3A_129 : i32
    %shift_left3A_131 = arith.constant 7 : i32
    %shift_left3A_132 = arith.shli %shift_right_arithmetic3A_130, %shift_left3A_131 : i32
    %multiple_of3A_133 = tpu.assume_multiple %shift_left3A_132, 128 : i32
    %dma_start3A_134 = arith.constant 0 : i32
    %dma_start3A_135 = tpu.memref_slice %arg5[%dma_start3A_134, %multiple_of3A_133] : memref<64x1000000xf32, #tpu.memory_space<hbm>> -> memref<64x128xf32, #tpu.memory_space<hbm>>
    %dma_start3A_136 = arith.constant 0 : i32
    %dma_start3A_137 = tpu.memref_slice %arg5[%dma_start3A_136, %multiple_of3A_133] : memref<64x1000000xf32, #tpu.memory_space<hbm>> -> memref<64x128xf32, #tpu.memory_space<hbm>>
    tpu.enqueue_dma source(%dma_start3A_137 : memref<64x128xf32, #tpu.memory_space<hbm>>) target(%arg14 : memref<64x128xf32, #tpu.memory_space<vmem>>) target_semaphore(%arg26 : memref<!tpu.dma_semaphore, #tpu.memory_space<semaphore_mem>>)
    %and3A_138 = arith.constant 127 : i32
    %and3A_139 = arith.andi %reduce_sum3A_128, %and3A_138 : i32
    %min3A_140 = arith.constant 1 : i32
    %min3A_141 = arith.constant 511 : i32
    %min3A_142 = arith.minsi %min3A_140, %min3A_141 : i32
    %shift_right_arithmetic3A_143 = arith.constant 4 : i32
    %shift_right_arithmetic3A_144 = arith.shrsi %min3A_142, %shift_right_arithmetic3A_143 : i32
    %shift_left3A_145 = arith.constant 4 : i32
    %shift_left3A_146 = arith.shli %shift_right_arithmetic3A_144, %shift_left3A_145 : i32
    %get3A_147 = arith.index_cast %shift_left3A_146 : i32 to index
    %get3A_148 = tpu.vector_load %arg8[%get3A_147] {strides = array<i32>} : memref<512xi32, #tpu.memory_space<vmem>>, vector<16xi32>,
    %sub3A_149 = arith.subi %min3A_142, %shift_left3A_146 : i32
    %eq3A_150 = vector.broadcast %sub3A_149 : i32 to vector<16xi32>
    %eq3A_151 = arith.cmpi eq, %iota3A, %eq3A_150 : vector<16xi32>
    %jit3A_152 = arith.constant 0 : i32
    %broadcast_in_dim3A_153 = vector.broadcast %jit3A_152 : i32 to vector<16xi32>
    %select_n3A_154 = arith.select %eq3A_151, %get3A_148, %broadcast_in_dim3A_153 : vector<16xi1>, vector<16xi32>
    %reduce_sum3A_155 = arith.constant true
    %reduce_sum3A_156 = vector.broadcast %reduce_sum3A_155 : i1 to vector<16xi1>
    %reduce_sum3A_157 = tpu.scan <sum>, %select_n3A_154 masked %reduce_sum3A_156 : vector<16xi32>, vector<16xi1> -> vector<16xi32>
    %reduce_sum3A_158 = vector.extract %reduce_sum3A_157[15] : i32 from vector<16xi32>
    %shift_right_arithmetic3A_159 = arith.constant 7 : i32
    %shift_right_arithmetic3A_160 = arith.shrsi %reduce_sum3A_158, %shift_right_arithmetic3A_159 : i32
    %shift_left3A_161 = arith.constant 7 : i32
    %shift_left3A_162 = arith.shli %shift_right_arithmetic3A_160, %shift_left3A_161 : i32
    %multiple_of3A_163 = tpu.assume_multiple %shift_left3A_162, 128 : i32
    %dma_start3A_164 = arith.constant 0 : i32
    %dma_start3A_165 = tpu.memref_slice %arg5[%dma_start3A_164, %multiple_of3A_163] : memref<64x1000000xf32, #tpu.memory_space<hbm>> -> memref<64x128xf32, #tpu.memory_space<hbm>>
    %dma_start3A_166 = arith.constant 0 : i32
    %dma_start3A_167 = tpu.memref_slice %arg5[%dma_start3A_166, %multiple_of3A_163] : memref<64x1000000xf32, #tpu.memory_space<hbm>> -> memref<64x128xf32, #tpu.memory_space<hbm>>
    tpu.enqueue_dma source(%dma_start3A_167 : memref<64x128xf32, #tpu.memory_space<hbm>>) target(%arg15 : memref<64x128xf32, #tpu.memory_space<vmem>>) target_semaphore(%arg27 : memref<!tpu.dma_semaphore, #tpu.memory_space<semaphore_mem>>)
    %and3A_168 = arith.constant 127 : i32
    %and3A_169 = arith.andi %reduce_sum3A_158, %and3A_168 : i32
    %min3A_170 = arith.constant 2 : i32
    %min3A_171 = arith.constant 511 : i32
    %min3A_172 = arith.minsi %min3A_170, %min3A_171 : i32
    %shift_right_arithmetic3A_173 = arith.constant 4 : i32
    %shift_right_arithmetic3A_174 = arith.shrsi %min3A_172, %shift_right_arithmetic3A_173 : i32
    %shift_left3A_175 = arith.constant 4 : i32
    %shift_left3A_176 = arith.shli %shift_right_arithmetic3A_174, %shift_left3A_175 : i32
    %get3A_177 = arith.index_cast %shift_left3A_176 : i32 to index
    %get3A_178 = tpu.vector_load %arg8[%get3A_177] {strides = array<i32>} : memref<512xi32, #tpu.memory_space<vmem>>, vector<16xi32>,
    %sub3A_179 = arith.subi %min3A_172, %shift_left3A_176 : i32
    %eq3A_180 = vector.broadcast %sub3A_179 : i32 to vector<16xi32>
    %eq3A_181 = arith.cmpi eq, %iota3A, %eq3A_180 : vector<16xi32>
    %jit3A_182 = arith.constant 0 : i32
    %broadcast_in_dim3A_183 = vector.broadcast %jit3A_182 : i32 to vector<16xi32>
    %select_n3A_184 = arith.select %eq3A_181, %get3A_178, %broadcast_in_dim3A_183 : vector<16xi1>, vector<16xi32>
    %reduce_sum3A_185 = arith.constant true
    %reduce_sum3A_186 = vector.broadcast %reduce_sum3A_185 : i1 to vector<16xi1>
    %reduce_sum3A_187 = tpu.scan <sum>, %select_n3A_184 masked %reduce_sum3A_186 : vector<16xi32>, vector<16xi1> -> vector<16xi32>
    %reduce_sum3A_188 = vector.extract %reduce_sum3A_187[15] : i32 from vector<16xi32>
    %shift_right_arithmetic3A_189 = arith.constant 7 : i32
    %shift_right_arithmetic3A_190 = arith.shrsi %reduce_sum3A_188, %shift_right_arithmetic3A_189 : i32
    %shift_left3A_191 = arith.constant 7 : i32
    %shift_left3A_192 = arith.shli %shift_right_arithmetic3A_190, %shift_left3A_191 : i32
    %multiple_of3A_193 = tpu.assume_multiple %shift_left3A_192, 128 : i32
    %dma_start3A_194 = arith.constant 0 : i32
    %dma_start3A_195 = tpu.memref_slice %arg5[%dma_start3A_194, %multiple_of3A_193] : memref<64x1000000xf32, #tpu.memory_space<hbm>> -> memref<64x128xf32, #tpu.memory_space<hbm>>
    %dma_start3A_196 = arith.constant 0 : i32
    %dma_start3A_197 = tpu.memref_slice %arg5[%dma_start3A_196, %multiple_of3A_193] : memref<64x1000000xf32, #tpu.memory_space<hbm>> -> memref<64x128xf32, #tpu.memory_space<hbm>>
    tpu.enqueue_dma source(%dma_start3A_197 : memref<64x128xf32, #tpu.memory_space<hbm>>) target(%arg16 : memref<64x128xf32, #tpu.memory_space<vmem>>) target_semaphore(%arg28 : memref<!tpu.dma_semaphore, #tpu.memory_space<semaphore_mem>>)
    %and3A_198 = arith.constant 127 : i32
    %and3A_199 = arith.andi %reduce_sum3A_188, %and3A_198 : i32
    %min3A_200 = arith.constant 3 : i32
    %min3A_201 = arith.constant 511 : i32
    %min3A_202 = arith.minsi %min3A_200, %min3A_201 : i32
    %shift_right_arithmetic3A_203 = arith.constant 4 : i32
    %shift_right_arithmetic3A_204 = arith.shrsi %min3A_202, %shift_right_arithmetic3A_203 : i32
    %shift_left3A_205 = arith.constant 4 : i32
    %shift_left3A_206 = arith.shli %shift_right_arithmetic3A_204, %shift_left3A_205 : i32
    %get3A_207 = arith.index_cast %shift_left3A_206 : i32 to index
    %get3A_208 = tpu.vector_load %arg8[%get3A_207] {strides = array<i32>} : memref<512xi32, #tpu.memory_space<vmem>>, vector<16xi32>,
    %sub3A_209 = arith.subi %min3A_202, %shift_left3A_206 : i32
    %eq3A_210 = vector.broadcast %sub3A_209 : i32 to vector<16xi32>
    %eq3A_211 = arith.cmpi eq, %iota3A, %eq3A_210 : vector<16xi32>
    %jit3A_212 = arith.constant 0 : i32
    %broadcast_in_dim3A_213 = vector.broadcast %jit3A_212 : i32 to vector<16xi32>
    %select_n3A_214 = arith.select %eq3A_211, %get3A_208, %broadcast_in_dim3A_213 : vector<16xi1>, vector<16xi32>
    %reduce_sum3A_215 = arith.constant true
    %reduce_sum3A_216 = vector.broadcast %reduce_sum3A_215 : i1 to vector<16xi1>
    %reduce_sum3A_217 = tpu.scan <sum>, %select_n3A_214 masked %reduce_sum3A_216 : vector<16xi32>, vector<16xi1> -> vector<16xi32>
    %reduce_sum3A_218 = vector.extract %reduce_sum3A_217[15] : i32 from vector<16xi32>
    %shift_right_arithmetic3A_219 = arith.constant 7 : i32
    %shift_right_arithmetic3A_220 = arith.shrsi %reduce_sum3A_218, %shift_right_arithmetic3A_219 : i32
    %shift_left3A_221 = arith.constant 7 : i32
    %shift_left3A_222 = arith.shli %shift_right_arithmetic3A_220, %shift_left3A_221 : i32
    %multiple_of3A_223 = tpu.assume_multiple %shift_left3A_222, 128 : i32
    %dma_start3A_224 = arith.constant 0 : i32
    %dma_start3A_225 = tpu.memref_slice %arg5[%dma_start3A_224, %multiple_of3A_223] : memref<64x1000000xf32, #tpu.memory_space<hbm>> -> memref<64x128xf32, #tpu.memory_space<hbm>>
    %dma_start3A_226 = arith.constant 0 : i32
    %dma_start3A_227 = tpu.memref_slice %arg5[%dma_start3A_226, %multiple_of3A_223] : memref<64x1000000xf32, #tpu.memory_space<hbm>> -> memref<64x128xf32, #tpu.memory_space<hbm>>
    tpu.enqueue_dma source(%dma_start3A_227 : memref<64x128xf32, #tpu.memory_space<hbm>>) target(%arg17 : memref<64x128xf32, #tpu.memory_space<vmem>>) target_semaphore(%arg29 : memref<!tpu.dma_semaphore, #tpu.memory_space<semaphore_mem>>)
    %and3A_228 = arith.constant 127 : i32
    %and3A_229 = arith.andi %reduce_sum3A_218, %and3A_228 : i32
    %min3A_230 = arith.constant 4 : i32
    %min3A_231 = arith.constant 511 : i32
    %min3A_232 = arith.minsi %min3A_230, %min3A_231 : i32
    %shift_right_arithmetic3A_233 = arith.constant 4 : i32
    %shift_right_arithmetic3A_234 = arith.shrsi %min3A_232, %shift_right_arithmetic3A_233 : i32
    %shift_left3A_235 = arith.constant 4 : i32
    %shift_left3A_236 = arith.shli %shift_right_arithmetic3A_234, %shift_left3A_235 : i32
    %get3A_237 = arith.index_cast %shift_left3A_236 : i32 to index
    %get3A_238 = tpu.vector_load %arg8[%get3A_237] {strides = array<i32>} : memref<512xi32, #tpu.memory_space<vmem>>, vector<16xi32>,
    %sub3A_239 = arith.subi %min3A_232, %shift_left3A_236 : i32
    %eq3A_240 = vector.broadcast %sub3A_239 : i32 to vector<16xi32>
    %eq3A_241 = arith.cmpi eq, %iota3A, %eq3A_240 : vector<16xi32>
    %jit3A_242 = arith.constant 0 : i32
    %broadcast_in_dim3A_243 = vector.broadcast %jit3A_242 : i32 to vector<16xi32>
    %select_n3A_244 = arith.select %eq3A_241, %get3A_238, %broadcast_in_dim3A_243 : vector<16xi1>, vector<16xi32>
    %reduce_sum3A_245 = arith.constant true
    %reduce_sum3A_246 = vector.broadcast %reduce_sum3A_245 : i1 to vector<16xi1>
    %reduce_sum3A_247 = tpu.scan <sum>, %select_n3A_244 masked %reduce_sum3A_246 : vector<16xi32>, vector<16xi1> -> vector<16xi32>
    %reduce_sum3A_248 = vector.extract %reduce_sum3A_247[15] : i32 from vector<16xi32>
    %shift_right_arithmetic3A_249 = arith.constant 7 : i32
    %shift_right_arithmetic3A_250 = arith.shrsi %reduce_sum3A_248, %shift_right_arithmetic3A_249 : i32
    %shift_left3A_251 = arith.constant 7 : i32
    %shift_left3A_252 = arith.shli %shift_right_arithmetic3A_250, %shift_left3A_251 : i32
    %multiple_of3A_253 = tpu.assume_multiple %shift_left3A_252, 128 : i32
    %dma_start3A_254 = arith.constant 0 : i32
    %dma_start3A_255 = tpu.memref_slice %arg5[%dma_start3A_254, %multiple_of3A_253] : memref<64x1000000xf32, #tpu.memory_space<hbm>> -> memref<64x128xf32, #tpu.memory_space<hbm>>
    %dma_start3A_256 = arith.constant 0 : i32
    %dma_start3A_257 = tpu.memref_slice %arg5[%dma_start3A_256, %multiple_of3A_253] : memref<64x1000000xf32, #tpu.memory_space<hbm>> -> memref<64x128xf32, #tpu.memory_space<hbm>>
    tpu.enqueue_dma source(%dma_start3A_257 : memref<64x128xf32, #tpu.memory_space<hbm>>) target(%arg18 : memref<64x128xf32, #tpu.memory_space<vmem>>) target_semaphore(%arg30 : memref<!tpu.dma_semaphore, #tpu.memory_space<semaphore_mem>>)
    %and3A_258 = arith.constant 127 : i32
    %and3A_259 = arith.andi %reduce_sum3A_248, %and3A_258 : i32
    %min3A_260 = arith.constant 5 : i32
    %min3A_261 = arith.constant 511 : i32
    %min3A_262 = arith.minsi %min3A_260, %min3A_261 : i32
    %shift_right_arithmetic3A_263 = arith.constant 4 : i32
    %shift_right_arithmetic3A_264 = arith.shrsi %min3A_262, %shift_right_arithmetic3A_263 : i32
    %shift_left3A_265 = arith.constant 4 : i32
    %shift_left3A_266 = arith.shli %shift_right_arithmetic3A_264, %shift_left3A_265 : i32
    %get3A_267 = arith.index_cast %shift_left3A_266 : i32 to index
    %get3A_268 = tpu.vector_load %arg8[%get3A_267] {strides = array<i32>} : memref<512xi32, #tpu.memory_space<vmem>>, vector<16xi32>,
    %sub3A_269 = arith.subi %min3A_262, %shift_left3A_266 : i32
    %eq3A_270 = vector.broadcast %sub3A_269 : i32 to vector<16xi32>
    %eq3A_271 = arith.cmpi eq, %iota3A, %eq3A_270 : vector<16xi32>
    %jit3A_272 = arith.constant 0 : i32
    %broadcast_in_dim3A_273 = vector.broadcast %jit3A_272 : i32 to vector<16xi32>
    %select_n3A_274 = arith.select %eq3A_271, %get3A_268, %broadcast_in_dim3A_273 : vector<16xi1>, vector<16xi32>
    %reduce_sum3A_275 = arith.constant true
    %reduce_sum3A_276 = vector.broadcast %reduce_sum3A_275 : i1 to vector<16xi1>
    %reduce_sum3A_277 = tpu.scan <sum>, %select_n3A_274 masked %reduce_sum3A_276 : vector<16xi32>, vector<16xi1> -> vector<16xi32>
    %reduce_sum3A_278 = vector.extract %reduce_sum3A_277[15] : i32 from vector<16xi32>
    %shift_right_arithmetic3A_279 = arith.constant 7 : i32
    %shift_right_arithmetic3A_280 = arith.shrsi %reduce_sum3A_278, %shift_right_arithmetic3A_279 : i32
    %shift_left3A_281 = arith.constant 7 : i32
    %shift_left3A_282 = arith.shli %shift_right_arithmetic3A_280, %shift_left3A_281 : i32
    %multiple_of3A_283 = tpu.assume_multiple %shift_left3A_282, 128 : i32
    %dma_start3A_284 = arith.constant 0 : i32
    %dma_start3A_285 = tpu.memref_slice %arg5[%dma_start3A_284, %multiple_of3A_283] : memref<64x1000000xf32, #tpu.memory_space<hbm>> -> memref<64x128xf32, #tpu.memory_space<hbm>>
    %dma_start3A_286 = arith.constant 0 : i32
    %dma_start3A_287 = tpu.memref_slice %arg5[%dma_start3A_286, %multiple_of3A_283] : memref<64x1000000xf32, #tpu.memory_space<hbm>> -> memref<64x128xf32, #tpu.memory_space<hbm>>
    tpu.enqueue_dma source(%dma_start3A_287 : memref<64x128xf32, #tpu.memory_space<hbm>>) target(%arg19 : memref<64x128xf32, #tpu.memory_space<vmem>>) target_semaphore(%arg31 : memref<!tpu.dma_semaphore, #tpu.memory_space<semaphore_mem>>)
    %and3A_288 = arith.constant 127 : i32
    %and3A_289 = arith.andi %reduce_sum3A_278, %and3A_288 : i32
    %min3A_290 = arith.constant 6 : i32
    %min3A_291 = arith.constant 511 : i32
    %min3A_292 = arith.minsi %min3A_290, %min3A_291 : i32
    %shift_right_arithmetic3A_293 = arith.constant 4 : i32
    %shift_right_arithmetic3A_294 = arith.shrsi %min3A_292, %shift_right_arithmetic3A_293 : i32
    %shift_left3A_295 = arith.constant 4 : i32
    %shift_left3A_296 = arith.shli %shift_right_arithmetic3A_294, %shift_left3A_295 : i32
    %get3A_297 = arith.index_cast %shift_left3A_296 : i32 to index
    %get3A_298 = tpu.vector_load %arg8[%get3A_297] {strides = array<i32>} : memref<512xi32, #tpu.memory_space<vmem>>, vector<16xi32>,
    %sub3A_299 = arith.subi %min3A_292, %shift_left3A_296 : i32
    %eq3A_300 = vector.broadcast %sub3A_299 : i32 to vector<16xi32>
    %eq3A_301 = arith.cmpi eq, %iota3A, %eq3A_300 : vector<16xi32>
    %jit3A_302 = arith.constant 0 : i32
    %broadcast_in_dim3A_303 = vector.broadcast %jit3A_302 : i32 to vector<16xi32>
    %select_n3A_304 = arith.select %eq3A_301, %get3A_298, %broadcast_in_dim3A_303 : vector<16xi1>, vector<16xi32>
    %reduce_sum3A_305 = arith.constant true
    %reduce_sum3A_306 = vector.broadcast %reduce_sum3A_305 : i1 to vector<16xi1>
    %reduce_sum3A_307 = tpu.scan <sum>, %select_n3A_304 masked %reduce_sum3A_306 : vector<16xi32>, vector<16xi1> -> vector<16xi32>
    %reduce_sum3A_308 = vector.extract %reduce_sum3A_307[15] : i32 from vector<16xi32>
    %shift_right_arithmetic3A_309 = arith.constant 7 : i32
    %shift_right_arithmetic3A_310 = arith.shrsi %reduce_sum3A_308, %shift_right_arithmetic3A_309 : i32
    %shift_left3A_311 = arith.constant 7 : i32
    %shift_left3A_312 = arith.shli %shift_right_arithmetic3A_310, %shift_left3A_311 : i32
    %multiple_of3A_313 = tpu.assume_multiple %shift_left3A_312, 128 : i32
    %dma_start3A_314 = arith.constant 0 : i32
    %dma_start3A_315 = tpu.memref_slice %arg5[%dma_start3A_314, %multiple_of3A_313] : memref<64x1000000xf32, #tpu.memory_space<hbm>> -> memref<64x128xf32, #tpu.memory_space<hbm>>
    %dma_start3A_316 = arith.constant 0 : i32
    %dma_start3A_317 = tpu.memref_slice %arg5[%dma_start3A_316, %multiple_of3A_313] : memref<64x1000000xf32, #tpu.memory_space<hbm>> -> memref<64x128xf32, #tpu.memory_space<hbm>>
    tpu.enqueue_dma source(%dma_start3A_317 : memref<64x128xf32, #tpu.memory_space<hbm>>) target(%arg20 : memref<64x128xf32, #tpu.memory_space<vmem>>) target_semaphore(%arg32 : memref<!tpu.dma_semaphore, #tpu.memory_space<semaphore_mem>>)
    %and3A_318 = arith.constant 127 : i32
    %and3A_319 = arith.andi %reduce_sum3A_308, %and3A_318 : i32
    %min3A_320 = arith.constant 7 : i32
    %min3A_321 = arith.constant 511 : i32
    %min3A_322 = arith.minsi %min3A_320, %min3A_321 : i32
    %shift_right_arithmetic3A_323 = arith.constant 4 : i32
    %shift_right_arithmetic3A_324 = arith.shrsi %min3A_322, %shift_right_arithmetic3A_323 : i32
    %shift_left3A_325 = arith.constant 4 : i32
    %shift_left3A_326 = arith.shli %shift_right_arithmetic3A_324, %shift_left3A_325 : i32
    %get3A_327 = arith.index_cast %shift_left3A_326 : i32 to index
    %get3A_328 = tpu.vector_load %arg8[%get3A_327] {strides = array<i32>} : memref<512xi32, #tpu.memory_space<vmem>>, vector<16xi32>,
    %sub3A_329 = arith.subi %min3A_322, %shift_left3A_326 : i32
    %eq3A_330 = vector.broadcast %sub3A_329 : i32 to vector<16xi32>
    %eq3A_331 = arith.cmpi eq, %iota3A, %eq3A_330 : vector<16xi32>
    %jit3A_332 = arith.constant 0 : i32
    %broadcast_in_dim3A_333 = vector.broadcast %jit3A_332 : i32 to vector<16xi32>
    %select_n3A_334 = arith.select %eq3A_331, %get3A_328, %broadcast_in_dim3A_333 : vector<16xi1>, vector<16xi32>
    %reduce_sum3A_335 = arith.constant true
    %reduce_sum3A_336 = vector.broadcast %reduce_sum3A_335 : i1 to vector<16xi1>
    %reduce_sum3A_337 = tpu.scan <sum>, %select_n3A_334 masked %reduce_sum3A_336 : vector<16xi32>, vector<16xi1> -> vector<16xi32>
    %reduce_sum3A_338 = vector.extract %reduce_sum3A_337[15] : i32 from vector<16xi32>
    %shift_right_arithmetic3A_339 = arith.constant 7 : i32
    %shift_right_arithmetic3A_340 = arith.shrsi %reduce_sum3A_338, %shift_right_arithmetic3A_339 : i32
    %shift_left3A_341 = arith.constant 7 : i32
    %shift_left3A_342 = arith.shli %shift_right_arithmetic3A_340, %shift_left3A_341 : i32
    %multiple_of3A_343 = tpu.assume_multiple %shift_left3A_342, 128 : i32
    %dma_start3A_344 = arith.constant 0 : i32
    %dma_start3A_345 = tpu.memref_slice %arg5[%dma_start3A_344, %multiple_of3A_343] : memref<64x1000000xf32, #tpu.memory_space<hbm>> -> memref<64x128xf32, #tpu.memory_space<hbm>>
    %dma_start3A_346 = arith.constant 0 : i32
    %dma_start3A_347 = tpu.memref_slice %arg5[%dma_start3A_346, %multiple_of3A_343] : memref<64x1000000xf32, #tpu.memory_space<hbm>> -> memref<64x128xf32, #tpu.memory_space<hbm>>
    tpu.enqueue_dma source(%dma_start3A_347 : memref<64x128xf32, #tpu.memory_space<hbm>>) target(%arg21 : memref<64x128xf32, #tpu.memory_space<vmem>>) target_semaphore(%arg33 : memref<!tpu.dma_semaphore, #tpu.memory_space<semaphore_mem>>)
    %and3A_348 = arith.constant 127 : i32
    %and3A_349 = arith.andi %reduce_sum3A_338, %and3A_348 : i32
    %broadcast_in_dim3A_350 = arith.constant 0.000000e+00 : f32
    %broadcast_in_dim3A_351 = vector.broadcast %broadcast_in_dim3A_350 : f32 to vector<16xf32>
    %scan3A = arith.constant 0 : i32
    %scan3A_352 = arith.constant 32 : i32
    %scan3A_353 = arith.addi %scan3A, %scan3A_352 : i32
    %scan3A_354 = arith.constant 1 : i32
    %scan3A_355:13 = scf.for %scan3A_428 = %scan3A to %scan3A_353 step %scan3A_354 iter_args(%scan3A_429 = %and3A_19, %scan3A_430 = %and3A_49, %scan3A_431 = %and3A_79, %scan3A_432 = %and3A_109, %scan3A_433 = %and3A_139, %scan3A_434 = %and3A_169, %scan3A_435 = %and3A_199, %scan3A_436 = %and3A_229, %scan3A_437 = %and3A_259, %scan3A_438 = %and3A_289, %scan3A_439 = %and3A_319, %scan3A_440 = %and3A_349, %scan3A_441 = %broadcast_in_dim3A_351) -> (i32, i32, i32, i32, i32, i32, i32, i32, i32, i32, i32, i32, vector<16xf32>)  : i32 {
      %mul3A_442 = arith.constant 16 : i32
      %mul3A_443 = arith.muli %scan3A_428, %mul3A_442 : i32
      %add3A_444 = arith.constant 0 : i32
      %add3A_445 = arith.addi %mul3A_443, %add3A_444 : i32
      %dma_wait3A_446 = arith.constant 0 : i32
      %dma_wait3A_447 = arith.constant 0 : i32
      %dma_wait3A_448 = tpu.memref_slice %arg4[%dma_wait3A_446, %dma_wait3A_447] : memref<64x1000000xf32, #tpu.memory_space<hbm>> -> memref<64x128xf32, #tpu.memory_space<hbm>>
      %dma_wait3A_449 = arith.constant 0 : i32
      %dma_wait3A_450 = arith.constant 0 : i32
      %dma_wait3A_451 = tpu.memref_slice %arg4[%dma_wait3A_449, %dma_wait3A_450] : memref<64x1000000xf32, #tpu.memory_space<hbm>> -> memref<64x128xf32, #tpu.memory_space<hbm>>
      tpu.wait_dma2 semaphore(%arg22 : memref<!tpu.dma_semaphore, #tpu.memory_space<semaphore_mem>>) src(%dma_wait3A_451 : memref<64x128xf32, #tpu.memory_space<hbm>>) dst(%arg10 : memref<64x128xf32, #tpu.memory_space<vmem>>)
      %dma_wait3A_452 = arith.constant 0 : i32
      %dma_wait3A_453 = arith.constant 0 : i32
      %dma_wait3A_454 = tpu.memref_slice %arg5[%dma_wait3A_452, %dma_wait3A_453] : memref<64x1000000xf32, #tpu.memory_space<hbm>> -> memref<64x128xf32, #tpu.memory_space<hbm>>
      %dma_wait3A_455 = arith.constant 0 : i32
      %dma_wait3A_456 = arith.constant 0 : i32
      %dma_wait3A_457 = tpu.memref_slice %arg5[%dma_wait3A_455, %dma_wait3A_456] : memref<64x1000000xf32, #tpu.memory_space<hbm>> -> memref<64x128xf32, #tpu.memory_space<hbm>>
      tpu.wait_dma2 semaphore(%arg26 : memref<!tpu.dma_semaphore, #tpu.memory_space<semaphore_mem>>) src(%dma_wait3A_457 : memref<64x128xf32, #tpu.memory_space<hbm>>) dst(%arg14 : memref<64x128xf32, #tpu.memory_space<vmem>>)
      %broadcast_in_dim3A_458 = arith.constant 0 : i32
      %broadcast_in_dim3A_459 = vector.broadcast %broadcast_in_dim3A_458 : i32 to vector<16xi32>
      %add3A_460 = vector.broadcast %scan3A_429 : i32 to vector<16xi32>
      %add3A_461 = arith.addi %broadcast_in_dim3A_459, %add3A_460 : vector<16xi32>
      %broadcast_in_dim3A_462 = arith.constant 0 : i32
      %broadcast_in_dim3A_463 = vector.broadcast %broadcast_in_dim3A_462 : i32 to vector<16xi32>
      %add3A_464 = vector.broadcast %scan3A_433 : i32 to vector<16xi32>
      %add3A_465 = arith.addi %broadcast_in_dim3A_463, %add3A_464 : vector<16xi32>
      %broadcast_in_dim3A_466 = arith.constant 0.000000e+00 : f32
      %broadcast_in_dim3A_467 = vector.broadcast %broadcast_in_dim3A_466 : f32 to vector<16xf32>
      %add3A_468 = arith.constant 0 : i32
      %add3A_469 = vector.broadcast %add3A_468 : i32 to vector<16xi32>
      %add3A_470 = arith.addi %iota3A, %add3A_469 : vector<16xi32>
      %gather3A = tpu.vector_load_idx %arg10[%add3A_470, %add3A_461] : memref<64x128xf32, #tpu.memory_space<vmem>>[vector<16xi32>, vector<16xi32>], vector<16xf32>,
      %gather3A_471 = tpu.vector_load_idx %arg14[%add3A_470, %add3A_465] : memref<64x128xf32, #tpu.memory_space<vmem>>[vector<16xi32>, vector<16xi32>], vector<16xf32>,
      %mul3A_472 = arith.mulf %gather3A, %gather3A_471 : vector<16xf32>
      %add3A_473 = arith.addf %broadcast_in_dim3A_467, %mul3A_472 : vector<16xf32>
      %add3A_474 = arith.constant 16 : i32
      %add3A_475 = vector.broadcast %add3A_474 : i32 to vector<16xi32>
      %add3A_476 = arith.addi %iota3A, %add3A_475 : vector<16xi32>
      %gather3A_477 = tpu.vector_load_idx %arg10[%add3A_476, %add3A_461] : memref<64x128xf32, #tpu.memory_space<vmem>>[vector<16xi32>, vector<16xi32>], vector<16xf32>,
      %gather3A_478 = tpu.vector_load_idx %arg14[%add3A_476, %add3A_465] : memref<64x128xf32, #tpu.memory_space<vmem>>[vector<16xi32>, vector<16xi32>], vector<16xf32>,
      %mul3A_479 = arith.mulf %gather3A_477, %gather3A_478 : vector<16xf32>
      %add3A_480 = arith.addf %add3A_473, %mul3A_479 : vector<16xf32>
      %add3A_481 = arith.constant 32 : i32
      %add3A_482 = vector.broadcast %add3A_481 : i32 to vector<16xi32>
      %add3A_483 = arith.addi %iota3A, %add3A_482 : vector<16xi32>
      %gather3A_484 = tpu.vector_load_idx %arg10[%add3A_483, %add3A_461] : memref<64x128xf32, #tpu.memory_space<vmem>>[vector<16xi32>, vector<16xi32>], vector<16xf32>,
      %gather3A_485 = tpu.vector_load_idx %arg14[%add3A_483, %add3A_465] : memref<64x128xf32, #tpu.memory_space<vmem>>[vector<16xi32>, vector<16xi32>], vector<16xf32>,
      %mul3A_486 = arith.mulf %gather3A_484, %gather3A_485 : vector<16xf32>
      %add3A_487 = arith.addf %add3A_480, %mul3A_486 : vector<16xf32>
      %add3A_488 = arith.constant 48 : i32
      %add3A_489 = vector.broadcast %add3A_488 : i32 to vector<16xi32>
      %add3A_490 = arith.addi %iota3A, %add3A_489 : vector<16xi32>
      %gather3A_491 = tpu.vector_load_idx %arg10[%add3A_490, %add3A_461] : memref<64x128xf32, #tpu.memory_space<vmem>>[vector<16xi32>, vector<16xi32>], vector<16xf32>,
      %gather3A_492 = tpu.vector_load_idx %arg14[%add3A_490, %add3A_465] : memref<64x128xf32, #tpu.memory_space<vmem>>[vector<16xi32>, vector<16xi32>], vector<16xf32>,
      %mul3A_493 = arith.mulf %gather3A_491, %gather3A_492 : vector<16xf32>
      %add3A_494 = arith.addf %add3A_487, %mul3A_493 : vector<16xf32>
      %and3A_495 = arith.constant 15 : i32
      %and3A_496 = arith.andi %add3A_445, %and3A_495 : i32
      %eq3A_497 = vector.broadcast %and3A_496 : i32 to vector<16xi32>
      %eq3A_498 = arith.cmpi eq, %iota3A, %eq3A_497 : vector<16xi32>
      %reduce_sum3A_499 = arith.constant true
      %reduce_sum3A_500 = vector.broadcast %reduce_sum3A_499 : i1 to vector<16xi1>
      %reduce_sum3A_501 = tpu.scan <sum>, %add3A_494 masked %reduce_sum3A_500 : vector<16xf32>, vector<16xi1> -> vector<16xf32>
      %reduce_sum3A_502 = vector.extract %reduce_sum3A_501[15] : f32 from vector<16xf32>
      %broadcast_in_dim3A_503 = vector.broadcast %reduce_sum3A_502 : f32 to vector<16xf32>
      %select_n3A_504 = arith.select %eq3A_498, %broadcast_in_dim3A_503, %scan3A_441 : vector<16xi1>, vector<16xf32>
      %add3A_505 = arith.constant 4 : i32
      %add3A_506 = arith.addi %add3A_445, %add3A_505 : i32
      %min3A_507 = arith.constant 511 : i32
      %min3A_508 = arith.minsi %add3A_506, %min3A_507 : i32
      %shift_right_arithmetic3A_509 = arith.constant 4 : i32
      %shift_right_arithmetic3A_510 = arith.shrsi %min3A_508, %shift_right_arithmetic3A_509 : i32
      %shift_left3A_511 = arith.constant 4 : i32
      %shift_left3A_512 = arith.shli %shift_right_arithmetic3A_510, %shift_left3A_511 : i32
      %get3A_513 = arith.index_cast %shift_left3A_512 : i32 to index
      %get3A_514 = tpu.vector_load %arg7[%get3A_513] {strides = array<i32>} : memref<512xi32, #tpu.memory_space<vmem>>, vector<16xi32>,
      %sub3A_515 = arith.subi %min3A_508, %shift_left3A_512 : i32
      %eq3A_516 = vector.broadcast %sub3A_515 : i32 to vector<16xi32>
      %eq3A_517 = arith.cmpi eq, %iota3A, %eq3A_516 : vector<16xi32>
      %jit3A_518 = arith.constant 0 : i32
      %broadcast_in_dim3A_519 = vector.broadcast %jit3A_518 : i32 to vector<16xi32>
      %select_n3A_520 = arith.select %eq3A_517, %get3A_514, %broadcast_in_dim3A_519 : vector<16xi1>, vector<16xi32>
      %reduce_sum3A_521 = arith.constant true
      %reduce_sum3A_522 = vector.broadcast %reduce_sum3A_521 : i1 to vector<16xi1>
      %reduce_sum3A_523 = tpu.scan <sum>, %select_n3A_520 masked %reduce_sum3A_522 : vector<16xi32>, vector<16xi1> -> vector<16xi32>
      %reduce_sum3A_524 = vector.extract %reduce_sum3A_523[15] : i32 from vector<16xi32>
      %shift_right_arithmetic3A_525 = arith.constant 7 : i32
      %shift_right_arithmetic3A_526 = arith.shrsi %reduce_sum3A_524, %shift_right_arithmetic3A_525 : i32
      %shift_left3A_527 = arith.constant 7 : i32
      %shift_left3A_528 = arith.shli %shift_right_arithmetic3A_526, %shift_left3A_527 : i32
      %multiple_of3A_529 = tpu.assume_multiple %shift_left3A_528, 128 : i32
      %dma_start3A_530 = arith.constant 0 : i32
      %dma_start3A_531 = tpu.memref_slice %arg4[%dma_start3A_530, %multiple_of3A_529] : memref<64x1000000xf32, #tpu.memory_space<hbm>> -> memref<64x128xf32, #tpu.memory_space<hbm>>
      %dma_start3A_532 = arith.constant 0 : i32
      %dma_start3A_533 = tpu.memref_slice %arg4[%dma_start3A_532, %multiple_of3A_529] : memref<64x1000000xf32, #tpu.memory_space<hbm>> -> memref<64x128xf32, #tpu.memory_space<hbm>>
      tpu.enqueue_dma source(%dma_start3A_533 : memref<64x128xf32, #tpu.memory_space<hbm>>) target(%arg10 : memref<64x128xf32, #tpu.memory_space<vmem>>) target_semaphore(%arg22 : memref<!tpu.dma_semaphore, #tpu.memory_space<semaphore_mem>>)
      %and3A_534 = arith.constant 127 : i32
      %and3A_535 = arith.andi %reduce_sum3A_524, %and3A_534 : i32
      %add3A_536 = arith.constant 8 : i32
      %add3A_537 = arith.addi %add3A_445, %add3A_536 : i32
      %min3A_538 = arith.constant 511 : i32
      %min3A_539 = arith.minsi %add3A_537, %min3A_538 : i32
      %shift_right_arithmetic3A_540 = arith.constant 4 : i32
      %shift_right_arithmetic3A_541 = arith.shrsi %min3A_539, %shift_right_arithmetic3A_540 : i32
      %shift_left3A_542 = arith.constant 4 : i32
      %shift_left3A_543 = arith.shli %shift_right_arithmetic3A_541, %shift_left3A_542 : i32
      %get3A_544 = arith.index_cast %shift_left3A_543 : i32 to index
      %get3A_545 = tpu.vector_load %arg8[%get3A_544] {strides = array<i32>} : memref<512xi32, #tpu.memory_space<vmem>>, vector<16xi32>,
      %sub3A_546 = arith.subi %min3A_539, %shift_left3A_543 : i32
      %eq3A_547 = vector.broadcast %sub3A_546 : i32 to vector<16xi32>
      %eq3A_548 = arith.cmpi eq, %iota3A, %eq3A_547 : vector<16xi32>
      %jit3A_549 = arith.constant 0 : i32
      %broadcast_in_dim3A_550 = vector.broadcast %jit3A_549 : i32 to vector<16xi32>
      %select_n3A_551 = arith.select %eq3A_548, %get3A_545, %broadcast_in_dim3A_550 : vector<16xi1>, vector<16xi32>
      %reduce_sum3A_552 = arith.constant true
      %reduce_sum3A_553 = vector.broadcast %reduce_sum3A_552 : i1 to vector<16xi1>
      %reduce_sum3A_554 = tpu.scan <sum>, %select_n3A_551 masked %reduce_sum3A_553 : vector<16xi32>, vector<16xi1> -> vector<16xi32>
      %reduce_sum3A_555 = vector.extract %reduce_sum3A_554[15] : i32 from vector<16xi32>
      %shift_right_arithmetic3A_556 = arith.constant 7 : i32
      %shift_right_arithmetic3A_557 = arith.shrsi %reduce_sum3A_555, %shift_right_arithmetic3A_556 : i32
      %shift_left3A_558 = arith.constant 7 : i32
      %shift_left3A_559 = arith.shli %shift_right_arithmetic3A_557, %shift_left3A_558 : i32
      %multiple_of3A_560 = tpu.assume_multiple %shift_left3A_559, 128 : i32
      %dma_start3A_561 = arith.constant 0 : i32
      %dma_start3A_562 = tpu.memref_slice %arg5[%dma_start3A_561, %multiple_of3A_560] : memref<64x1000000xf32, #tpu.memory_space<hbm>> -> memref<64x128xf32, #tpu.memory_space<hbm>>
      %dma_start3A_563 = arith.constant 0 : i32
      %dma_start3A_564 = tpu.memref_slice %arg5[%dma_start3A_563, %multiple_of3A_560] : memref<64x1000000xf32, #tpu.memory_space<hbm>> -> memref<64x128xf32, #tpu.memory_space<hbm>>
      tpu.enqueue_dma source(%dma_start3A_564 : memref<64x128xf32, #tpu.memory_space<hbm>>) target(%arg14 : memref<64x128xf32, #tpu.memory_space<vmem>>) target_semaphore(%arg26 : memref<!tpu.dma_semaphore, #tpu.memory_space<semaphore_mem>>)
      %and3A_565 = arith.constant 127 : i32
      %and3A_566 = arith.andi %reduce_sum3A_555, %and3A_565 : i32
      %mul3A_567 = arith.constant 16 : i32
      %mul3A_568 = arith.muli %scan3A_428, %mul3A_567 : i32
      %add3A_569 = arith.constant 1 : i32
      %add3A_570 = arith.addi %mul3A_568, %add3A_569 : i32
      %dma_wait3A_571 = arith.constant 0 : i32
      %dma_wait3A_572 = arith.constant 0 : i32
      %dma_wait3A_573 = tpu.memref_slice %arg4[%dma_wait3A_571, %dma_wait3A_572] : memref<64x1000000xf32, #tpu.memory_space<hbm>> -> memref<64x128xf32, #tpu.memory_space<hbm>>
      %dma_wait3A_574 = arith.constant 0 : i32
      %dma_wait3A_575 = arith.constant 0 : i32
      %dma_wait3A_576 = tpu.memref_slice %arg4[%dma_wait3A_574, %dma_wait3A_575] : memref<64x1000000xf32, #tpu.memory_space<hbm>> -> memref<64x128xf32, #tpu.memory_space<hbm>>
      tpu.wait_dma2 semaphore(%arg23 : memref<!tpu.dma_semaphore, #tpu.memory_space<semaphore_mem>>) src(%dma_wait3A_576 : memref<64x128xf32, #tpu.memory_space<hbm>>) dst(%arg11 : memref<64x128xf32, #tpu.memory_space<vmem>>)
      %dma_wait3A_577 = arith.constant 0 : i32
      %dma_wait3A_578 = arith.constant 0 : i32
      %dma_wait3A_579 = tpu.memref_slice %arg5[%dma_wait3A_577, %dma_wait3A_578] : memref<64x1000000xf32, #tpu.memory_space<hbm>> -> memref<64x128xf32, #tpu.memory_space<hbm>>
      %dma_wait3A_580 = arith.constant 0 : i32
      %dma_wait3A_581 = arith.constant 0 : i32
      %dma_wait3A_582 = tpu.memref_slice %arg5[%dma_wait3A_580, %dma_wait3A_581] : memref<64x1000000xf32, #tpu.memory_space<hbm>> -> memref<64x128xf32, #tpu.memory_space<hbm>>
      tpu.wait_dma2 semaphore(%arg27 : memref<!tpu.dma_semaphore, #tpu.memory_space<semaphore_mem>>) src(%dma_wait3A_582 : memref<64x128xf32, #tpu.memory_space<hbm>>) dst(%arg15 : memref<64x128xf32, #tpu.memory_space<vmem>>)
      %broadcast_in_dim3A_583 = arith.constant 0 : i32
      %broadcast_in_dim3A_584 = vector.broadcast %broadcast_in_dim3A_583 : i32 to vector<16xi32>
      %add3A_585 = vector.broadcast %scan3A_430 : i32 to vector<16xi32>
      %add3A_586 = arith.addi %broadcast_in_dim3A_584, %add3A_585 : vector<16xi32>
      %broadcast_in_dim3A_587 = arith.constant 0 : i32
      %broadcast_in_dim3A_588 = vector.broadcast %broadcast_in_dim3A_587 : i32 to vector<16xi32>
      %add3A_589 = vector.broadcast %scan3A_434 : i32 to vector<16xi32>
      %add3A_590 = arith.addi %broadcast_in_dim3A_588, %add3A_589 : vector<16xi32>
      %broadcast_in_dim3A_591 = arith.constant 0.000000e+00 : f32
      %broadcast_in_dim3A_592 = vector.broadcast %broadcast_in_dim3A_591 : f32 to vector<16xf32>
      %add3A_593 = arith.constant 0 : i32
      %add3A_594 = vector.broadcast %add3A_593 : i32 to vector<16xi32>
      %add3A_595 = arith.addi %iota3A, %add3A_594 : vector<16xi32>
      %gather3A_596 = tpu.vector_load_idx %arg11[%add3A_595, %add3A_586] : memref<64x128xf32, #tpu.memory_space<vmem>>[vector<16xi32>, vector<16xi32>], vector<16xf32>,
      %gather3A_597 = tpu.vector_load_idx %arg15[%add3A_595, %add3A_590] : memref<64x128xf32, #tpu.memory_space<vmem>>[vector<16xi32>, vector<16xi32>], vector<16xf32>,
      %mul3A_598 = arith.mulf %gather3A_596, %gather3A_597 : vector<16xf32>
      %add3A_599 = arith.addf %broadcast_in_dim3A_592, %mul3A_598 : vector<16xf32>
      %add3A_600 = arith.constant 16 : i32
      %add3A_601 = vector.broadcast %add3A_600 : i32 to vector<16xi32>
      %add3A_602 = arith.addi %iota3A, %add3A_601 : vector<16xi32>
      %gather3A_603 = tpu.vector_load_idx %arg11[%add3A_602, %add3A_586] : memref<64x128xf32, #tpu.memory_space<vmem>>[vector<16xi32>, vector<16xi32>], vector<16xf32>,
      %gather3A_604 = tpu.vector_load_idx %arg15[%add3A_602, %add3A_590] : memref<64x128xf32, #tpu.memory_space<vmem>>[vector<16xi32>, vector<16xi32>], vector<16xf32>,
      %mul3A_605 = arith.mulf %gather3A_603, %gather3A_604 : vector<16xf32>
      %add3A_606 = arith.addf %add3A_599, %mul3A_605 : vector<16xf32>
      %add3A_607 = arith.constant 32 : i32
      %add3A_608 = vector.broadcast %add3A_607 : i32 to vector<16xi32>
      %add3A_609 = arith.addi %iota3A, %add3A_608 : vector<16xi32>
      %gather3A_610 = tpu.vector_load_idx %arg11[%add3A_609, %add3A_586] : memref<64x128xf32, #tpu.memory_space<vmem>>[vector<16xi32>, vector<16xi32>], vector<16xf32>,
      %gather3A_611 = tpu.vector_load_idx %arg15[%add3A_609, %add3A_590] : memref<64x128xf32, #tpu.memory_space<vmem>>[vector<16xi32>, vector<16xi32>], vector<16xf32>,
      %mul3A_612 = arith.mulf %gather3A_610, %gather3A_611 : vector<16xf32>
      %add3A_613 = arith.addf %add3A_606, %mul3A_612 : vector<16xf32>
      %add3A_614 = arith.constant 48 : i32
      %add3A_615 = vector.broadcast %add3A_614 : i32 to vector<16xi32>
      %add3A_616 = arith.addi %iota3A, %add3A_615 : vector<16xi32>
      %gather3A_617 = tpu.vector_load_idx %arg11[%add3A_616, %add3A_586] : memref<64x128xf32, #tpu.memory_space<vmem>>[vector<16xi32>, vector<16xi32>], vector<16xf32>,
      %gather3A_618 = tpu.vector_load_idx %arg15[%add3A_616, %add3A_590] : memref<64x128xf32, #tpu.memory_space<vmem>>[vector<16xi32>, vector<16xi32>], vector<16xf32>,
      %mul3A_619 = arith.mulf %gather3A_617, %gather3A_618 : vector<16xf32>
      %add3A_620 = arith.addf %add3A_613, %mul3A_619 : vector<16xf32>
      %and3A_621 = arith.constant 15 : i32
      %and3A_622 = arith.andi %add3A_570, %and3A_621 : i32
      %eq3A_623 = vector.broadcast %and3A_622 : i32 to vector<16xi32>
      %eq3A_624 = arith.cmpi eq, %iota3A, %eq3A_623 : vector<16xi32>
      %reduce_sum3A_625 = arith.constant true
      %reduce_sum3A_626 = vector.broadcast %reduce_sum3A_625 : i1 to vector<16xi1>
      %reduce_sum3A_627 = tpu.scan <sum>, %add3A_620 masked %reduce_sum3A_626 : vector<16xf32>, vector<16xi1> -> vector<16xf32>
      %reduce_sum3A_628 = vector.extract %reduce_sum3A_627[15] : f32 from vector<16xf32>
      %broadcast_in_dim3A_629 = vector.broadcast %reduce_sum3A_628 : f32 to vector<16xf32>
      %select_n3A_630 = arith.select %eq3A_624, %broadcast_in_dim3A_629, %select_n3A_504 : vector<16xi1>, vector<16xf32>
      %add3A_631 = arith.constant 4 : i32
      %add3A_632 = arith.addi %add3A_570, %add3A_631 : i32
      %min3A_633 = arith.constant 511 : i32
      %min3A_634 = arith.minsi %add3A_632, %min3A_633 : i32
      %shift_right_arithmetic3A_635 = arith.constant 4 : i32
      %shift_right_arithmetic3A_636 = arith.shrsi %min3A_634, %shift_right_arithmetic3A_635 : i32
      %shift_left3A_637 = arith.constant 4 : i32
      %shift_left3A_638 = arith.shli %shift_right_arithmetic3A_636, %shift_left3A_637 : i32
      %get3A_639 = arith.index_cast %shift_left3A_638 : i32 to index
      %get3A_640 = tpu.vector_load %arg7[%get3A_639] {strides = array<i32>} : memref<512xi32, #tpu.memory_space<vmem>>, vector<16xi32>,
      %sub3A_641 = arith.subi %min3A_634, %shift_left3A_638 : i32
      %eq3A_642 = vector.broadcast %sub3A_641 : i32 to vector<16xi32>
      %eq3A_643 = arith.cmpi eq, %iota3A, %eq3A_642 : vector<16xi32>
      %jit3A_644 = arith.constant 0 : i32
      %broadcast_in_dim3A_645 = vector.broadcast %jit3A_644 : i32 to vector<16xi32>
      %select_n3A_646 = arith.select %eq3A_643, %get3A_640, %broadcast_in_dim3A_645 : vector<16xi1>, vector<16xi32>
      %reduce_sum3A_647 = arith.constant true
      %reduce_sum3A_648 = vector.broadcast %reduce_sum3A_647 : i1 to vector<16xi1>
      %reduce_sum3A_649 = tpu.scan <sum>, %select_n3A_646 masked %reduce_sum3A_648 : vector<16xi32>, vector<16xi1> -> vector<16xi32>
      %reduce_sum3A_650 = vector.extract %reduce_sum3A_649[15] : i32 from vector<16xi32>
      %shift_right_arithmetic3A_651 = arith.constant 7 : i32
      %shift_right_arithmetic3A_652 = arith.shrsi %reduce_sum3A_650, %shift_right_arithmetic3A_651 : i32
      %shift_left3A_653 = arith.constant 7 : i32
      %shift_left3A_654 = arith.shli %shift_right_arithmetic3A_652, %shift_left3A_653 : i32
      %multiple_of3A_655 = tpu.assume_multiple %shift_left3A_654, 128 : i32
      %dma_start3A_656 = arith.constant 0 : i32
      %dma_start3A_657 = tpu.memref_slice %arg4[%dma_start3A_656, %multiple_of3A_655] : memref<64x1000000xf32, #tpu.memory_space<hbm>> -> memref<64x128xf32, #tpu.memory_space<hbm>>
      %dma_start3A_658 = arith.constant 0 : i32
      %dma_start3A_659 = tpu.memref_slice %arg4[%dma_start3A_658, %multiple_of3A_655] : memref<64x1000000xf32, #tpu.memory_space<hbm>> -> memref<64x128xf32, #tpu.memory_space<hbm>>
      tpu.enqueue_dma source(%dma_start3A_659 : memref<64x128xf32, #tpu.memory_space<hbm>>) target(%arg11 : memref<64x128xf32, #tpu.memory_space<vmem>>) target_semaphore(%arg23 : memref<!tpu.dma_semaphore, #tpu.memory_space<semaphore_mem>>)
      %and3A_660 = arith.constant 127 : i32
      %and3A_661 = arith.andi %reduce_sum3A_650, %and3A_660 : i32
      %add3A_662 = arith.constant 8 : i32
      %add3A_663 = arith.addi %add3A_570, %add3A_662 : i32
      %min3A_664 = arith.constant 511 : i32
      %min3A_665 = arith.minsi %add3A_663, %min3A_664 : i32
      %shift_right_arithmetic3A_666 = arith.constant 4 : i32
      %shift_right_arithmetic3A_667 = arith.shrsi %min3A_665, %shift_right_arithmetic3A_666 : i32
      %shift_left3A_668 = arith.constant 4 : i32
      %shift_left3A_669 = arith.shli %shift_right_arithmetic3A_667, %shift_left3A_668 : i32
      %get3A_670 = arith.index_cast %shift_left3A_669 : i32 to index
      %get3A_671 = tpu.vector_load %arg8[%get3A_670] {strides = array<i32>} : memref<512xi32, #tpu.memory_space<vmem>>, vector<16xi32>,
      %sub3A_672 = arith.subi %min3A_665, %shift_left3A_669 : i32
      %eq3A_673 = vector.broadcast %sub3A_672 : i32 to vector<16xi32>
      %eq3A_674 = arith.cmpi eq, %iota3A, %eq3A_673 : vector<16xi32>
      %jit3A_675 = arith.constant 0 : i32
      %broadcast_in_dim3A_676 = vector.broadcast %jit3A_675 : i32 to vector<16xi32>
      %select_n3A_677 = arith.select %eq3A_674, %get3A_671, %broadcast_in_dim3A_676 : vector<16xi1>, vector<16xi32>
      %reduce_sum3A_678 = arith.constant true
      %reduce_sum3A_679 = vector.broadcast %reduce_sum3A_678 : i1 to vector<16xi1>
      %reduce_sum3A_680 = tpu.scan <sum>, %select_n3A_677 masked %reduce_sum3A_679 : vector<16xi32>, vector<16xi1> -> vector<16xi32>
      %reduce_sum3A_681 = vector.extract %reduce_sum3A_680[15] : i32 from vector<16xi32>
      %shift_right_arithmetic3A_682 = arith.constant 7 : i32
      %shift_right_arithmetic3A_683 = arith.shrsi %reduce_sum3A_681, %shift_right_arithmetic3A_682 : i32
      %shift_left3A_684 = arith.constant 7 : i32
      %shift_left3A_685 = arith.shli %shift_right_arithmetic3A_683, %shift_left3A_684 : i32
      %multiple_of3A_686 = tpu.assume_multiple %shift_left3A_685, 128 : i32
      %dma_start3A_687 = arith.constant 0 : i32
      %dma_start3A_688 = tpu.memref_slice %arg5[%dma_start3A_687, %multiple_of3A_686] : memref<64x1000000xf32, #tpu.memory_space<hbm>> -> memref<64x128xf32, #tpu.memory_space<hbm>>
      %dma_start3A_689 = arith.constant 0 : i32
      %dma_start3A_690 = tpu.memref_slice %arg5[%dma_start3A_689, %multiple_of3A_686] : memref<64x1000000xf32, #tpu.memory_space<hbm>> -> memref<64x128xf32, #tpu.memory_space<hbm>>
      tpu.enqueue_dma source(%dma_start3A_690 : memref<64x128xf32, #tpu.memory_space<hbm>>) target(%arg15 : memref<64x128xf32, #tpu.memory_space<vmem>>) target_semaphore(%arg27 : memref<!tpu.dma_semaphore, #tpu.memory_space<semaphore_mem>>)
      %and3A_691 = arith.constant 127 : i32
      %and3A_692 = arith.andi %reduce_sum3A_681, %and3A_691 : i32
      %mul3A_693 = arith.constant 16 : i32
      %mul3A_694 = arith.muli %scan3A_428, %mul3A_693 : i32
      %add3A_695 = arith.constant 2 : i32
      %add3A_696 = arith.addi %mul3A_694, %add3A_695 : i32
      %dma_wait3A_697 = arith.constant 0 : i32
      %dma_wait3A_698 = arith.constant 0 : i32
      %dma_wait3A_699 = tpu.memref_slice %arg4[%dma_wait3A_697, %dma_wait3A_698] : memref<64x1000000xf32, #tpu.memory_space<hbm>> -> memref<64x128xf32, #tpu.memory_space<hbm>>
      %dma_wait3A_700 = arith.constant 0 : i32
      %dma_wait3A_701 = arith.constant 0 : i32
      %dma_wait3A_702 = tpu.memref_slice %arg4[%dma_wait3A_700, %dma_wait3A_701] : memref<64x1000000xf32, #tpu.memory_space<hbm>> -> memref<64x128xf32, #tpu.memory_space<hbm>>
      tpu.wait_dma2 semaphore(%arg24 : memref<!tpu.dma_semaphore, #tpu.memory_space<semaphore_mem>>) src(%dma_wait3A_702 : memref<64x128xf32, #tpu.memory_space<hbm>>) dst(%arg12 : memref<64x128xf32, #tpu.memory_space<vmem>>)
      %dma_wait3A_703 = arith.constant 0 : i32
      %dma_wait3A_704 = arith.constant 0 : i32
      %dma_wait3A_705 = tpu.memref_slice %arg5[%dma_wait3A_703, %dma_wait3A_704] : memref<64x1000000xf32, #tpu.memory_space<hbm>> -> memref<64x128xf32, #tpu.memory_space<hbm>>
      %dma_wait3A_706 = arith.constant 0 : i32
      %dma_wait3A_707 = arith.constant 0 : i32
      %dma_wait3A_708 = tpu.memref_slice %arg5[%dma_wait3A_706, %dma_wait3A_707] : memref<64x1000000xf32, #tpu.memory_space<hbm>> -> memref<64x128xf32, #tpu.memory_space<hbm>>
      tpu.wait_dma2 semaphore(%arg28 : memref<!tpu.dma_semaphore, #tpu.memory_space<semaphore_mem>>) src(%dma_wait3A_708 : memref<64x128xf32, #tpu.memory_space<hbm>>) dst(%arg16 : memref<64x128xf32, #tpu.memory_space<vmem>>)
      %broadcast_in_dim3A_709 = arith.constant 0 : i32
      %broadcast_in_dim3A_710 = vector.broadcast %broadcast_in_dim3A_709 : i32 to vector<16xi32>
      %add3A_711 = vector.broadcast %scan3A_431 : i32 to vector<16xi32>
      %add3A_712 = arith.addi %broadcast_in_dim3A_710, %add3A_711 : vector<16xi32>
      %broadcast_in_dim3A_713 = arith.constant 0 : i32
      %broadcast_in_dim3A_714 = vector.broadcast %broadcast_in_dim3A_713 : i32 to vector<16xi32>
      %add3A_715 = vector.broadcast %scan3A_435 : i32 to vector<16xi32>
      %add3A_716 = arith.addi %broadcast_in_dim3A_714, %add3A_715 : vector<16xi32>
      %broadcast_in_dim3A_717 = arith.constant 0.000000e+00 : f32
      %broadcast_in_dim3A_718 = vector.broadcast %broadcast_in_dim3A_717 : f32 to vector<16xf32>
      %add3A_719 = arith.constant 0 : i32
      %add3A_720 = vector.broadcast %add3A_719 : i32 to vector<16xi32>
      %add3A_721 = arith.addi %iota3A, %add3A_720 : vector<16xi32>
      %gather3A_722 = tpu.vector_load_idx %arg12[%add3A_721, %add3A_712] : memref<64x128xf32, #tpu.memory_space<vmem>>[vector<16xi32>, vector<16xi32>], vector<16xf32>,
      %gather3A_723 = tpu.vector_load_idx %arg16[%add3A_721, %add3A_716] : memref<64x128xf32, #tpu.memory_space<vmem>>[vector<16xi32>, vector<16xi32>], vector<16xf32>,
      %mul3A_724 = arith.mulf %gather3A_722, %gather3A_723 : vector<16xf32>
      %add3A_725 = arith.addf %broadcast_in_dim3A_718, %mul3A_724 : vector<16xf32>
      %add3A_726 = arith.constant 16 : i32
      %add3A_727 = vector.broadcast %add3A_726 : i32 to vector<16xi32>
      %add3A_728 = arith.addi %iota3A, %add3A_727 : vector<16xi32>
      %gather3A_729 = tpu.vector_load_idx %arg12[%add3A_728, %add3A_712] : memref<64x128xf32, #tpu.memory_space<vmem>>[vector<16xi32>, vector<16xi32>], vector<16xf32>,
      %gather3A_730 = tpu.vector_load_idx %arg16[%add3A_728, %add3A_716] : memref<64x128xf32, #tpu.memory_space<vmem>>[vector<16xi32>, vector<16xi32>], vector<16xf32>,
      %mul3A_731 = arith.mulf %gather3A_729, %gather3A_730 : vector<16xf32>
      %add3A_732 = arith.addf %add3A_725, %mul3A_731 : vector<16xf32>
      %add3A_733 = arith.constant 32 : i32
      %add3A_734 = vector.broadcast %add3A_733 : i32 to vector<16xi32>
      %add3A_735 = arith.addi %iota3A, %add3A_734 : vector<16xi32>
      %gather3A_736 = tpu.vector_load_idx %arg12[%add3A_735, %add3A_712] : memref<64x128xf32, #tpu.memory_space<vmem>>[vector<16xi32>, vector<16xi32>], vector<16xf32>,
      %gather3A_737 = tpu.vector_load_idx %arg16[%add3A_735, %add3A_716] : memref<64x128xf32, #tpu.memory_space<vmem>>[vector<16xi32>, vector<16xi32>], vector<16xf32>,
      %mul3A_738 = arith.mulf %gather3A_736, %gather3A_737 : vector<16xf32>
      %add3A_739 = arith.addf %add3A_732, %mul3A_738 : vector<16xf32>
      %add3A_740 = arith.constant 48 : i32
      %add3A_741 = vector.broadcast %add3A_740 : i32 to vector<16xi32>
      %add3A_742 = arith.addi %iota3A, %add3A_741 : vector<16xi32>
      %gather3A_743 = tpu.vector_load_idx %arg12[%add3A_742, %add3A_712] : memref<64x128xf32, #tpu.memory_space<vmem>>[vector<16xi32>, vector<16xi32>], vector<16xf32>,
      %gather3A_744 = tpu.vector_load_idx %arg16[%add3A_742, %add3A_716] : memref<64x128xf32, #tpu.memory_space<vmem>>[vector<16xi32>, vector<16xi32>], vector<16xf32>,
      %mul3A_745 = arith.mulf %gather3A_743, %gather3A_744 : vector<16xf32>
      %add3A_746 = arith.addf %add3A_739, %mul3A_745 : vector<16xf32>
      %and3A_747 = arith.constant 15 : i32
      %and3A_748 = arith.andi %add3A_696, %and3A_747 : i32
      %eq3A_749 = vector.broadcast %and3A_748 : i32 to vector<16xi32>
      %eq3A_750 = arith.cmpi eq, %iota3A, %eq3A_749 : vector<16xi32>
      %reduce_sum3A_751 = arith.constant true
      %reduce_sum3A_752 = vector.broadcast %reduce_sum3A_751 : i1 to vector<16xi1>
      %reduce_sum3A_753 = tpu.scan <sum>, %add3A_746 masked %reduce_sum3A_752 : vector<16xf32>, vector<16xi1> -> vector<16xf32>
      %reduce_sum3A_754 = vector.extract %reduce_sum3A_753[15] : f32 from vector<16xf32>
      %broadcast_in_dim3A_755 = vector.broadcast %reduce_sum3A_754 : f32 to vector<16xf32>
      %select_n3A_756 = arith.select %eq3A_750, %broadcast_in_dim3A_755, %select_n3A_630 : vector<16xi1>, vector<16xf32>
      %add3A_757 = arith.constant 4 : i32
      %add3A_758 = arith.addi %add3A_696, %add3A_757 : i32
      %min3A_759 = arith.constant 511 : i32
      %min3A_760 = arith.minsi %add3A_758, %min3A_759 : i32
      %shift_right_arithmetic3A_761 = arith.constant 4 : i32
      %shift_right_arithmetic3A_762 = arith.shrsi %min3A_760, %shift_right_arithmetic3A_761 : i32
      %shift_left3A_763 = arith.constant 4 : i32
      %shift_left3A_764 = arith.shli %shift_right_arithmetic3A_762, %shift_left3A_763 : i32
      %get3A_765 = arith.index_cast %shift_left3A_764 : i32 to index
      %get3A_766 = tpu.vector_load %arg7[%get3A_765] {strides = array<i32>} : memref<512xi32, #tpu.memory_space<vmem>>, vector<16xi32>,
      %sub3A_767 = arith.subi %min3A_760, %shift_left3A_764 : i32
      %eq3A_768 = vector.broadcast %sub3A_767 : i32 to vector<16xi32>
      %eq3A_769 = arith.cmpi eq, %iota3A, %eq3A_768 : vector<16xi32>
      %jit3A_770 = arith.constant 0 : i32
      %broadcast_in_dim3A_771 = vector.broadcast %jit3A_770 : i32 to vector<16xi32>
      %select_n3A_772 = arith.select %eq3A_769, %get3A_766, %broadcast_in_dim3A_771 : vector<16xi1>, vector<16xi32>
      %reduce_sum3A_773 = arith.constant true
      %reduce_sum3A_774 = vector.broadcast %reduce_sum3A_773 : i1 to vector<16xi1>
      %reduce_sum3A_775 = tpu.scan <sum>, %select_n3A_772 masked %reduce_sum3A_774 : vector<16xi32>, vector<16xi1> -> vector<16xi32>
      %reduce_sum3A_776 = vector.extract %reduce_sum3A_775[15] : i32 from vector<16xi32>
      %shift_right_arithmetic3A_777 = arith.constant 7 : i32
      %shift_right_arithmetic3A_778 = arith.shrsi %reduce_sum3A_776, %shift_right_arithmetic3A_777 : i32
      %shift_left3A_779 = arith.constant 7 : i32
      %shift_left3A_780 = arith.shli %shift_right_arithmetic3A_778, %shift_left3A_779 : i32
      %multiple_of3A_781 = tpu.assume_multiple %shift_left3A_780, 128 : i32
      %dma_start3A_782 = arith.constant 0 : i32
      %dma_start3A_783 = tpu.memref_slice %arg4[%dma_start3A_782, %multiple_of3A_781] : memref<64x1000000xf32, #tpu.memory_space<hbm>> -> memref<64x128xf32, #tpu.memory_space<hbm>>
      %dma_start3A_784 = arith.constant 0 : i32
      %dma_start3A_785 = tpu.memref_slice %arg4[%dma_start3A_784, %multiple_of3A_781] : memref<64x1000000xf32, #tpu.memory_space<hbm>> -> memref<64x128xf32, #tpu.memory_space<hbm>>
      tpu.enqueue_dma source(%dma_start3A_785 : memref<64x128xf32, #tpu.memory_space<hbm>>) target(%arg12 : memref<64x128xf32, #tpu.memory_space<vmem>>) target_semaphore(%arg24 : memref<!tpu.dma_semaphore, #tpu.memory_space<semaphore_mem>>)
      %and3A_786 = arith.constant 127 : i32
      %and3A_787 = arith.andi %reduce_sum3A_776, %and3A_786 : i32
      %add3A_788 = arith.constant 8 : i32
      %add3A_789 = arith.addi %add3A_696, %add3A_788 : i32
      %min3A_790 = arith.constant 511 : i32
      %min3A_791 = arith.minsi %add3A_789, %min3A_790 : i32
      %shift_right_arithmetic3A_792 = arith.constant 4 : i32
      %shift_right_arithmetic3A_793 = arith.shrsi %min3A_791, %shift_right_arithmetic3A_792 : i32
      %shift_left3A_794 = arith.constant 4 : i32
      %shift_left3A_795 = arith.shli %shift_right_arithmetic3A_793, %shift_left3A_794 : i32
      %get3A_796 = arith.index_cast %shift_left3A_795 : i32 to index
      %get3A_797 = tpu.vector_load %arg8[%get3A_796] {strides = array<i32>} : memref<512xi32, #tpu.memory_space<vmem>>, vector<16xi32>,
      %sub3A_798 = arith.subi %min3A_791, %shift_left3A_795 : i32
      %eq3A_799 = vector.broadcast %sub3A_798 : i32 to vector<16xi32>
      %eq3A_800 = arith.cmpi eq, %iota3A, %eq3A_799 : vector<16xi32>
      %jit3A_801 = arith.constant 0 : i32
      %broadcast_in_dim3A_802 = vector.broadcast %jit3A_801 : i32 to vector<16xi32>
      %select_n3A_803 = arith.select %eq3A_800, %get3A_797, %broadcast_in_dim3A_802 : vector<16xi1>, vector<16xi32>
      %reduce_sum3A_804 = arith.constant true
      %reduce_sum3A_805 = vector.broadcast %reduce_sum3A_804 : i1 to vector<16xi1>
      %reduce_sum3A_806 = tpu.scan <sum>, %select_n3A_803 masked %reduce_sum3A_805 : vector<16xi32>, vector<16xi1> -> vector<16xi32>
      %reduce_sum3A_807 = vector.extract %reduce_sum3A_806[15] : i32 from vector<16xi32>
      %shift_right_arithmetic3A_808 = arith.constant 7 : i32
      %shift_right_arithmetic3A_809 = arith.shrsi %reduce_sum3A_807, %shift_right_arithmetic3A_808 : i32
      %shift_left3A_810 = arith.constant 7 : i32
      %shift_left3A_811 = arith.shli %shift_right_arithmetic3A_809, %shift_left3A_810 : i32
      %multiple_of3A_812 = tpu.assume_multiple %shift_left3A_811, 128 : i32
      %dma_start3A_813 = arith.constant 0 : i32
      %dma_start3A_814 = tpu.memref_slice %arg5[%dma_start3A_813, %multiple_of3A_812] : memref<64x1000000xf32, #tpu.memory_space<hbm>> -> memref<64x128xf32, #tpu.memory_space<hbm>>
      %dma_start3A_815 = arith.constant 0 : i32
      %dma_start3A_816 = tpu.memref_slice %arg5[%dma_start3A_815, %multiple_of3A_812] : memref<64x1000000xf32, #tpu.memory_space<hbm>> -> memref<64x128xf32, #tpu.memory_space<hbm>>
      tpu.enqueue_dma source(%dma_start3A_816 : memref<64x128xf32, #tpu.memory_space<hbm>>) target(%arg16 : memref<64x128xf32, #tpu.memory_space<vmem>>) target_semaphore(%arg28 : memref<!tpu.dma_semaphore, #tpu.memory_space<semaphore_mem>>)
      %and3A_817 = arith.constant 127 : i32
      %and3A_818 = arith.andi %reduce_sum3A_807, %and3A_817 : i32
      %mul3A_819 = arith.constant 16 : i32
      %mul3A_820 = arith.muli %scan3A_428, %mul3A_819 : i32
      %add3A_821 = arith.constant 3 : i32
      %add3A_822 = arith.addi %mul3A_820, %add3A_821 : i32
      %dma_wait3A_823 = arith.constant 0 : i32
      %dma_wait3A_824 = arith.constant 0 : i32
      %dma_wait3A_825 = tpu.memref_slice %arg4[%dma_wait3A_823, %dma_wait3A_824] : memref<64x1000000xf32, #tpu.memory_space<hbm>> -> memref<64x128xf32, #tpu.memory_space<hbm>>
      %dma_wait3A_826 = arith.constant 0 : i32
      %dma_wait3A_827 = arith.constant 0 : i32
      %dma_wait3A_828 = tpu.memref_slice %arg4[%dma_wait3A_826, %dma_wait3A_827] : memref<64x1000000xf32, #tpu.memory_space<hbm>> -> memref<64x128xf32, #tpu.memory_space<hbm>>
      tpu.wait_dma2 semaphore(%arg25 : memref<!tpu.dma_semaphore, #tpu.memory_space<semaphore_mem>>) src(%dma_wait3A_828 : memref<64x128xf32, #tpu.memory_space<hbm>>) dst(%arg13 : memref<64x128xf32, #tpu.memory_space<vmem>>)
      %dma_wait3A_829 = arith.constant 0 : i32
      %dma_wait3A_830 = arith.constant 0 : i32
      %dma_wait3A_831 = tpu.memref_slice %arg5[%dma_wait3A_829, %dma_wait3A_830] : memref<64x1000000xf32, #tpu.memory_space<hbm>> -> memref<64x128xf32, #tpu.memory_space<hbm>>
      %dma_wait3A_832 = arith.constant 0 : i32
      %dma_wait3A_833 = arith.constant 0 : i32
      %dma_wait3A_834 = tpu.memref_slice %arg5[%dma_wait3A_832, %dma_wait3A_833] : memref<64x1000000xf32, #tpu.memory_space<hbm>> -> memref<64x128xf32, #tpu.memory_space<hbm>>
      tpu.wait_dma2 semaphore(%arg29 : memref<!tpu.dma_semaphore, #tpu.memory_space<semaphore_mem>>) src(%dma_wait3A_834 : memref<64x128xf32, #tpu.memory_space<hbm>>) dst(%arg17 : memref<64x128xf32, #tpu.memory_space<vmem>>)
      %broadcast_in_dim3A_835 = arith.constant 0 : i32
      %broadcast_in_dim3A_836 = vector.broadcast %broadcast_in_dim3A_835 : i32 to vector<16xi32>
      %add3A_837 = vector.broadcast %scan3A_432 : i32 to vector<16xi32>
      %add3A_838 = arith.addi %broadcast_in_dim3A_836, %add3A_837 : vector<16xi32>
      %broadcast_in_dim3A_839 = arith.constant 0 : i32
      %broadcast_in_dim3A_840 = vector.broadcast %broadcast_in_dim3A_839 : i32 to vector<16xi32>
      %add3A_841 = vector.broadcast %scan3A_436 : i32 to vector<16xi32>
      %add3A_842 = arith.addi %broadcast_in_dim3A_840, %add3A_841 : vector<16xi32>
      %broadcast_in_dim3A_843 = arith.constant 0.000000e+00 : f32
      %broadcast_in_dim3A_844 = vector.broadcast %broadcast_in_dim3A_843 : f32 to vector<16xf32>
      %add3A_845 = arith.constant 0 : i32
      %add3A_846 = vector.broadcast %add3A_845 : i32 to vector<16xi32>
      %add3A_847 = arith.addi %iota3A, %add3A_846 : vector<16xi32>
      %gather3A_848 = tpu.vector_load_idx %arg13[%add3A_847, %add3A_838] : memref<64x128xf32, #tpu.memory_space<vmem>>[vector<16xi32>, vector<16xi32>], vector<16xf32>,
      %gather3A_849 = tpu.vector_load_idx %arg17[%add3A_847, %add3A_842] : memref<64x128xf32, #tpu.memory_space<vmem>>[vector<16xi32>, vector<16xi32>], vector<16xf32>,
      %mul3A_850 = arith.mulf %gather3A_848, %gather3A_849 : vector<16xf32>
      %add3A_851 = arith.addf %broadcast_in_dim3A_844, %mul3A_850 : vector<16xf32>
      %add3A_852 = arith.constant 16 : i32
      %add3A_853 = vector.broadcast %add3A_852 : i32 to vector<16xi32>
      %add3A_854 = arith.addi %iota3A, %add3A_853 : vector<16xi32>
      %gather3A_855 = tpu.vector_load_idx %arg13[%add3A_854, %add3A_838] : memref<64x128xf32, #tpu.memory_space<vmem>>[vector<16xi32>, vector<16xi32>], vector<16xf32>,
      %gather3A_856 = tpu.vector_load_idx %arg17[%add3A_854, %add3A_842] : memref<64x128xf32, #tpu.memory_space<vmem>>[vector<16xi32>, vector<16xi32>], vector<16xf32>,
      %mul3A_857 = arith.mulf %gather3A_855, %gather3A_856 : vector<16xf32>
      %add3A_858 = arith.addf %add3A_851, %mul3A_857 : vector<16xf32>
      %add3A_859 = arith.constant 32 : i32
      %add3A_860 = vector.broadcast %add3A_859 : i32 to vector<16xi32>
      %add3A_861 = arith.addi %iota3A, %add3A_860 : vector<16xi32>
      %gather3A_862 = tpu.vector_load_idx %arg13[%add3A_861, %add3A_838] : memref<64x128xf32, #tpu.memory_space<vmem>>[vector<16xi32>, vector<16xi32>], vector<16xf32>,
      %gather3A_863 = tpu.vector_load_idx %arg17[%add3A_861, %add3A_842] : memref<64x128xf32, #tpu.memory_space<vmem>>[vector<16xi32>, vector<16xi32>], vector<16xf32>,
      %mul3A_864 = arith.mulf %gather3A_862, %gather3A_863 : vector<16xf32>
      %add3A_865 = arith.addf %add3A_858, %mul3A_864 : vector<16xf32>
      %add3A_866 = arith.constant 48 : i32
      %add3A_867 = vector.broadcast %add3A_866 : i32 to vector<16xi32>
      %add3A_868 = arith.addi %iota3A, %add3A_867 : vector<16xi32>
      %gather3A_869 = tpu.vector_load_idx %arg13[%add3A_868, %add3A_838] : memref<64x128xf32, #tpu.memory_space<vmem>>[vector<16xi32>, vector<16xi32>], vector<16xf32>,
      %gather3A_870 = tpu.vector_load_idx %arg17[%add3A_868, %add3A_842] : memref<64x128xf32, #tpu.memory_space<vmem>>[vector<16xi32>, vector<16xi32>], vector<16xf32>,
      %mul3A_871 = arith.mulf %gather3A_869, %gather3A_870 : vector<16xf32>
      %add3A_872 = arith.addf %add3A_865, %mul3A_871 : vector<16xf32>
      %and3A_873 = arith.constant 15 : i32
      %and3A_874 = arith.andi %add3A_822, %and3A_873 : i32
      %eq3A_875 = vector.broadcast %and3A_874 : i32 to vector<16xi32>
      %eq3A_876 = arith.cmpi eq, %iota3A, %eq3A_875 : vector<16xi32>
      %reduce_sum3A_877 = arith.constant true
      %reduce_sum3A_878 = vector.broadcast %reduce_sum3A_877 : i1 to vector<16xi1>
      %reduce_sum3A_879 = tpu.scan <sum>, %add3A_872 masked %reduce_sum3A_878 : vector<16xf32>, vector<16xi1> -> vector<16xf32>
      %reduce_sum3A_880 = vector.extract %reduce_sum3A_879[15] : f32 from vector<16xf32>
      %broadcast_in_dim3A_881 = vector.broadcast %reduce_sum3A_880 : f32 to vector<16xf32>
      %select_n3A_882 = arith.select %eq3A_876, %broadcast_in_dim3A_881, %select_n3A_756 : vector<16xi1>, vector<16xf32>
      %add3A_883 = arith.constant 4 : i32
      %add3A_884 = arith.addi %add3A_822, %add3A_883 : i32
      %min3A_885 = arith.constant 511 : i32
      %min3A_886 = arith.minsi %add3A_884, %min3A_885 : i32
      %shift_right_arithmetic3A_887 = arith.constant 4 : i32
      %shift_right_arithmetic3A_888 = arith.shrsi %min3A_886, %shift_right_arithmetic3A_887 : i32
      %shift_left3A_889 = arith.constant 4 : i32
      %shift_left3A_890 = arith.shli %shift_right_arithmetic3A_888, %shift_left3A_889 : i32
      %get3A_891 = arith.index_cast %shift_left3A_890 : i32 to index
      %get3A_892 = tpu.vector_load %arg7[%get3A_891] {strides = array<i32>} : memref<512xi32, #tpu.memory_space<vmem>>, vector<16xi32>,
      %sub3A_893 = arith.subi %min3A_886, %shift_left3A_890 : i32
      %eq3A_894 = vector.broadcast %sub3A_893 : i32 to vector<16xi32>
      %eq3A_895 = arith.cmpi eq, %iota3A, %eq3A_894 : vector<16xi32>
      %jit3A_896 = arith.constant 0 : i32
      %broadcast_in_dim3A_897 = vector.broadcast %jit3A_896 : i32 to vector<16xi32>
      %select_n3A_898 = arith.select %eq3A_895, %get3A_892, %broadcast_in_dim3A_897 : vector<16xi1>, vector<16xi32>
      %reduce_sum3A_899 = arith.constant true
      %reduce_sum3A_900 = vector.broadcast %reduce_sum3A_899 : i1 to vector<16xi1>
      %reduce_sum3A_901 = tpu.scan <sum>, %select_n3A_898 masked %reduce_sum3A_900 : vector<16xi32>, vector<16xi1> -> vector<16xi32>
      %reduce_sum3A_902 = vector.extract %reduce_sum3A_901[15] : i32 from vector<16xi32>
      %shift_right_arithmetic3A_903 = arith.constant 7 : i32
      %shift_right_arithmetic3A_904 = arith.shrsi %reduce_sum3A_902, %shift_right_arithmetic3A_903 : i32
      %shift_left3A_905 = arith.constant 7 : i32
      %shift_left3A_906 = arith.shli %shift_right_arithmetic3A_904, %shift_left3A_905 : i32
      %multiple_of3A_907 = tpu.assume_multiple %shift_left3A_906, 128 : i32
      %dma_start3A_908 = arith.constant 0 : i32
      %dma_start3A_909 = tpu.memref_slice %arg4[%dma_start3A_908, %multiple_of3A_907] : memref<64x1000000xf32, #tpu.memory_space<hbm>> -> memref<64x128xf32, #tpu.memory_space<hbm>>
      %dma_start3A_910 = arith.constant 0 : i32
      %dma_start3A_911 = tpu.memref_slice %arg4[%dma_start3A_910, %multiple_of3A_907] : memref<64x1000000xf32, #tpu.memory_space<hbm>> -> memref<64x128xf32, #tpu.memory_space<hbm>>
      tpu.enqueue_dma source(%dma_start3A_911 : memref<64x128xf32, #tpu.memory_space<hbm>>) target(%arg13 : memref<64x128xf32, #tpu.memory_space<vmem>>) target_semaphore(%arg25 : memref<!tpu.dma_semaphore, #tpu.memory_space<semaphore_mem>>)
      %and3A_912 = arith.constant 127 : i32
      %and3A_913 = arith.andi %reduce_sum3A_902, %and3A_912 : i32
      %add3A_914 = arith.constant 8 : i32
      %add3A_915 = arith.addi %add3A_822, %add3A_914 : i32
      %min3A_916 = arith.constant 511 : i32
      %min3A_917 = arith.minsi %add3A_915, %min3A_916 : i32
      %shift_right_arithmetic3A_918 = arith.constant 4 : i32
      %shift_right_arithmetic3A_919 = arith.shrsi %min3A_917, %shift_right_arithmetic3A_918 : i32
      %shift_left3A_920 = arith.constant 4 : i32
      %shift_left3A_921 = arith.shli %shift_right_arithmetic3A_919, %shift_left3A_920 : i32
      %get3A_922 = arith.index_cast %shift_left3A_921 : i32 to index
      %get3A_923 = tpu.vector_load %arg8[%get3A_922] {strides = array<i32>} : memref<512xi32, #tpu.memory_space<vmem>>, vector<16xi32>,
      %sub3A_924 = arith.subi %min3A_917, %shift_left3A_921 : i32
      %eq3A_925 = vector.broadcast %sub3A_924 : i32 to vector<16xi32>
      %eq3A_926 = arith.cmpi eq, %iota3A, %eq3A_925 : vector<16xi32>
      %jit3A_927 = arith.constant 0 : i32
      %broadcast_in_dim3A_928 = vector.broadcast %jit3A_927 : i32 to vector<16xi32>
      %select_n3A_929 = arith.select %eq3A_926, %get3A_923, %broadcast_in_dim3A_928 : vector<16xi1>, vector<16xi32>
      %reduce_sum3A_930 = arith.constant true
      %reduce_sum3A_931 = vector.broadcast %reduce_sum3A_930 : i1 to vector<16xi1>
      %reduce_sum3A_932 = tpu.scan <sum>, %select_n3A_929 masked %reduce_sum3A_931 : vector<16xi32>, vector<16xi1> -> vector<16xi32>
      %reduce_sum3A_933 = vector.extract %reduce_sum3A_932[15] : i32 from vector<16xi32>
      %shift_right_arithmetic3A_934 = arith.constant 7 : i32
      %shift_right_arithmetic3A_935 = arith.shrsi %reduce_sum3A_933, %shift_right_arithmetic3A_934 : i32
      %shift_left3A_936 = arith.constant 7 : i32
      %shift_left3A_937 = arith.shli %shift_right_arithmetic3A_935, %shift_left3A_936 : i32
      %multiple_of3A_938 = tpu.assume_multiple %shift_left3A_937, 128 : i32
      %dma_start3A_939 = arith.constant 0 : i32
      %dma_start3A_940 = tpu.memref_slice %arg5[%dma_start3A_939, %multiple_of3A_938] : memref<64x1000000xf32, #tpu.memory_space<hbm>> -> memref<64x128xf32, #tpu.memory_space<hbm>>
      %dma_start3A_941 = arith.constant 0 : i32
      %dma_start3A_942 = tpu.memref_slice %arg5[%dma_start3A_941, %multiple_of3A_938] : memref<64x1000000xf32, #tpu.memory_space<hbm>> -> memref<64x128xf32, #tpu.memory_space<hbm>>
      tpu.enqueue_dma source(%dma_start3A_942 : memref<64x128xf32, #tpu.memory_space<hbm>>) target(%arg17 : memref<64x128xf32, #tpu.memory_space<vmem>>) target_semaphore(%arg29 : memref<!tpu.dma_semaphore, #tpu.memory_space<semaphore_mem>>)
      %and3A_943 = arith.constant 127 : i32
      %and3A_944 = arith.andi %reduce_sum3A_933, %and3A_943 : i32
      %mul3A_945 = arith.constant 16 : i32
      %mul3A_946 = arith.muli %scan3A_428, %mul3A_945 : i32
      %add3A_947 = arith.constant 4 : i32
      %add3A_948 = arith.addi %mul3A_946, %add3A_947 : i32
      %dma_wait3A_949 = arith.constant 0 : i32
      %dma_wait3A_950 = arith.constant 0 : i32
      %dma_wait3A_951 = tpu.memref_slice %arg4[%dma_wait3A_949, %dma_wait3A_950] : memref<64x1000000xf32, #tpu.memory_space<hbm>> -> memref<64x128xf32, #tpu.memory_space<hbm>>
      %dma_wait3A_952 = arith.constant 0 : i32
      %dma_wait3A_953 = arith.constant 0 : i32
      %dma_wait3A_954 = tpu.memref_slice %arg4[%dma_wait3A_952, %dma_wait3A_953] : memref<64x1000000xf32, #tpu.memory_space<hbm>> -> memref<64x128xf32, #tpu.memory_space<hbm>>
      tpu.wait_dma2 semaphore(%arg22 : memref<!tpu.dma_semaphore, #tpu.memory_space<semaphore_mem>>) src(%dma_wait3A_954 : memref<64x128xf32, #tpu.memory_space<hbm>>) dst(%arg10 : memref<64x128xf32, #tpu.memory_space<vmem>>)
      %dma_wait3A_955 = arith.constant 0 : i32
      %dma_wait3A_956 = arith.constant 0 : i32
      %dma_wait3A_957 = tpu.memref_slice %arg5[%dma_wait3A_955, %dma_wait3A_956] : memref<64x1000000xf32, #tpu.memory_space<hbm>> -> memref<64x128xf32, #tpu.memory_space<hbm>>
      %dma_wait3A_958 = arith.constant 0 : i32
      %dma_wait3A_959 = arith.constant 0 : i32
      %dma_wait3A_960 = tpu.memref_slice %arg5[%dma_wait3A_958, %dma_wait3A_959] : memref<64x1000000xf32, #tpu.memory_space<hbm>> -> memref<64x128xf32, #tpu.memory_space<hbm>>
      tpu.wait_dma2 semaphore(%arg30 : memref<!tpu.dma_semaphore, #tpu.memory_space<semaphore_mem>>) src(%dma_wait3A_960 : memref<64x128xf32, #tpu.memory_space<hbm>>) dst(%arg18 : memref<64x128xf32, #tpu.memory_space<vmem>>)
      %broadcast_in_dim3A_961 = arith.constant 0 : i32
      %broadcast_in_dim3A_962 = vector.broadcast %broadcast_in_dim3A_961 : i32 to vector<16xi32>
      %add3A_963 = vector.broadcast %and3A_535 : i32 to vector<16xi32>
      %add3A_964 = arith.addi %broadcast_in_dim3A_962, %add3A_963 : vector<16xi32>
      %broadcast_in_dim3A_965 = arith.constant 0 : i32
      %broadcast_in_dim3A_966 = vector.broadcast %broadcast_in_dim3A_965 : i32 to vector<16xi32>
      %add3A_967 = vector.broadcast %scan3A_437 : i32 to vector<16xi32>
      %add3A_968 = arith.addi %broadcast_in_dim3A_966, %add3A_967 : vector<16xi32>
      %broadcast_in_dim3A_969 = arith.constant 0.000000e+00 : f32
      %broadcast_in_dim3A_970 = vector.broadcast %broadcast_in_dim3A_969 : f32 to vector<16xf32>
      %add3A_971 = arith.constant 0 : i32
      %add3A_972 = vector.broadcast %add3A_971 : i32 to vector<16xi32>
      %add3A_973 = arith.addi %iota3A, %add3A_972 : vector<16xi32>
      %gather3A_974 = tpu.vector_load_idx %arg10[%add3A_973, %add3A_964] : memref<64x128xf32, #tpu.memory_space<vmem>>[vector<16xi32>, vector<16xi32>], vector<16xf32>,
      %gather3A_975 = tpu.vector_load_idx %arg18[%add3A_973, %add3A_968] : memref<64x128xf32, #tpu.memory_space<vmem>>[vector<16xi32>, vector<16xi32>], vector<16xf32>,
      %mul3A_976 = arith.mulf %gather3A_974, %gather3A_975 : vector<16xf32>
      %add3A_977 = arith.addf %broadcast_in_dim3A_970, %mul3A_976 : vector<16xf32>
      %add3A_978 = arith.constant 16 : i32
      %add3A_979 = vector.broadcast %add3A_978 : i32 to vector<16xi32>
      %add3A_980 = arith.addi %iota3A, %add3A_979 : vector<16xi32>
      %gather3A_981 = tpu.vector_load_idx %arg10[%add3A_980, %add3A_964] : memref<64x128xf32, #tpu.memory_space<vmem>>[vector<16xi32>, vector<16xi32>], vector<16xf32>,
      %gather3A_982 = tpu.vector_load_idx %arg18[%add3A_980, %add3A_968] : memref<64x128xf32, #tpu.memory_space<vmem>>[vector<16xi32>, vector<16xi32>], vector<16xf32>,
      %mul3A_983 = arith.mulf %gather3A_981, %gather3A_982 : vector<16xf32>
      %add3A_984 = arith.addf %add3A_977, %mul3A_983 : vector<16xf32>
      %add3A_985 = arith.constant 32 : i32
      %add3A_986 = vector.broadcast %add3A_985 : i32 to vector<16xi32>
      %add3A_987 = arith.addi %iota3A, %add3A_986 : vector<16xi32>
      %gather3A_988 = tpu.vector_load_idx %arg10[%add3A_987, %add3A_964] : memref<64x128xf32, #tpu.memory_space<vmem>>[vector<16xi32>, vector<16xi32>], vector<16xf32>,
      %gather3A_989 = tpu.vector_load_idx %arg18[%add3A_987, %add3A_968] : memref<64x128xf32, #tpu.memory_space<vmem>>[vector<16xi32>, vector<16xi32>], vector<16xf32>,
      %mul3A_990 = arith.mulf %gather3A_988, %gather3A_989 : vector<16xf32>
      %add3A_991 = arith.addf %add3A_984, %mul3A_990 : vector<16xf32>
      %add3A_992 = arith.constant 48 : i32
      %add3A_993 = vector.broadcast %add3A_992 : i32 to vector<16xi32>
      %add3A_994 = arith.addi %iota3A, %add3A_993 : vector<16xi32>
      %gather3A_995 = tpu.vector_load_idx %arg10[%add3A_994, %add3A_964] : memref<64x128xf32, #tpu.memory_space<vmem>>[vector<16xi32>, vector<16xi32>], vector<16xf32>,
      %gather3A_996 = tpu.vector_load_idx %arg18[%add3A_994, %add3A_968] : memref<64x128xf32, #tpu.memory_space<vmem>>[vector<16xi32>, vector<16xi32>], vector<16xf32>,
      %mul3A_997 = arith.mulf %gather3A_995, %gather3A_996 : vector<16xf32>
      %add3A_998 = arith.addf %add3A_991, %mul3A_997 : vector<16xf32>
      %and3A_999 = arith.constant 15 : i32
      %and3A_1000 = arith.andi %add3A_948, %and3A_999 : i32
      %eq3A_1001 = vector.broadcast %and3A_1000 : i32 to vector<16xi32>
      %eq3A_1002 = arith.cmpi eq, %iota3A, %eq3A_1001 : vector<16xi32>
      %reduce_sum3A_1003 = arith.constant true
      %reduce_sum3A_1004 = vector.broadcast %reduce_sum3A_1003 : i1 to vector<16xi1>
      %reduce_sum3A_1005 = tpu.scan <sum>, %add3A_998 masked %reduce_sum3A_1004 : vector<16xf32>, vector<16xi1> -> vector<16xf32>
      %reduce_sum3A_1006 = vector.extract %reduce_sum3A_1005[15] : f32 from vector<16xf32>
      %broadcast_in_dim3A_1007 = vector.broadcast %reduce_sum3A_1006 : f32 to vector<16xf32>
      %select_n3A_1008 = arith.select %eq3A_1002, %broadcast_in_dim3A_1007, %select_n3A_882 : vector<16xi1>, vector<16xf32>
      %add3A_1009 = arith.constant 4 : i32
      %add3A_1010 = arith.addi %add3A_948, %add3A_1009 : i32
      %min3A_1011 = arith.constant 511 : i32
      %min3A_1012 = arith.minsi %add3A_1010, %min3A_1011 : i32
      %shift_right_arithmetic3A_1013 = arith.constant 4 : i32
      %shift_right_arithmetic3A_1014 = arith.shrsi %min3A_1012, %shift_right_arithmetic3A_1013 : i32
      %shift_left3A_1015 = arith.constant 4 : i32
      %shift_left3A_1016 = arith.shli %shift_right_arithmetic3A_1014, %shift_left3A_1015 : i32
      %get3A_1017 = arith.index_cast %shift_left3A_1016 : i32 to index
      %get3A_1018 = tpu.vector_load %arg7[%get3A_1017] {strides = array<i32>} : memref<512xi32, #tpu.memory_space<vmem>>, vector<16xi32>,
      %sub3A_1019 = arith.subi %min3A_1012, %shift_left3A_1016 : i32
      %eq3A_1020 = vector.broadcast %sub3A_1019 : i32 to vector<16xi32>
      %eq3A_1021 = arith.cmpi eq, %iota3A, %eq3A_1020 : vector<16xi32>
      %jit3A_1022 = arith.constant 0 : i32
      %broadcast_in_dim3A_1023 = vector.broadcast %jit3A_1022 : i32 to vector<16xi32>
      %select_n3A_1024 = arith.select %eq3A_1021, %get3A_1018, %broadcast_in_dim3A_1023 : vector<16xi1>, vector<16xi32>
      %reduce_sum3A_1025 = arith.constant true
      %reduce_sum3A_1026 = vector.broadcast %reduce_sum3A_1025 : i1 to vector<16xi1>
      %reduce_sum3A_1027 = tpu.scan <sum>, %select_n3A_1024 masked %reduce_sum3A_1026 : vector<16xi32>, vector<16xi1> -> vector<16xi32>
      %reduce_sum3A_1028 = vector.extract %reduce_sum3A_1027[15] : i32 from vector<16xi32>
      %shift_right_arithmetic3A_1029 = arith.constant 7 : i32
      %shift_right_arithmetic3A_1030 = arith.shrsi %reduce_sum3A_1028, %shift_right_arithmetic3A_1029 : i32
      %shift_left3A_1031 = arith.constant 7 : i32
      %shift_left3A_1032 = arith.shli %shift_right_arithmetic3A_1030, %shift_left3A_1031 : i32
      %multiple_of3A_1033 = tpu.assume_multiple %shift_left3A_1032, 128 : i32
      %dma_start3A_1034 = arith.constant 0 : i32
      %dma_start3A_1035 = tpu.memref_slice %arg4[%dma_start3A_1034, %multiple_of3A_1033] : memref<64x1000000xf32, #tpu.memory_space<hbm>> -> memref<64x128xf32, #tpu.memory_space<hbm>>
      %dma_start3A_1036 = arith.constant 0 : i32
      %dma_start3A_1037 = tpu.memref_slice %arg4[%dma_start3A_1036, %multiple_of3A_1033] : memref<64x1000000xf32, #tpu.memory_space<hbm>> -> memref<64x128xf32, #tpu.memory_space<hbm>>
      tpu.enqueue_dma source(%dma_start3A_1037 : memref<64x128xf32, #tpu.memory_space<hbm>>) target(%arg10 : memref<64x128xf32, #tpu.memory_space<vmem>>) target_semaphore(%arg22 : memref<!tpu.dma_semaphore, #tpu.memory_space<semaphore_mem>>)
      %and3A_1038 = arith.constant 127 : i32
      %and3A_1039 = arith.andi %reduce_sum3A_1028, %and3A_1038 : i32
      %add3A_1040 = arith.constant 8 : i32
      %add3A_1041 = arith.addi %add3A_948, %add3A_1040 : i32
      %min3A_1042 = arith.constant 511 : i32
      %min3A_1043 = arith.minsi %add3A_1041, %min3A_1042 : i32
      %shift_right_arithmetic3A_1044 = arith.constant 4 : i32
      %shift_right_arithmetic3A_1045 = arith.shrsi %min3A_1043, %shift_right_arithmetic3A_1044 : i32
      %shift_left3A_1046 = arith.constant 4 : i32
      %shift_left3A_1047 = arith.shli %shift_right_arithmetic3A_1045, %shift_left3A_1046 : i32
      %get3A_1048 = arith.index_cast %shift_left3A_1047 : i32 to index
      %get3A_1049 = tpu.vector_load %arg8[%get3A_1048] {strides = array<i32>} : memref<512xi32, #tpu.memory_space<vmem>>, vector<16xi32>,
      %sub3A_1050 = arith.subi %min3A_1043, %shift_left3A_1047 : i32
      %eq3A_1051 = vector.broadcast %sub3A_1050 : i32 to vector<16xi32>
      %eq3A_1052 = arith.cmpi eq, %iota3A, %eq3A_1051 : vector<16xi32>
      %jit3A_1053 = arith.constant 0 : i32
      %broadcast_in_dim3A_1054 = vector.broadcast %jit3A_1053 : i32 to vector<16xi32>
      %select_n3A_1055 = arith.select %eq3A_1052, %get3A_1049, %broadcast_in_dim3A_1054 : vector<16xi1>, vector<16xi32>
      %reduce_sum3A_1056 = arith.constant true
      %reduce_sum3A_1057 = vector.broadcast %reduce_sum3A_1056 : i1 to vector<16xi1>
      %reduce_sum3A_1058 = tpu.scan <sum>, %select_n3A_1055 masked %reduce_sum3A_1057 : vector<16xi32>, vector<16xi1> -> vector<16xi32>
      %reduce_sum3A_1059 = vector.extract %reduce_sum3A_1058[15] : i32 from vector<16xi32>
      %shift_right_arithmetic3A_1060 = arith.constant 7 : i32
      %shift_right_arithmetic3A_1061 = arith.shrsi %reduce_sum3A_1059, %shift_right_arithmetic3A_1060 : i32
      %shift_left3A_1062 = arith.constant 7 : i32
      %shift_left3A_1063 = arith.shli %shift_right_arithmetic3A_1061, %shift_left3A_1062 : i32
      %multiple_of3A_1064 = tpu.assume_multiple %shift_left3A_1063, 128 : i32
      %dma_start3A_1065 = arith.constant 0 : i32
      %dma_start3A_1066 = tpu.memref_slice %arg5[%dma_start3A_1065, %multiple_of3A_1064] : memref<64x1000000xf32, #tpu.memory_space<hbm>> -> memref<64x128xf32, #tpu.memory_space<hbm>>
      %dma_start3A_1067 = arith.constant 0 : i32
      %dma_start3A_1068 = tpu.memref_slice %arg5[%dma_start3A_1067, %multiple_of3A_1064] : memref<64x1000000xf32, #tpu.memory_space<hbm>> -> memref<64x128xf32, #tpu.memory_space<hbm>>
      tpu.enqueue_dma source(%dma_start3A_1068 : memref<64x128xf32, #tpu.memory_space<hbm>>) target(%arg18 : memref<64x128xf32, #tpu.memory_space<vmem>>) target_semaphore(%arg30 : memref<!tpu.dma_semaphore, #tpu.memory_space<semaphore_mem>>)
      %and3A_1069 = arith.constant 127 : i32
      %and3A_1070 = arith.andi %reduce_sum3A_1059, %and3A_1069 : i32
      %mul3A_1071 = arith.constant 16 : i32
      %mul3A_1072 = arith.muli %scan3A_428, %mul3A_1071 : i32
      %add3A_1073 = arith.constant 5 : i32
      %add3A_1074 = arith.addi %mul3A_1072, %add3A_1073 : i32
      %dma_wait3A_1075 = arith.constant 0 : i32
      %dma_wait3A_1076 = arith.constant 0 : i32
      %dma_wait3A_1077 = tpu.memref_slice %arg4[%dma_wait3A_1075, %dma_wait3A_1076] : memref<64x1000000xf32, #tpu.memory_space<hbm>> -> memref<64x128xf32, #tpu.memory_space<hbm>>
      %dma_wait3A_1078 = arith.constant 0 : i32
      %dma_wait3A_1079 = arith.constant 0 : i32
      %dma_wait3A_1080 = tpu.memref_slice %arg4[%dma_wait3A_1078, %dma_wait3A_1079] : memref<64x1000000xf32, #tpu.memory_space<hbm>> -> memref<64x128xf32, #tpu.memory_space<hbm>>
      tpu.wait_dma2 semaphore(%arg23 : memref<!tpu.dma_semaphore, #tpu.memory_space<semaphore_mem>>) src(%dma_wait3A_1080 : memref<64x128xf32, #tpu.memory_space<hbm>>) dst(%arg11 : memref<64x128xf32, #tpu.memory_space<vmem>>)
      %dma_wait3A_1081 = arith.constant 0 : i32
      %dma_wait3A_1082 = arith.constant 0 : i32
      %dma_wait3A_1083 = tpu.memref_slice %arg5[%dma_wait3A_1081, %dma_wait3A_1082] : memref<64x1000000xf32, #tpu.memory_space<hbm>> -> memref<64x128xf32, #tpu.memory_space<hbm>>
      %dma_wait3A_1084 = arith.constant 0 : i32
      %dma_wait3A_1085 = arith.constant 0 : i32
      %dma_wait3A_1086 = tpu.memref_slice %arg5[%dma_wait3A_1084, %dma_wait3A_1085] : memref<64x1000000xf32, #tpu.memory_space<hbm>> -> memref<64x128xf32, #tpu.memory_space<hbm>>
      tpu.wait_dma2 semaphore(%arg31 : memref<!tpu.dma_semaphore, #tpu.memory_space<semaphore_mem>>) src(%dma_wait3A_1086 : memref<64x128xf32, #tpu.memory_space<hbm>>) dst(%arg19 : memref<64x128xf32, #tpu.memory_space<vmem>>)
      %broadcast_in_dim3A_1087 = arith.constant 0 : i32
      %broadcast_in_dim3A_1088 = vector.broadcast %broadcast_in_dim3A_1087 : i32 to vector<16xi32>
      %add3A_1089 = vector.broadcast %and3A_661 : i32 to vector<16xi32>
      %add3A_1090 = arith.addi %broadcast_in_dim3A_1088, %add3A_1089 : vector<16xi32>
      %broadcast_in_dim3A_1091 = arith.constant 0 : i32
      %broadcast_in_dim3A_1092 = vector.broadcast %broadcast_in_dim3A_1091 : i32 to vector<16xi32>
      %add3A_1093 = vector.broadcast %scan3A_438 : i32 to vector<16xi32>
      %add3A_1094 = arith.addi %broadcast_in_dim3A_1092, %add3A_1093 : vector<16xi32>
      %broadcast_in_dim3A_1095 = arith.constant 0.000000e+00 : f32
      %broadcast_in_dim3A_1096 = vector.broadcast %broadcast_in_dim3A_1095 : f32 to vector<16xf32>
      %add3A_1097 = arith.constant 0 : i32
      %add3A_1098 = vector.broadcast %add3A_1097 : i32 to vector<16xi32>
      %add3A_1099 = arith.addi %iota3A, %add3A_1098 : vector<16xi32>
      %gather3A_1100 = tpu.vector_load_idx %arg11[%add3A_1099, %add3A_1090] : memref<64x128xf32, #tpu.memory_space<vmem>>[vector<16xi32>, vector<16xi32>], vector<16xf32>,
      %gather3A_1101 = tpu.vector_load_idx %arg19[%add3A_1099, %add3A_1094] : memref<64x128xf32, #tpu.memory_space<vmem>>[vector<16xi32>, vector<16xi32>], vector<16xf32>,
      %mul3A_1102 = arith.mulf %gather3A_1100, %gather3A_1101 : vector<16xf32>
      %add3A_1103 = arith.addf %broadcast_in_dim3A_1096, %mul3A_1102 : vector<16xf32>
      %add3A_1104 = arith.constant 16 : i32
      %add3A_1105 = vector.broadcast %add3A_1104 : i32 to vector<16xi32>
      %add3A_1106 = arith.addi %iota3A, %add3A_1105 : vector<16xi32>
      %gather3A_1107 = tpu.vector_load_idx %arg11[%add3A_1106, %add3A_1090] : memref<64x128xf32, #tpu.memory_space<vmem>>[vector<16xi32>, vector<16xi32>], vector<16xf32>,
      %gather3A_1108 = tpu.vector_load_idx %arg19[%add3A_1106, %add3A_1094] : memref<64x128xf32, #tpu.memory_space<vmem>>[vector<16xi32>, vector<16xi32>], vector<16xf32>,
      %mul3A_1109 = arith.mulf %gather3A_1107, %gather3A_1108 : vector<16xf32>
      %add3A_1110 = arith.addf %add3A_1103, %mul3A_1109 : vector<16xf32>
      %add3A_1111 = arith.constant 32 : i32
      %add3A_1112 = vector.broadcast %add3A_1111 : i32 to vector<16xi32>
      %add3A_1113 = arith.addi %iota3A, %add3A_1112 : vector<16xi32>
      %gather3A_1114 = tpu.vector_load_idx %arg11[%add3A_1113, %add3A_1090] : memref<64x128xf32, #tpu.memory_space<vmem>>[vector<16xi32>, vector<16xi32>], vector<16xf32>,
      %gather3A_1115 = tpu.vector_load_idx %arg19[%add3A_1113, %add3A_1094] : memref<64x128xf32, #tpu.memory_space<vmem>>[vector<16xi32>, vector<16xi32>], vector<16xf32>,
      %mul3A_1116 = arith.mulf %gather3A_1114, %gather3A_1115 : vector<16xf32>
      %add3A_1117 = arith.addf %add3A_1110, %mul3A_1116 : vector<16xf32>
      %add3A_1118 = arith.constant 48 : i32
      %add3A_1119 = vector.broadcast %add3A_1118 : i32 to vector<16xi32>
      %add3A_1120 = arith.addi %iota3A, %add3A_1119 : vector<16xi32>
      %gather3A_1121 = tpu.vector_load_idx %arg11[%add3A_1120, %add3A_1090] : memref<64x128xf32, #tpu.memory_space<vmem>>[vector<16xi32>, vector<16xi32>], vector<16xf32>,
      %gather3A_1122 = tpu.vector_load_idx %arg19[%add3A_1120, %add3A_1094] : memref<64x128xf32, #tpu.memory_space<vmem>>[vector<16xi32>, vector<16xi32>], vector<16xf32>,
      %mul3A_1123 = arith.mulf %gather3A_1121, %gather3A_1122 : vector<16xf32>
      %add3A_1124 = arith.addf %add3A_1117, %mul3A_1123 : vector<16xf32>
      %and3A_1125 = arith.constant 15 : i32
      %and3A_1126 = arith.andi %add3A_1074, %and3A_1125 : i32
      %eq3A_1127 = vector.broadcast %and3A_1126 : i32 to vector<16xi32>
      %eq3A_1128 = arith.cmpi eq, %iota3A, %eq3A_1127 : vector<16xi32>
      %reduce_sum3A_1129 = arith.constant true
      %reduce_sum3A_1130 = vector.broadcast %reduce_sum3A_1129 : i1 to vector<16xi1>
      %reduce_sum3A_1131 = tpu.scan <sum>, %add3A_1124 masked %reduce_sum3A_1130 : vector<16xf32>, vector<16xi1> -> vector<16xf32>
      %reduce_sum3A_1132 = vector.extract %reduce_sum3A_1131[15] : f32 from vector<16xf32>
      %broadcast_in_dim3A_1133 = vector.broadcast %reduce_sum3A_1132 : f32 to vector<16xf32>
      %select_n3A_1134 = arith.select %eq3A_1128, %broadcast_in_dim3A_1133, %select_n3A_1008 : vector<16xi1>, vector<16xf32>
      %add3A_1135 = arith.constant 4 : i32
      %add3A_1136 = arith.addi %add3A_1074, %add3A_1135 : i32
      %min3A_1137 = arith.constant 511 : i32
      %min3A_1138 = arith.minsi %add3A_1136, %min3A_1137 : i32
      %shift_right_arithmetic3A_1139 = arith.constant 4 : i32
      %shift_right_arithmetic3A_1140 = arith.shrsi %min3A_1138, %shift_right_arithmetic3A_1139 : i32
      %shift_left3A_1141 = arith.constant 4 : i32
      %shift_left3A_1142 = arith.shli %shift_right_arithmetic3A_1140, %shift_left3A_1141 : i32
      %get3A_1143 = arith.index_cast %shift_left3A_1142 : i32 to index
      %get3A_1144 = tpu.vector_load %arg7[%get3A_1143] {strides = array<i32>} : memref<512xi32, #tpu.memory_space<vmem>>, vector<16xi32>,
      %sub3A_1145 = arith.subi %min3A_1138, %shift_left3A_1142 : i32
      %eq3A_1146 = vector.broadcast %sub3A_1145 : i32 to vector<16xi32>
      %eq3A_1147 = arith.cmpi eq, %iota3A, %eq3A_1146 : vector<16xi32>
      %jit3A_1148 = arith.constant 0 : i32
      %broadcast_in_dim3A_1149 = vector.broadcast %jit3A_1148 : i32 to vector<16xi32>
      %select_n3A_1150 = arith.select %eq3A_1147, %get3A_1144, %broadcast_in_dim3A_1149 : vector<16xi1>, vector<16xi32>
      %reduce_sum3A_1151 = arith.constant true
      %reduce_sum3A_1152 = vector.broadcast %reduce_sum3A_1151 : i1 to vector<16xi1>
      %reduce_sum3A_1153 = tpu.scan <sum>, %select_n3A_1150 masked %reduce_sum3A_1152 : vector<16xi32>, vector<16xi1> -> vector<16xi32>
      %reduce_sum3A_1154 = vector.extract %reduce_sum3A_1153[15] : i32 from vector<16xi32>
      %shift_right_arithmetic3A_1155 = arith.constant 7 : i32
      %shift_right_arithmetic3A_1156 = arith.shrsi %reduce_sum3A_1154, %shift_right_arithmetic3A_1155 : i32
      %shift_left3A_1157 = arith.constant 7 : i32
      %shift_left3A_1158 = arith.shli %shift_right_arithmetic3A_1156, %shift_left3A_1157 : i32
      %multiple_of3A_1159 = tpu.assume_multiple %shift_left3A_1158, 128 : i32
      %dma_start3A_1160 = arith.constant 0 : i32
      %dma_start3A_1161 = tpu.memref_slice %arg4[%dma_start3A_1160, %multiple_of3A_1159] : memref<64x1000000xf32, #tpu.memory_space<hbm>> -> memref<64x128xf32, #tpu.memory_space<hbm>>
      %dma_start3A_1162 = arith.constant 0 : i32
      %dma_start3A_1163 = tpu.memref_slice %arg4[%dma_start3A_1162, %multiple_of3A_1159] : memref<64x1000000xf32, #tpu.memory_space<hbm>> -> memref<64x128xf32, #tpu.memory_space<hbm>>
      tpu.enqueue_dma source(%dma_start3A_1163 : memref<64x128xf32, #tpu.memory_space<hbm>>) target(%arg11 : memref<64x128xf32, #tpu.memory_space<vmem>>) target_semaphore(%arg23 : memref<!tpu.dma_semaphore, #tpu.memory_space<semaphore_mem>>)
      %and3A_1164 = arith.constant 127 : i32
      %and3A_1165 = arith.andi %reduce_sum3A_1154, %and3A_1164 : i32
      %add3A_1166 = arith.constant 8 : i32
      %add3A_1167 = arith.addi %add3A_1074, %add3A_1166 : i32
      %min3A_1168 = arith.constant 511 : i32
      %min3A_1169 = arith.minsi %add3A_1167, %min3A_1168 : i32
      %shift_right_arithmetic3A_1170 = arith.constant 4 : i32
      %shift_right_arithmetic3A_1171 = arith.shrsi %min3A_1169, %shift_right_arithmetic3A_1170 : i32
      %shift_left3A_1172 = arith.constant 4 : i32
      %shift_left3A_1173 = arith.shli %shift_right_arithmetic3A_1171, %shift_left3A_1172 : i32
      %get3A_1174 = arith.index_cast %shift_left3A_1173 : i32 to index
      %get3A_1175 = tpu.vector_load %arg8[%get3A_1174] {strides = array<i32>} : memref<512xi32, #tpu.memory_space<vmem>>, vector<16xi32>,
      %sub3A_1176 = arith.subi %min3A_1169, %shift_left3A_1173 : i32
      %eq3A_1177 = vector.broadcast %sub3A_1176 : i32 to vector<16xi32>
      %eq3A_1178 = arith.cmpi eq, %iota3A, %eq3A_1177 : vector<16xi32>
      %jit3A_1179 = arith.constant 0 : i32
      %broadcast_in_dim3A_1180 = vector.broadcast %jit3A_1179 : i32 to vector<16xi32>
      %select_n3A_1181 = arith.select %eq3A_1178, %get3A_1175, %broadcast_in_dim3A_1180 : vector<16xi1>, vector<16xi32>
      %reduce_sum3A_1182 = arith.constant true
      %reduce_sum3A_1183 = vector.broadcast %reduce_sum3A_1182 : i1 to vector<16xi1>
      %reduce_sum3A_1184 = tpu.scan <sum>, %select_n3A_1181 masked %reduce_sum3A_1183 : vector<16xi32>, vector<16xi1> -> vector<16xi32>
      %reduce_sum3A_1185 = vector.extract %reduce_sum3A_1184[15] : i32 from vector<16xi32>
      %shift_right_arithmetic3A_1186 = arith.constant 7 : i32
      %shift_right_arithmetic3A_1187 = arith.shrsi %reduce_sum3A_1185, %shift_right_arithmetic3A_1186 : i32
      %shift_left3A_1188 = arith.constant 7 : i32
      %shift_left3A_1189 = arith.shli %shift_right_arithmetic3A_1187, %shift_left3A_1188 : i32
      %multiple_of3A_1190 = tpu.assume_multiple %shift_left3A_1189, 128 : i32
      %dma_start3A_1191 = arith.constant 0 : i32
      %dma_start3A_1192 = tpu.memref_slice %arg5[%dma_start3A_1191, %multiple_of3A_1190] : memref<64x1000000xf32, #tpu.memory_space<hbm>> -> memref<64x128xf32, #tpu.memory_space<hbm>>
      %dma_start3A_1193 = arith.constant 0 : i32
      %dma_start3A_1194 = tpu.memref_slice %arg5[%dma_start3A_1193, %multiple_of3A_1190] : memref<64x1000000xf32, #tpu.memory_space<hbm>> -> memref<64x128xf32, #tpu.memory_space<hbm>>
      tpu.enqueue_dma source(%dma_start3A_1194 : memref<64x128xf32, #tpu.memory_space<hbm>>) target(%arg19 : memref<64x128xf32, #tpu.memory_space<vmem>>) target_semaphore(%arg31 : memref<!tpu.dma_semaphore, #tpu.memory_space<semaphore_mem>>)
      %and3A_1195 = arith.constant 127 : i32
      %and3A_1196 = arith.andi %reduce_sum3A_1185, %and3A_1195 : i32
      %mul3A_1197 = arith.constant 16 : i32
      %mul3A_1198 = arith.muli %scan3A_428, %mul3A_1197 : i32
      %add3A_1199 = arith.constant 6 : i32
      %add3A_1200 = arith.addi %mul3A_1198, %add3A_1199 : i32
      %dma_wait3A_1201 = arith.constant 0 : i32
      %dma_wait3A_1202 = arith.constant 0 : i32
      %dma_wait3A_1203 = tpu.memref_slice %arg4[%dma_wait3A_1201, %dma_wait3A_1202] : memref<64x1000000xf32, #tpu.memory_space<hbm>> -> memref<64x128xf32, #tpu.memory_space<hbm>>
      %dma_wait3A_1204 = arith.constant 0 : i32
      %dma_wait3A_1205 = arith.constant 0 : i32
      %dma_wait3A_1206 = tpu.memref_slice %arg4[%dma_wait3A_1204, %dma_wait3A_1205] : memref<64x1000000xf32, #tpu.memory_space<hbm>> -> memref<64x128xf32, #tpu.memory_space<hbm>>
      tpu.wait_dma2 semaphore(%arg24 : memref<!tpu.dma_semaphore, #tpu.memory_space<semaphore_mem>>) src(%dma_wait3A_1206 : memref<64x128xf32, #tpu.memory_space<hbm>>) dst(%arg12 : memref<64x128xf32, #tpu.memory_space<vmem>>)
      %dma_wait3A_1207 = arith.constant 0 : i32
      %dma_wait3A_1208 = arith.constant 0 : i32
      %dma_wait3A_1209 = tpu.memref_slice %arg5[%dma_wait3A_1207, %dma_wait3A_1208] : memref<64x1000000xf32, #tpu.memory_space<hbm>> -> memref<64x128xf32, #tpu.memory_space<hbm>>
      %dma_wait3A_1210 = arith.constant 0 : i32
      %dma_wait3A_1211 = arith.constant 0 : i32
      %dma_wait3A_1212 = tpu.memref_slice %arg5[%dma_wait3A_1210, %dma_wait3A_1211] : memref<64x1000000xf32, #tpu.memory_space<hbm>> -> memref<64x128xf32, #tpu.memory_space<hbm>>
      tpu.wait_dma2 semaphore(%arg32 : memref<!tpu.dma_semaphore, #tpu.memory_space<semaphore_mem>>) src(%dma_wait3A_1212 : memref<64x128xf32, #tpu.memory_space<hbm>>) dst(%arg20 : memref<64x128xf32, #tpu.memory_space<vmem>>)
      %broadcast_in_dim3A_1213 = arith.constant 0 : i32
      %broadcast_in_dim3A_1214 = vector.broadcast %broadcast_in_dim3A_1213 : i32 to vector<16xi32>
      %add3A_1215 = vector.broadcast %and3A_787 : i32 to vector<16xi32>
      %add3A_1216 = arith.addi %broadcast_in_dim3A_1214, %add3A_1215 : vector<16xi32>
      %broadcast_in_dim3A_1217 = arith.constant 0 : i32
      %broadcast_in_dim3A_1218 = vector.broadcast %broadcast_in_dim3A_1217 : i32 to vector<16xi32>
      %add3A_1219 = vector.broadcast %scan3A_439 : i32 to vector<16xi32>
      %add3A_1220 = arith.addi %broadcast_in_dim3A_1218, %add3A_1219 : vector<16xi32>
      %broadcast_in_dim3A_1221 = arith.constant 0.000000e+00 : f32
      %broadcast_in_dim3A_1222 = vector.broadcast %broadcast_in_dim3A_1221 : f32 to vector<16xf32>
      %add3A_1223 = arith.constant 0 : i32
      %add3A_1224 = vector.broadcast %add3A_1223 : i32 to vector<16xi32>
      %add3A_1225 = arith.addi %iota3A, %add3A_1224 : vector<16xi32>
      %gather3A_1226 = tpu.vector_load_idx %arg12[%add3A_1225, %add3A_1216] : memref<64x128xf32, #tpu.memory_space<vmem>>[vector<16xi32>, vector<16xi32>], vector<16xf32>,
      %gather3A_1227 = tpu.vector_load_idx %arg20[%add3A_1225, %add3A_1220] : memref<64x128xf32, #tpu.memory_space<vmem>>[vector<16xi32>, vector<16xi32>], vector<16xf32>,
      %mul3A_1228 = arith.mulf %gather3A_1226, %gather3A_1227 : vector<16xf32>
      %add3A_1229 = arith.addf %broadcast_in_dim3A_1222, %mul3A_1228 : vector<16xf32>
      %add3A_1230 = arith.constant 16 : i32
      %add3A_1231 = vector.broadcast %add3A_1230 : i32 to vector<16xi32>
      %add3A_1232 = arith.addi %iota3A, %add3A_1231 : vector<16xi32>
      %gather3A_1233 = tpu.vector_load_idx %arg12[%add3A_1232, %add3A_1216] : memref<64x128xf32, #tpu.memory_space<vmem>>[vector<16xi32>, vector<16xi32>], vector<16xf32>,
      %gather3A_1234 = tpu.vector_load_idx %arg20[%add3A_1232, %add3A_1220] : memref<64x128xf32, #tpu.memory_space<vmem>>[vector<16xi32>, vector<16xi32>], vector<16xf32>,
      %mul3A_1235 = arith.mulf %gather3A_1233, %gather3A_1234 : vector<16xf32>
      %add3A_1236 = arith.addf %add3A_1229, %mul3A_1235 : vector<16xf32>
      %add3A_1237 = arith.constant 32 : i32
      %add3A_1238 = vector.broadcast %add3A_1237 : i32 to vector<16xi32>
      %add3A_1239 = arith.addi %iota3A, %add3A_1238 : vector<16xi32>
      %gather3A_1240 = tpu.vector_load_idx %arg12[%add3A_1239, %add3A_1216] : memref<64x128xf32, #tpu.memory_space<vmem>>[vector<16xi32>, vector<16xi32>], vector<16xf32>,
      %gather3A_1241 = tpu.vector_load_idx %arg20[%add3A_1239, %add3A_1220] : memref<64x128xf32, #tpu.memory_space<vmem>>[vector<16xi32>, vector<16xi32>], vector<16xf32>,
      %mul3A_1242 = arith.mulf %gather3A_1240, %gather3A_1241 : vector<16xf32>
      %add3A_1243 = arith.addf %add3A_1236, %mul3A_1242 : vector<16xf32>
      %add3A_1244 = arith.constant 48 : i32
      %add3A_1245 = vector.broadcast %add3A_1244 : i32 to vector<16xi32>
      %add3A_1246 = arith.addi %iota3A, %add3A_1245 : vector<16xi32>
      %gather3A_1247 = tpu.vector_load_idx %arg12[%add3A_1246, %add3A_1216] : memref<64x128xf32, #tpu.memory_space<vmem>>[vector<16xi32>, vector<16xi32>], vector<16xf32>,
      %gather3A_1248 = tpu.vector_load_idx %arg20[%add3A_1246, %add3A_1220] : memref<64x128xf32, #tpu.memory_space<vmem>>[vector<16xi32>, vector<16xi32>], vector<16xf32>,
      %mul3A_1249 = arith.mulf %gather3A_1247, %gather3A_1248 : vector<16xf32>
      %add3A_1250 = arith.addf %add3A_1243, %mul3A_1249 : vector<16xf32>
      %and3A_1251 = arith.constant 15 : i32
      %and3A_1252 = arith.andi %add3A_1200, %and3A_1251 : i32
      %eq3A_1253 = vector.broadcast %and3A_1252 : i32 to vector<16xi32>
      %eq3A_1254 = arith.cmpi eq, %iota3A, %eq3A_1253 : vector<16xi32>
      %reduce_sum3A_1255 = arith.constant true
      %reduce_sum3A_1256 = vector.broadcast %reduce_sum3A_1255 : i1 to vector<16xi1>
      %reduce_sum3A_1257 = tpu.scan <sum>, %add3A_1250 masked %reduce_sum3A_1256 : vector<16xf32>, vector<16xi1> -> vector<16xf32>
      %reduce_sum3A_1258 = vector.extract %reduce_sum3A_1257[15] : f32 from vector<16xf32>
      %broadcast_in_dim3A_1259 = vector.broadcast %reduce_sum3A_1258 : f32 to vector<16xf32>
      %select_n3A_1260 = arith.select %eq3A_1254, %broadcast_in_dim3A_1259, %select_n3A_1134 : vector<16xi1>, vector<16xf32>
      %add3A_1261 = arith.constant 4 : i32
      %add3A_1262 = arith.addi %add3A_1200, %add3A_1261 : i32
      %min3A_1263 = arith.constant 511 : i32
      %min3A_1264 = arith.minsi %add3A_1262, %min3A_1263 : i32
      %shift_right_arithmetic3A_1265 = arith.constant 4 : i32
      %shift_right_arithmetic3A_1266 = arith.shrsi %min3A_1264, %shift_right_arithmetic3A_1265 : i32
      %shift_left3A_1267 = arith.constant 4 : i32
      %shift_left3A_1268 = arith.shli %shift_right_arithmetic3A_1266, %shift_left3A_1267 : i32
      %get3A_1269 = arith.index_cast %shift_left3A_1268 : i32 to index
      %get3A_1270 = tpu.vector_load %arg7[%get3A_1269] {strides = array<i32>} : memref<512xi32, #tpu.memory_space<vmem>>, vector<16xi32>,
      %sub3A_1271 = arith.subi %min3A_1264, %shift_left3A_1268 : i32
      %eq3A_1272 = vector.broadcast %sub3A_1271 : i32 to vector<16xi32>
      %eq3A_1273 = arith.cmpi eq, %iota3A, %eq3A_1272 : vector<16xi32>
      %jit3A_1274 = arith.constant 0 : i32
      %broadcast_in_dim3A_1275 = vector.broadcast %jit3A_1274 : i32 to vector<16xi32>
      %select_n3A_1276 = arith.select %eq3A_1273, %get3A_1270, %broadcast_in_dim3A_1275 : vector<16xi1>, vector<16xi32>
      %reduce_sum3A_1277 = arith.constant true
      %reduce_sum3A_1278 = vector.broadcast %reduce_sum3A_1277 : i1 to vector<16xi1>
      %reduce_sum3A_1279 = tpu.scan <sum>, %select_n3A_1276 masked %reduce_sum3A_1278 : vector<16xi32>, vector<16xi1> -> vector<16xi32>
      %reduce_sum3A_1280 = vector.extract %reduce_sum3A_1279[15] : i32 from vector<16xi32>
      %shift_right_arithmetic3A_1281 = arith.constant 7 : i32
      %shift_right_arithmetic3A_1282 = arith.shrsi %reduce_sum3A_1280, %shift_right_arithmetic3A_1281 : i32
      %shift_left3A_1283 = arith.constant 7 : i32
      %shift_left3A_1284 = arith.shli %shift_right_arithmetic3A_1282, %shift_left3A_1283 : i32
      %multiple_of3A_1285 = tpu.assume_multiple %shift_left3A_1284, 128 : i32
      %dma_start3A_1286 = arith.constant 0 : i32
      %dma_start3A_1287 = tpu.memref_slice %arg4[%dma_start3A_1286, %multiple_of3A_1285] : memref<64x1000000xf32, #tpu.memory_space<hbm>> -> memref<64x128xf32, #tpu.memory_space<hbm>>
      %dma_start3A_1288 = arith.constant 0 : i32
      %dma_start3A_1289 = tpu.memref_slice %arg4[%dma_start3A_1288, %multiple_of3A_1285] : memref<64x1000000xf32, #tpu.memory_space<hbm>> -> memref<64x128xf32, #tpu.memory_space<hbm>>
      tpu.enqueue_dma source(%dma_start3A_1289 : memref<64x128xf32, #tpu.memory_space<hbm>>) target(%arg12 : memref<64x128xf32, #tpu.memory_space<vmem>>) target_semaphore(%arg24 : memref<!tpu.dma_semaphore, #tpu.memory_space<semaphore_mem>>)
      %and3A_1290 = arith.constant 127 : i32
      %and3A_1291 = arith.andi %reduce_sum3A_1280, %and3A_1290 : i32
      %add3A_1292 = arith.constant 8 : i32
      %add3A_1293 = arith.addi %add3A_1200, %add3A_1292 : i32
      %min3A_1294 = arith.constant 511 : i32
      %min3A_1295 = arith.minsi %add3A_1293, %min3A_1294 : i32
      %shift_right_arithmetic3A_1296 = arith.constant 4 : i32
      %shift_right_arithmetic3A_1297 = arith.shrsi %min3A_1295, %shift_right_arithmetic3A_1296 : i32
      %shift_left3A_1298 = arith.constant 4 : i32
      %shift_left3A_1299 = arith.shli %shift_right_arithmetic3A_1297, %shift_left3A_1298 : i32
      %get3A_1300 = arith.index_cast %shift_left3A_1299 : i32 to index
      %get3A_1301 = tpu.vector_load %arg8[%get3A_1300] {strides = array<i32>} : memref<512xi32, #tpu.memory_space<vmem>>, vector<16xi32>,
      %sub3A_1302 = arith.subi %min3A_1295, %shift_left3A_1299 : i32
      %eq3A_1303 = vector.broadcast %sub3A_1302 : i32 to vector<16xi32>
      %eq3A_1304 = arith.cmpi eq, %iota3A, %eq3A_1303 : vector<16xi32>
      %jit3A_1305 = arith.constant 0 : i32
      %broadcast_in_dim3A_1306 = vector.broadcast %jit3A_1305 : i32 to vector<16xi32>
      %select_n3A_1307 = arith.select %eq3A_1304, %get3A_1301, %broadcast_in_dim3A_1306 : vector<16xi1>, vector<16xi32>
      %reduce_sum3A_1308 = arith.constant true
      %reduce_sum3A_1309 = vector.broadcast %reduce_sum3A_1308 : i1 to vector<16xi1>
      %reduce_sum3A_1310 = tpu.scan <sum>, %select_n3A_1307 masked %reduce_sum3A_1309 : vector<16xi32>, vector<16xi1> -> vector<16xi32>
      %reduce_sum3A_1311 = vector.extract %reduce_sum3A_1310[15] : i32 from vector<16xi32>
      %shift_right_arithmetic3A_1312 = arith.constant 7 : i32
      %shift_right_arithmetic3A_1313 = arith.shrsi %reduce_sum3A_1311, %shift_right_arithmetic3A_1312 : i32
      %shift_left3A_1314 = arith.constant 7 : i32
      %shift_left3A_1315 = arith.shli %shift_right_arithmetic3A_1313, %shift_left3A_1314 : i32
      %multiple_of3A_1316 = tpu.assume_multiple %shift_left3A_1315, 128 : i32
      %dma_start3A_1317 = arith.constant 0 : i32
      %dma_start3A_1318 = tpu.memref_slice %arg5[%dma_start3A_1317, %multiple_of3A_1316] : memref<64x1000000xf32, #tpu.memory_space<hbm>> -> memref<64x128xf32, #tpu.memory_space<hbm>>
      %dma_start3A_1319 = arith.constant 0 : i32
      %dma_start3A_1320 = tpu.memref_slice %arg5[%dma_start3A_1319, %multiple_of3A_1316] : memref<64x1000000xf32, #tpu.memory_space<hbm>> -> memref<64x128xf32, #tpu.memory_space<hbm>>
      tpu.enqueue_dma source(%dma_start3A_1320 : memref<64x128xf32, #tpu.memory_space<hbm>>) target(%arg20 : memref<64x128xf32, #tpu.memory_space<vmem>>) target_semaphore(%arg32 : memref<!tpu.dma_semaphore, #tpu.memory_space<semaphore_mem>>)
      %and3A_1321 = arith.constant 127 : i32
      %and3A_1322 = arith.andi %reduce_sum3A_1311, %and3A_1321 : i32
      %mul3A_1323 = arith.constant 16 : i32
      %mul3A_1324 = arith.muli %scan3A_428, %mul3A_1323 : i32
      %add3A_1325 = arith.constant 7 : i32
      %add3A_1326 = arith.addi %mul3A_1324, %add3A_1325 : i32
      %dma_wait3A_1327 = arith.constant 0 : i32
      %dma_wait3A_1328 = arith.constant 0 : i32
      %dma_wait3A_1329 = tpu.memref_slice %arg4[%dma_wait3A_1327, %dma_wait3A_1328] : memref<64x1000000xf32, #tpu.memory_space<hbm>> -> memref<64x128xf32, #tpu.memory_space<hbm>>
      %dma_wait3A_1330 = arith.constant 0 : i32
      %dma_wait3A_1331 = arith.constant 0 : i32
      %dma_wait3A_1332 = tpu.memref_slice %arg4[%dma_wait3A_1330, %dma_wait3A_1331] : memref<64x1000000xf32, #tpu.memory_space<hbm>> -> memref<64x128xf32, #tpu.memory_space<hbm>>
      tpu.wait_dma2 semaphore(%arg25 : memref<!tpu.dma_semaphore, #tpu.memory_space<semaphore_mem>>) src(%dma_wait3A_1332 : memref<64x128xf32, #tpu.memory_space<hbm>>) dst(%arg13 : memref<64x128xf32, #tpu.memory_space<vmem>>)
      %dma_wait3A_1333 = arith.constant 0 : i32
      %dma_wait3A_1334 = arith.constant 0 : i32
      %dma_wait3A_1335 = tpu.memref_slice %arg5[%dma_wait3A_1333, %dma_wait3A_1334] : memref<64x1000000xf32, #tpu.memory_space<hbm>> -> memref<64x128xf32, #tpu.memory_space<hbm>>
      %dma_wait3A_1336 = arith.constant 0 : i32
      %dma_wait3A_1337 = arith.constant 0 : i32
      %dma_wait3A_1338 = tpu.memref_slice %arg5[%dma_wait3A_1336, %dma_wait3A_1337] : memref<64x1000000xf32, #tpu.memory_space<hbm>> -> memref<64x128xf32, #tpu.memory_space<hbm>>
      tpu.wait_dma2 semaphore(%arg33 : memref<!tpu.dma_semaphore, #tpu.memory_space<semaphore_mem>>) src(%dma_wait3A_1338 : memref<64x128xf32, #tpu.memory_space<hbm>>) dst(%arg21 : memref<64x128xf32, #tpu.memory_space<vmem>>)
      %broadcast_in_dim3A_1339 = arith.constant 0 : i32
      %broadcast_in_dim3A_1340 = vector.broadcast %broadcast_in_dim3A_1339 : i32 to vector<16xi32>
      %add3A_1341 = vector.broadcast %and3A_913 : i32 to vector<16xi32>
      %add3A_1342 = arith.addi %broadcast_in_dim3A_1340, %add3A_1341 : vector<16xi32>
      %broadcast_in_dim3A_1343 = arith.constant 0 : i32
      %broadcast_in_dim3A_1344 = vector.broadcast %broadcast_in_dim3A_1343 : i32 to vector<16xi32>
      %add3A_1345 = vector.broadcast %scan3A_440 : i32 to vector<16xi32>
      %add3A_1346 = arith.addi %broadcast_in_dim3A_1344, %add3A_1345 : vector<16xi32>
      %broadcast_in_dim3A_1347 = arith.constant 0.000000e+00 : f32
      %broadcast_in_dim3A_1348 = vector.broadcast %broadcast_in_dim3A_1347 : f32 to vector<16xf32>
      %add3A_1349 = arith.constant 0 : i32
      %add3A_1350 = vector.broadcast %add3A_1349 : i32 to vector<16xi32>
      %add3A_1351 = arith.addi %iota3A, %add3A_1350 : vector<16xi32>
      %gather3A_1352 = tpu.vector_load_idx %arg13[%add3A_1351, %add3A_1342] : memref<64x128xf32, #tpu.memory_space<vmem>>[vector<16xi32>, vector<16xi32>], vector<16xf32>,
      %gather3A_1353 = tpu.vector_load_idx %arg21[%add3A_1351, %add3A_1346] : memref<64x128xf32, #tpu.memory_space<vmem>>[vector<16xi32>, vector<16xi32>], vector<16xf32>,
      %mul3A_1354 = arith.mulf %gather3A_1352, %gather3A_1353 : vector<16xf32>
      %add3A_1355 = arith.addf %broadcast_in_dim3A_1348, %mul3A_1354 : vector<16xf32>
      %add3A_1356 = arith.constant 16 : i32
      %add3A_1357 = vector.broadcast %add3A_1356 : i32 to vector<16xi32>
      %add3A_1358 = arith.addi %iota3A, %add3A_1357 : vector<16xi32>
      %gather3A_1359 = tpu.vector_load_idx %arg13[%add3A_1358, %add3A_1342] : memref<64x128xf32, #tpu.memory_space<vmem>>[vector<16xi32>, vector<16xi32>], vector<16xf32>,
      %gather3A_1360 = tpu.vector_load_idx %arg21[%add3A_1358, %add3A_1346] : memref<64x128xf32, #tpu.memory_space<vmem>>[vector<16xi32>, vector<16xi32>], vector<16xf32>,
      %mul3A_1361 = arith.mulf %gather3A_1359, %gather3A_1360 : vector<16xf32>
      %add3A_1362 = arith.addf %add3A_1355, %mul3A_1361 : vector<16xf32>
      %add3A_1363 = arith.constant 32 : i32
      %add3A_1364 = vector.broadcast %add3A_1363 : i32 to vector<16xi32>
      %add3A_1365 = arith.addi %iota3A, %add3A_1364 : vector<16xi32>
      %gather3A_1366 = tpu.vector_load_idx %arg13[%add3A_1365, %add3A_1342] : memref<64x128xf32, #tpu.memory_space<vmem>>[vector<16xi32>, vector<16xi32>], vector<16xf32>,
      %gather3A_1367 = tpu.vector_load_idx %arg21[%add3A_1365, %add3A_1346] : memref<64x128xf32, #tpu.memory_space<vmem>>[vector<16xi32>, vector<16xi32>], vector<16xf32>,
      %mul3A_1368 = arith.mulf %gather3A_1366, %gather3A_1367 : vector<16xf32>
      %add3A_1369 = arith.addf %add3A_1362, %mul3A_1368 : vector<16xf32>
      %add3A_1370 = arith.constant 48 : i32
      %add3A_1371 = vector.broadcast %add3A_1370 : i32 to vector<16xi32>
      %add3A_1372 = arith.addi %iota3A, %add3A_1371 : vector<16xi32>
      %gather3A_1373 = tpu.vector_load_idx %arg13[%add3A_1372, %add3A_1342] : memref<64x128xf32, #tpu.memory_space<vmem>>[vector<16xi32>, vector<16xi32>], vector<16xf32>,
      %gather3A_1374 = tpu.vector_load_idx %arg21[%add3A_1372, %add3A_1346] : memref<64x128xf32, #tpu.memory_space<vmem>>[vector<16xi32>, vector<16xi32>], vector<16xf32>,
      %mul3A_1375 = arith.mulf %gather3A_1373, %gather3A_1374 : vector<16xf32>
      %add3A_1376 = arith.addf %add3A_1369, %mul3A_1375 : vector<16xf32>
      %and3A_1377 = arith.constant 15 : i32
      %and3A_1378 = arith.andi %add3A_1326, %and3A_1377 : i32
      %eq3A_1379 = vector.broadcast %and3A_1378 : i32 to vector<16xi32>
      %eq3A_1380 = arith.cmpi eq, %iota3A, %eq3A_1379 : vector<16xi32>
      %reduce_sum3A_1381 = arith.constant true
      %reduce_sum3A_1382 = vector.broadcast %reduce_sum3A_1381 : i1 to vector<16xi1>
      %reduce_sum3A_1383 = tpu.scan <sum>, %add3A_1376 masked %reduce_sum3A_1382 : vector<16xf32>, vector<16xi1> -> vector<16xf32>
      %reduce_sum3A_1384 = vector.extract %reduce_sum3A_1383[15] : f32 from vector<16xf32>
      %broadcast_in_dim3A_1385 = vector.broadcast %reduce_sum3A_1384 : f32 to vector<16xf32>
      %select_n3A_1386 = arith.select %eq3A_1380, %broadcast_in_dim3A_1385, %select_n3A_1260 : vector<16xi1>, vector<16xf32>
      %add3A_1387 = arith.constant 4 : i32
      %add3A_1388 = arith.addi %add3A_1326, %add3A_1387 : i32
      %min3A_1389 = arith.constant 511 : i32
      %min3A_1390 = arith.minsi %add3A_1388, %min3A_1389 : i32
      %shift_right_arithmetic3A_1391 = arith.constant 4 : i32
      %shift_right_arithmetic3A_1392 = arith.shrsi %min3A_1390, %shift_right_arithmetic3A_1391 : i32
      %shift_left3A_1393 = arith.constant 4 : i32
      %shift_left3A_1394 = arith.shli %shift_right_arithmetic3A_1392, %shift_left3A_1393 : i32
      %get3A_1395 = arith.index_cast %shift_left3A_1394 : i32 to index
      %get3A_1396 = tpu.vector_load %arg7[%get3A_1395] {strides = array<i32>} : memref<512xi32, #tpu.memory_space<vmem>>, vector<16xi32>,
      %sub3A_1397 = arith.subi %min3A_1390, %shift_left3A_1394 : i32
      %eq3A_1398 = vector.broadcast %sub3A_1397 : i32 to vector<16xi32>
      %eq3A_1399 = arith.cmpi eq, %iota3A, %eq3A_1398 : vector<16xi32>
      %jit3A_1400 = arith.constant 0 : i32
      %broadcast_in_dim3A_1401 = vector.broadcast %jit3A_1400 : i32 to vector<16xi32>
      %select_n3A_1402 = arith.select %eq3A_1399, %get3A_1396, %broadcast_in_dim3A_1401 : vector<16xi1>, vector<16xi32>
      %reduce_sum3A_1403 = arith.constant true
      %reduce_sum3A_1404 = vector.broadcast %reduce_sum3A_1403 : i1 to vector<16xi1>
      %reduce_sum3A_1405 = tpu.scan <sum>, %select_n3A_1402 masked %reduce_sum3A_1404 : vector<16xi32>, vector<16xi1> -> vector<16xi32>
      %reduce_sum3A_1406 = vector.extract %reduce_sum3A_1405[15] : i32 from vector<16xi32>
      %shift_right_arithmetic3A_1407 = arith.constant 7 : i32
      %shift_right_arithmetic3A_1408 = arith.shrsi %reduce_sum3A_1406, %shift_right_arithmetic3A_1407 : i32
      %shift_left3A_1409 = arith.constant 7 : i32
      %shift_left3A_1410 = arith.shli %shift_right_arithmetic3A_1408, %shift_left3A_1409 : i32
      %multiple_of3A_1411 = tpu.assume_multiple %shift_left3A_1410, 128 : i32
      %dma_start3A_1412 = arith.constant 0 : i32
      %dma_start3A_1413 = tpu.memref_slice %arg4[%dma_start3A_1412, %multiple_of3A_1411] : memref<64x1000000xf32, #tpu.memory_space<hbm>> -> memref<64x128xf32, #tpu.memory_space<hbm>>
      %dma_start3A_1414 = arith.constant 0 : i32
      %dma_start3A_1415 = tpu.memref_slice %arg4[%dma_start3A_1414, %multiple_of3A_1411] : memref<64x1000000xf32, #tpu.memory_space<hbm>> -> memref<64x128xf32, #tpu.memory_space<hbm>>
      tpu.enqueue_dma source(%dma_start3A_1415 : memref<64x128xf32, #tpu.memory_space<hbm>>) target(%arg13 : memref<64x128xf32, #tpu.memory_space<vmem>>) target_semaphore(%arg25 : memref<!tpu.dma_semaphore, #tpu.memory_space<semaphore_mem>>)
      %and3A_1416 = arith.constant 127 : i32
      %and3A_1417 = arith.andi %reduce_sum3A_1406, %and3A_1416 : i32
      %add3A_1418 = arith.constant 8 : i32
      %add3A_1419 = arith.addi %add3A_1326, %add3A_1418 : i32
      %min3A_1420 = arith.constant 511 : i32
      %min3A_1421 = arith.minsi %add3A_1419, %min3A_1420 : i32
      %shift_right_arithmetic3A_1422 = arith.constant 4 : i32
      %shift_right_arithmetic3A_1423 = arith.shrsi %min3A_1421, %shift_right_arithmetic3A_1422 : i32
      %shift_left3A_1424 = arith.constant 4 : i32
      %shift_left3A_1425 = arith.shli %shift_right_arithmetic3A_1423, %shift_left3A_1424 : i32
      %get3A_1426 = arith.index_cast %shift_left3A_1425 : i32 to index
      %get3A_1427 = tpu.vector_load %arg8[%get3A_1426] {strides = array<i32>} : memref<512xi32, #tpu.memory_space<vmem>>, vector<16xi32>,
      %sub3A_1428 = arith.subi %min3A_1421, %shift_left3A_1425 : i32
      %eq3A_1429 = vector.broadcast %sub3A_1428 : i32 to vector<16xi32>
      %eq3A_1430 = arith.cmpi eq, %iota3A, %eq3A_1429 : vector<16xi32>
      %jit3A_1431 = arith.constant 0 : i32
      %broadcast_in_dim3A_1432 = vector.broadcast %jit3A_1431 : i32 to vector<16xi32>
      %select_n3A_1433 = arith.select %eq3A_1430, %get3A_1427, %broadcast_in_dim3A_1432 : vector<16xi1>, vector<16xi32>
      %reduce_sum3A_1434 = arith.constant true
      %reduce_sum3A_1435 = vector.broadcast %reduce_sum3A_1434 : i1 to vector<16xi1>
      %reduce_sum3A_1436 = tpu.scan <sum>, %select_n3A_1433 masked %reduce_sum3A_1435 : vector<16xi32>, vector<16xi1> -> vector<16xi32>
      %reduce_sum3A_1437 = vector.extract %reduce_sum3A_1436[15] : i32 from vector<16xi32>
      %shift_right_arithmetic3A_1438 = arith.constant 7 : i32
      %shift_right_arithmetic3A_1439 = arith.shrsi %reduce_sum3A_1437, %shift_right_arithmetic3A_1438 : i32
      %shift_left3A_1440 = arith.constant 7 : i32
      %shift_left3A_1441 = arith.shli %shift_right_arithmetic3A_1439, %shift_left3A_1440 : i32
      %multiple_of3A_1442 = tpu.assume_multiple %shift_left3A_1441, 128 : i32
      %dma_start3A_1443 = arith.constant 0 : i32
      %dma_start3A_1444 = tpu.memref_slice %arg5[%dma_start3A_1443, %multiple_of3A_1442] : memref<64x1000000xf32, #tpu.memory_space<hbm>> -> memref<64x128xf32, #tpu.memory_space<hbm>>
      %dma_start3A_1445 = arith.constant 0 : i32
      %dma_start3A_1446 = tpu.memref_slice %arg5[%dma_start3A_1445, %multiple_of3A_1442] : memref<64x1000000xf32, #tpu.memory_space<hbm>> -> memref<64x128xf32, #tpu.memory_space<hbm>>
      tpu.enqueue_dma source(%dma_start3A_1446 : memref<64x128xf32, #tpu.memory_space<hbm>>) target(%arg21 : memref<64x128xf32, #tpu.memory_space<vmem>>) target_semaphore(%arg33 : memref<!tpu.dma_semaphore, #tpu.memory_space<semaphore_mem>>)
      %and3A_1447 = arith.constant 127 : i32
      %and3A_1448 = arith.andi %reduce_sum3A_1437, %and3A_1447 : i32
      %mul3A_1449 = arith.constant 16 : i32
      %mul3A_1450 = arith.muli %scan3A_428, %mul3A_1449 : i32
      %add3A_1451 = arith.constant 8 : i32
      %add3A_1452 = arith.addi %mul3A_1450, %add3A_1451 : i32
      %dma_wait3A_1453 = arith.constant 0 : i32
      %dma_wait3A_1454 = arith.constant 0 : i32
      %dma_wait3A_1455 = tpu.memref_slice %arg4[%dma_wait3A_1453, %dma_wait3A_1454] : memref<64x1000000xf32, #tpu.memory_space<hbm>> -> memref<64x128xf32, #tpu.memory_space<hbm>>
      %dma_wait3A_1456 = arith.constant 0 : i32
      %dma_wait3A_1457 = arith.constant 0 : i32
      %dma_wait3A_1458 = tpu.memref_slice %arg4[%dma_wait3A_1456, %dma_wait3A_1457] : memref<64x1000000xf32, #tpu.memory_space<hbm>> -> memref<64x128xf32, #tpu.memory_space<hbm>>
      tpu.wait_dma2 semaphore(%arg22 : memref<!tpu.dma_semaphore, #tpu.memory_space<semaphore_mem>>) src(%dma_wait3A_1458 : memref<64x128xf32, #tpu.memory_space<hbm>>) dst(%arg10 : memref<64x128xf32, #tpu.memory_space<vmem>>)
      %dma_wait3A_1459 = arith.constant 0 : i32
      %dma_wait3A_1460 = arith.constant 0 : i32
      %dma_wait3A_1461 = tpu.memref_slice %arg5[%dma_wait3A_1459, %dma_wait3A_1460] : memref<64x1000000xf32, #tpu.memory_space<hbm>> -> memref<64x128xf32, #tpu.memory_space<hbm>>
      %dma_wait3A_1462 = arith.constant 0 : i32
      %dma_wait3A_1463 = arith.constant 0 : i32
      %dma_wait3A_1464 = tpu.memref_slice %arg5[%dma_wait3A_1462, %dma_wait3A_1463] : memref<64x1000000xf32, #tpu.memory_space<hbm>> -> memref<64x128xf32, #tpu.memory_space<hbm>>
      tpu.wait_dma2 semaphore(%arg26 : memref<!tpu.dma_semaphore, #tpu.memory_space<semaphore_mem>>) src(%dma_wait3A_1464 : memref<64x128xf32, #tpu.memory_space<hbm>>) dst(%arg14 : memref<64x128xf32, #tpu.memory_space<vmem>>)
      %broadcast_in_dim3A_1465 = arith.constant 0 : i32
      %broadcast_in_dim3A_1466 = vector.broadcast %broadcast_in_dim3A_1465 : i32 to vector<16xi32>
      %add3A_1467 = vector.broadcast %and3A_1039 : i32 to vector<16xi32>
      %add3A_1468 = arith.addi %broadcast_in_dim3A_1466, %add3A_1467 : vector<16xi32>
      %broadcast_in_dim3A_1469 = arith.constant 0 : i32
      %broadcast_in_dim3A_1470 = vector.broadcast %broadcast_in_dim3A_1469 : i32 to vector<16xi32>
      %add3A_1471 = vector.broadcast %and3A_566 : i32 to vector<16xi32>
      %add3A_1472 = arith.addi %broadcast_in_dim3A_1470, %add3A_1471 : vector<16xi32>
      %broadcast_in_dim3A_1473 = arith.constant 0.000000e+00 : f32
      %broadcast_in_dim3A_1474 = vector.broadcast %broadcast_in_dim3A_1473 : f32 to vector<16xf32>
      %add3A_1475 = arith.constant 0 : i32
      %add3A_1476 = vector.broadcast %add3A_1475 : i32 to vector<16xi32>
      %add3A_1477 = arith.addi %iota3A, %add3A_1476 : vector<16xi32>
      %gather3A_1478 = tpu.vector_load_idx %arg10[%add3A_1477, %add3A_1468] : memref<64x128xf32, #tpu.memory_space<vmem>>[vector<16xi32>, vector<16xi32>], vector<16xf32>,
      %gather3A_1479 = tpu.vector_load_idx %arg14[%add3A_1477, %add3A_1472] : memref<64x128xf32, #tpu.memory_space<vmem>>[vector<16xi32>, vector<16xi32>], vector<16xf32>,
      %mul3A_1480 = arith.mulf %gather3A_1478, %gather3A_1479 : vector<16xf32>
      %add3A_1481 = arith.addf %broadcast_in_dim3A_1474, %mul3A_1480 : vector<16xf32>
      %add3A_1482 = arith.constant 16 : i32
      %add3A_1483 = vector.broadcast %add3A_1482 : i32 to vector<16xi32>
      %add3A_1484 = arith.addi %iota3A, %add3A_1483 : vector<16xi32>
      %gather3A_1485 = tpu.vector_load_idx %arg10[%add3A_1484, %add3A_1468] : memref<64x128xf32, #tpu.memory_space<vmem>>[vector<16xi32>, vector<16xi32>], vector<16xf32>,
      %gather3A_1486 = tpu.vector_load_idx %arg14[%add3A_1484, %add3A_1472] : memref<64x128xf32, #tpu.memory_space<vmem>>[vector<16xi32>, vector<16xi32>], vector<16xf32>,
      %mul3A_1487 = arith.mulf %gather3A_1485, %gather3A_1486 : vector<16xf32>
      %add3A_1488 = arith.addf %add3A_1481, %mul3A_1487 : vector<16xf32>
      %add3A_1489 = arith.constant 32 : i32
      %add3A_1490 = vector.broadcast %add3A_1489 : i32 to vector<16xi32>
      %add3A_1491 = arith.addi %iota3A, %add3A_1490 : vector<16xi32>
      %gather3A_1492 = tpu.vector_load_idx %arg10[%add3A_1491, %add3A_1468] : memref<64x128xf32, #tpu.memory_space<vmem>>[vector<16xi32>, vector<16xi32>], vector<16xf32>,
      %gather3A_1493 = tpu.vector_load_idx %arg14[%add3A_1491, %add3A_1472] : memref<64x128xf32, #tpu.memory_space<vmem>>[vector<16xi32>, vector<16xi32>], vector<16xf32>,
      %mul3A_1494 = arith.mulf %gather3A_1492, %gather3A_1493 : vector<16xf32>
      %add3A_1495 = arith.addf %add3A_1488, %mul3A_1494 : vector<16xf32>
      %add3A_1496 = arith.constant 48 : i32
      %add3A_1497 = vector.broadcast %add3A_1496 : i32 to vector<16xi32>
      %add3A_1498 = arith.addi %iota3A, %add3A_1497 : vector<16xi32>
      %gather3A_1499 = tpu.vector_load_idx %arg10[%add3A_1498, %add3A_1468] : memref<64x128xf32, #tpu.memory_space<vmem>>[vector<16xi32>, vector<16xi32>], vector<16xf32>,
      %gather3A_1500 = tpu.vector_load_idx %arg14[%add3A_1498, %add3A_1472] : memref<64x128xf32, #tpu.memory_space<vmem>>[vector<16xi32>, vector<16xi32>], vector<16xf32>,
      %mul3A_1501 = arith.mulf %gather3A_1499, %gather3A_1500 : vector<16xf32>
      %add3A_1502 = arith.addf %add3A_1495, %mul3A_1501 : vector<16xf32>
      %and3A_1503 = arith.constant 15 : i32
      %and3A_1504 = arith.andi %add3A_1452, %and3A_1503 : i32
      %eq3A_1505 = vector.broadcast %and3A_1504 : i32 to vector<16xi32>
      %eq3A_1506 = arith.cmpi eq, %iota3A, %eq3A_1505 : vector<16xi32>
      %reduce_sum3A_1507 = arith.constant true
      %reduce_sum3A_1508 = vector.broadcast %reduce_sum3A_1507 : i1 to vector<16xi1>
      %reduce_sum3A_1509 = tpu.scan <sum>, %add3A_1502 masked %reduce_sum3A_1508 : vector<16xf32>, vector<16xi1> -> vector<16xf32>
      %reduce_sum3A_1510 = vector.extract %reduce_sum3A_1509[15] : f32 from vector<16xf32>
      %broadcast_in_dim3A_1511 = vector.broadcast %reduce_sum3A_1510 : f32 to vector<16xf32>
      %select_n3A_1512 = arith.select %eq3A_1506, %broadcast_in_dim3A_1511, %select_n3A_1386 : vector<16xi1>, vector<16xf32>
      %add3A_1513 = arith.constant 4 : i32
      %add3A_1514 = arith.addi %add3A_1452, %add3A_1513 : i32
      %min3A_1515 = arith.constant 511 : i32
      %min3A_1516 = arith.minsi %add3A_1514, %min3A_1515 : i32
      %shift_right_arithmetic3A_1517 = arith.constant 4 : i32
      %shift_right_arithmetic3A_1518 = arith.shrsi %min3A_1516, %shift_right_arithmetic3A_1517 : i32
      %shift_left3A_1519 = arith.constant 4 : i32
      %shift_left3A_1520 = arith.shli %shift_right_arithmetic3A_1518, %shift_left3A_1519 : i32
      %get3A_1521 = arith.index_cast %shift_left3A_1520 : i32 to index
      %get3A_1522 = tpu.vector_load %arg7[%get3A_1521] {strides = array<i32>} : memref<512xi32, #tpu.memory_space<vmem>>, vector<16xi32>,
      %sub3A_1523 = arith.subi %min3A_1516, %shift_left3A_1520 : i32
      %eq3A_1524 = vector.broadcast %sub3A_1523 : i32 to vector<16xi32>
      %eq3A_1525 = arith.cmpi eq, %iota3A, %eq3A_1524 : vector<16xi32>
      %jit3A_1526 = arith.constant 0 : i32
      %broadcast_in_dim3A_1527 = vector.broadcast %jit3A_1526 : i32 to vector<16xi32>
      %select_n3A_1528 = arith.select %eq3A_1525, %get3A_1522, %broadcast_in_dim3A_1527 : vector<16xi1>, vector<16xi32>
      %reduce_sum3A_1529 = arith.constant true
      %reduce_sum3A_1530 = vector.broadcast %reduce_sum3A_1529 : i1 to vector<16xi1>
      %reduce_sum3A_1531 = tpu.scan <sum>, %select_n3A_1528 masked %reduce_sum3A_1530 : vector<16xi32>, vector<16xi1> -> vector<16xi32>
      %reduce_sum3A_1532 = vector.extract %reduce_sum3A_1531[15] : i32 from vector<16xi32>
      %shift_right_arithmetic3A_1533 = arith.constant 7 : i32
      %shift_right_arithmetic3A_1534 = arith.shrsi %reduce_sum3A_1532, %shift_right_arithmetic3A_1533 : i32
      %shift_left3A_1535 = arith.constant 7 : i32
      %shift_left3A_1536 = arith.shli %shift_right_arithmetic3A_1534, %shift_left3A_1535 : i32
      %multiple_of3A_1537 = tpu.assume_multiple %shift_left3A_1536, 128 : i32
      %dma_start3A_1538 = arith.constant 0 : i32
      %dma_start3A_1539 = tpu.memref_slice %arg4[%dma_start3A_1538, %multiple_of3A_1537] : memref<64x1000000xf32, #tpu.memory_space<hbm>> -> memref<64x128xf32, #tpu.memory_space<hbm>>
      %dma_start3A_1540 = arith.constant 0 : i32
      %dma_start3A_1541 = tpu.memref_slice %arg4[%dma_start3A_1540, %multiple_of3A_1537] : memref<64x1000000xf32, #tpu.memory_space<hbm>> -> memref<64x128xf32, #tpu.memory_space<hbm>>
      tpu.enqueue_dma source(%dma_start3A_1541 : memref<64x128xf32, #tpu.memory_space<hbm>>) target(%arg10 : memref<64x128xf32, #tpu.memory_space<vmem>>) target_semaphore(%arg22 : memref<!tpu.dma_semaphore, #tpu.memory_space<semaphore_mem>>)
      %and3A_1542 = arith.constant 127 : i32
      %and3A_1543 = arith.andi %reduce_sum3A_1532, %and3A_1542 : i32
      %add3A_1544 = arith.constant 8 : i32
      %add3A_1545 = arith.addi %add3A_1452, %add3A_1544 : i32
      %min3A_1546 = arith.constant 511 : i32
      %min3A_1547 = arith.minsi %add3A_1545, %min3A_1546 : i32
      %shift_right_arithmetic3A_1548 = arith.constant 4 : i32
      %shift_right_arithmetic3A_1549 = arith.shrsi %min3A_1547, %shift_right_arithmetic3A_1548 : i32
      %shift_left3A_1550 = arith.constant 4 : i32
      %shift_left3A_1551 = arith.shli %shift_right_arithmetic3A_1549, %shift_left3A_1550 : i32
      %get3A_1552 = arith.index_cast %shift_left3A_1551 : i32 to index
      %get3A_1553 = tpu.vector_load %arg8[%get3A_1552] {strides = array<i32>} : memref<512xi32, #tpu.memory_space<vmem>>, vector<16xi32>,
      %sub3A_1554 = arith.subi %min3A_1547, %shift_left3A_1551 : i32
      %eq3A_1555 = vector.broadcast %sub3A_1554 : i32 to vector<16xi32>
      %eq3A_1556 = arith.cmpi eq, %iota3A, %eq3A_1555 : vector<16xi32>
      %jit3A_1557 = arith.constant 0 : i32
      %broadcast_in_dim3A_1558 = vector.broadcast %jit3A_1557 : i32 to vector<16xi32>
      %select_n3A_1559 = arith.select %eq3A_1556, %get3A_1553, %broadcast_in_dim3A_1558 : vector<16xi1>, vector<16xi32>
      %reduce_sum3A_1560 = arith.constant true
      %reduce_sum3A_1561 = vector.broadcast %reduce_sum3A_1560 : i1 to vector<16xi1>
      %reduce_sum3A_1562 = tpu.scan <sum>, %select_n3A_1559 masked %reduce_sum3A_1561 : vector<16xi32>, vector<16xi1> -> vector<16xi32>
      %reduce_sum3A_1563 = vector.extract %reduce_sum3A_1562[15] : i32 from vector<16xi32>
      %shift_right_arithmetic3A_1564 = arith.constant 7 : i32
      %shift_right_arithmetic3A_1565 = arith.shrsi %reduce_sum3A_1563, %shift_right_arithmetic3A_1564 : i32
      %shift_left3A_1566 = arith.constant 7 : i32
      %shift_left3A_1567 = arith.shli %shift_right_arithmetic3A_1565, %shift_left3A_1566 : i32
      %multiple_of3A_1568 = tpu.assume_multiple %shift_left3A_1567, 128 : i32
      %dma_start3A_1569 = arith.constant 0 : i32
      %dma_start3A_1570 = tpu.memref_slice %arg5[%dma_start3A_1569, %multiple_of3A_1568] : memref<64x1000000xf32, #tpu.memory_space<hbm>> -> memref<64x128xf32, #tpu.memory_space<hbm>>
      %dma_start3A_1571 = arith.constant 0 : i32
      %dma_start3A_1572 = tpu.memref_slice %arg5[%dma_start3A_1571, %multiple_of3A_1568] : memref<64x1000000xf32, #tpu.memory_space<hbm>> -> memref<64x128xf32, #tpu.memory_space<hbm>>
      tpu.enqueue_dma source(%dma_start3A_1572 : memref<64x128xf32, #tpu.memory_space<hbm>>) target(%arg14 : memref<64x128xf32, #tpu.memory_space<vmem>>) target_semaphore(%arg26 : memref<!tpu.dma_semaphore, #tpu.memory_space<semaphore_mem>>)
      %and3A_1573 = arith.constant 127 : i32
      %and3A_1574 = arith.andi %reduce_sum3A_1563, %and3A_1573 : i32
      %mul3A_1575 = arith.constant 16 : i32
      %mul3A_1576 = arith.muli %scan3A_428, %mul3A_1575 : i32
      %add3A_1577 = arith.constant 9 : i32
      %add3A_1578 = arith.addi %mul3A_1576, %add3A_1577 : i32
      %dma_wait3A_1579 = arith.constant 0 : i32
      %dma_wait3A_1580 = arith.constant 0 : i32
      %dma_wait3A_1581 = tpu.memref_slice %arg4[%dma_wait3A_1579, %dma_wait3A_1580] : memref<64x1000000xf32, #tpu.memory_space<hbm>> -> memref<64x128xf32, #tpu.memory_space<hbm>>
      %dma_wait3A_1582 = arith.constant 0 : i32
      %dma_wait3A_1583 = arith.constant 0 : i32
      %dma_wait3A_1584 = tpu.memref_slice %arg4[%dma_wait3A_1582, %dma_wait3A_1583] : memref<64x1000000xf32, #tpu.memory_space<hbm>> -> memref<64x128xf32, #tpu.memory_space<hbm>>
      tpu.wait_dma2 semaphore(%arg23 : memref<!tpu.dma_semaphore, #tpu.memory_space<semaphore_mem>>) src(%dma_wait3A_1584 : memref<64x128xf32, #tpu.memory_space<hbm>>) dst(%arg11 : memref<64x128xf32, #tpu.memory_space<vmem>>)
      %dma_wait3A_1585 = arith.constant 0 : i32
      %dma_wait3A_1586 = arith.constant 0 : i32
      %dma_wait3A_1587 = tpu.memref_slice %arg5[%dma_wait3A_1585, %dma_wait3A_1586] : memref<64x1000000xf32, #tpu.memory_space<hbm>> -> memref<64x128xf32, #tpu.memory_space<hbm>>
      %dma_wait3A_1588 = arith.constant 0 : i32
      %dma_wait3A_1589 = arith.constant 0 : i32
      %dma_wait3A_1590 = tpu.memref_slice %arg5[%dma_wait3A_1588, %dma_wait3A_1589] : memref<64x1000000xf32, #tpu.memory_space<hbm>> -> memref<64x128xf32, #tpu.memory_space<hbm>>
      tpu.wait_dma2 semaphore(%arg27 : memref<!tpu.dma_semaphore, #tpu.memory_space<semaphore_mem>>) src(%dma_wait3A_1590 : memref<64x128xf32, #tpu.memory_space<hbm>>) dst(%arg15 : memref<64x128xf32, #tpu.memory_space<vmem>>)
      %broadcast_in_dim3A_1591 = arith.constant 0 : i32
      %broadcast_in_dim3A_1592 = vector.broadcast %broadcast_in_dim3A_1591 : i32 to vector<16xi32>
      %add3A_1593 = vector.broadcast %and3A_1165 : i32 to vector<16xi32>
      %add3A_1594 = arith.addi %broadcast_in_dim3A_1592, %add3A_1593 : vector<16xi32>
      %broadcast_in_dim3A_1595 = arith.constant 0 : i32
      %broadcast_in_dim3A_1596 = vector.broadcast %broadcast_in_dim3A_1595 : i32 to vector<16xi32>
      %add3A_1597 = vector.broadcast %and3A_692 : i32 to vector<16xi32>
      %add3A_1598 = arith.addi %broadcast_in_dim3A_1596, %add3A_1597 : vector<16xi32>
      %broadcast_in_dim3A_1599 = arith.constant 0.000000e+00 : f32
      %broadcast_in_dim3A_1600 = vector.broadcast %broadcast_in_dim3A_1599 : f32 to vector<16xf32>
      %add3A_1601 = arith.constant 0 : i32
      %add3A_1602 = vector.broadcast %add3A_1601 : i32 to vector<16xi32>
      %add3A_1603 = arith.addi %iota3A, %add3A_1602 : vector<16xi32>
      %gather3A_1604 = tpu.vector_load_idx %arg11[%add3A_1603, %add3A_1594] : memref<64x128xf32, #tpu.memory_space<vmem>>[vector<16xi32>, vector<16xi32>], vector<16xf32>,
      %gather3A_1605 = tpu.vector_load_idx %arg15[%add3A_1603, %add3A_1598] : memref<64x128xf32, #tpu.memory_space<vmem>>[vector<16xi32>, vector<16xi32>], vector<16xf32>,
      %mul3A_1606 = arith.mulf %gather3A_1604, %gather3A_1605 : vector<16xf32>
      %add3A_1607 = arith.addf %broadcast_in_dim3A_1600, %mul3A_1606 : vector<16xf32>
      %add3A_1608 = arith.constant 16 : i32
      %add3A_1609 = vector.broadcast %add3A_1608 : i32 to vector<16xi32>
      %add3A_1610 = arith.addi %iota3A, %add3A_1609 : vector<16xi32>
      %gather3A_1611 = tpu.vector_load_idx %arg11[%add3A_1610, %add3A_1594] : memref<64x128xf32, #tpu.memory_space<vmem>>[vector<16xi32>, vector<16xi32>], vector<16xf32>,
      %gather3A_1612 = tpu.vector_load_idx %arg15[%add3A_1610, %add3A_1598] : memref<64x128xf32, #tpu.memory_space<vmem>>[vector<16xi32>, vector<16xi32>], vector<16xf32>,
      %mul3A_1613 = arith.mulf %gather3A_1611, %gather3A_1612 : vector<16xf32>
      %add3A_1614 = arith.addf %add3A_1607, %mul3A_1613 : vector<16xf32>
      %add3A_1615 = arith.constant 32 : i32
      %add3A_1616 = vector.broadcast %add3A_1615 : i32 to vector<16xi32>
      %add3A_1617 = arith.addi %iota3A, %add3A_1616 : vector<16xi32>
      %gather3A_1618 = tpu.vector_load_idx %arg11[%add3A_1617, %add3A_1594] : memref<64x128xf32, #tpu.memory_space<vmem>>[vector<16xi32>, vector<16xi32>], vector<16xf32>,
      %gather3A_1619 = tpu.vector_load_idx %arg15[%add3A_1617, %add3A_1598] : memref<64x128xf32, #tpu.memory_space<vmem>>[vector<16xi32>, vector<16xi32>], vector<16xf32>,
      %mul3A_1620 = arith.mulf %gather3A_1618, %gather3A_1619 : vector<16xf32>
      %add3A_1621 = arith.addf %add3A_1614, %mul3A_1620 : vector<16xf32>
      %add3A_1622 = arith.constant 48 : i32
      %add3A_1623 = vector.broadcast %add3A_1622 : i32 to vector<16xi32>
      %add3A_1624 = arith.addi %iota3A, %add3A_1623 : vector<16xi32>
      %gather3A_1625 = tpu.vector_load_idx %arg11[%add3A_1624, %add3A_1594] : memref<64x128xf32, #tpu.memory_space<vmem>>[vector<16xi32>, vector<16xi32>], vector<16xf32>,
      %gather3A_1626 = tpu.vector_load_idx %arg15[%add3A_1624, %add3A_1598] : memref<64x128xf32, #tpu.memory_space<vmem>>[vector<16xi32>, vector<16xi32>], vector<16xf32>,
      %mul3A_1627 = arith.mulf %gather3A_1625, %gather3A_1626 : vector<16xf32>
      %add3A_1628 = arith.addf %add3A_1621, %mul3A_1627 : vector<16xf32>
      %and3A_1629 = arith.constant 15 : i32
      %and3A_1630 = arith.andi %add3A_1578, %and3A_1629 : i32
      %eq3A_1631 = vector.broadcast %and3A_1630 : i32 to vector<16xi32>
      %eq3A_1632 = arith.cmpi eq, %iota3A, %eq3A_1631 : vector<16xi32>
      %reduce_sum3A_1633 = arith.constant true
      %reduce_sum3A_1634 = vector.broadcast %reduce_sum3A_1633 : i1 to vector<16xi1>
      %reduce_sum3A_1635 = tpu.scan <sum>, %add3A_1628 masked %reduce_sum3A_1634 : vector<16xf32>, vector<16xi1> -> vector<16xf32>
      %reduce_sum3A_1636 = vector.extract %reduce_sum3A_1635[15] : f32 from vector<16xf32>
      %broadcast_in_dim3A_1637 = vector.broadcast %reduce_sum3A_1636 : f32 to vector<16xf32>
      %select_n3A_1638 = arith.select %eq3A_1632, %broadcast_in_dim3A_1637, %select_n3A_1512 : vector<16xi1>, vector<16xf32>
      %add3A_1639 = arith.constant 4 : i32
      %add3A_1640 = arith.addi %add3A_1578, %add3A_1639 : i32
      %min3A_1641 = arith.constant 511 : i32
      %min3A_1642 = arith.minsi %add3A_1640, %min3A_1641 : i32
      %shift_right_arithmetic3A_1643 = arith.constant 4 : i32
      %shift_right_arithmetic3A_1644 = arith.shrsi %min3A_1642, %shift_right_arithmetic3A_1643 : i32
      %shift_left3A_1645 = arith.constant 4 : i32
      %shift_left3A_1646 = arith.shli %shift_right_arithmetic3A_1644, %shift_left3A_1645 : i32
      %get3A_1647 = arith.index_cast %shift_left3A_1646 : i32 to index
      %get3A_1648 = tpu.vector_load %arg7[%get3A_1647] {strides = array<i32>} : memref<512xi32, #tpu.memory_space<vmem>>, vector<16xi32>,
      %sub3A_1649 = arith.subi %min3A_1642, %shift_left3A_1646 : i32
      %eq3A_1650 = vector.broadcast %sub3A_1649 : i32 to vector<16xi32>
      %eq3A_1651 = arith.cmpi eq, %iota3A, %eq3A_1650 : vector<16xi32>
      %jit3A_1652 = arith.constant 0 : i32
      %broadcast_in_dim3A_1653 = vector.broadcast %jit3A_1652 : i32 to vector<16xi32>
      %select_n3A_1654 = arith.select %eq3A_1651, %get3A_1648, %broadcast_in_dim3A_1653 : vector<16xi1>, vector<16xi32>
      %reduce_sum3A_1655 = arith.constant true
      %reduce_sum3A_1656 = vector.broadcast %reduce_sum3A_1655 : i1 to vector<16xi1>
      %reduce_sum3A_1657 = tpu.scan <sum>, %select_n3A_1654 masked %reduce_sum3A_1656 : vector<16xi32>, vector<16xi1> -> vector<16xi32>
      %reduce_sum3A_1658 = vector.extract %reduce_sum3A_1657[15] : i32 from vector<16xi32>
      %shift_right_arithmetic3A_1659 = arith.constant 7 : i32
      %shift_right_arithmetic3A_1660 = arith.shrsi %reduce_sum3A_1658, %shift_right_arithmetic3A_1659 : i32
      %shift_left3A_1661 = arith.constant 7 : i32
      %shift_left3A_1662 = arith.shli %shift_right_arithmetic3A_1660, %shift_left3A_1661 : i32
      %multiple_of3A_1663 = tpu.assume_multiple %shift_left3A_1662, 128 : i32
      %dma_start3A_1664 = arith.constant 0 : i32
      %dma_start3A_1665 = tpu.memref_slice %arg4[%dma_start3A_1664, %multiple_of3A_1663] : memref<64x1000000xf32, #tpu.memory_space<hbm>> -> memref<64x128xf32, #tpu.memory_space<hbm>>
      %dma_start3A_1666 = arith.constant 0 : i32
      %dma_start3A_1667 = tpu.memref_slice %arg4[%dma_start3A_1666, %multiple_of3A_1663] : memref<64x1000000xf32, #tpu.memory_space<hbm>> -> memref<64x128xf32, #tpu.memory_space<hbm>>
      tpu.enqueue_dma source(%dma_start3A_1667 : memref<64x128xf32, #tpu.memory_space<hbm>>) target(%arg11 : memref<64x128xf32, #tpu.memory_space<vmem>>) target_semaphore(%arg23 : memref<!tpu.dma_semaphore, #tpu.memory_space<semaphore_mem>>)
      %and3A_1668 = arith.constant 127 : i32
      %and3A_1669 = arith.andi %reduce_sum3A_1658, %and3A_1668 : i32
      %add3A_1670 = arith.constant 8 : i32
      %add3A_1671 = arith.addi %add3A_1578, %add3A_1670 : i32
      %min3A_1672 = arith.constant 511 : i32
      %min3A_1673 = arith.minsi %add3A_1671, %min3A_1672 : i32
      %shift_right_arithmetic3A_1674 = arith.constant 4 : i32
      %shift_right_arithmetic3A_1675 = arith.shrsi %min3A_1673, %shift_right_arithmetic3A_1674 : i32
      %shift_left3A_1676 = arith.constant 4 : i32
      %shift_left3A_1677 = arith.shli %shift_right_arithmetic3A_1675, %shift_left3A_1676 : i32
      %get3A_1678 = arith.index_cast %shift_left3A_1677 : i32 to index
      %get3A_1679 = tpu.vector_load %arg8[%get3A_1678] {strides = array<i32>} : memref<512xi32, #tpu.memory_space<vmem>>, vector<16xi32>,
      %sub3A_1680 = arith.subi %min3A_1673, %shift_left3A_1677 : i32
      %eq3A_1681 = vector.broadcast %sub3A_1680 : i32 to vector<16xi32>
      %eq3A_1682 = arith.cmpi eq, %iota3A, %eq3A_1681 : vector<16xi32>
      %jit3A_1683 = arith.constant 0 : i32
      %broadcast_in_dim3A_1684 = vector.broadcast %jit3A_1683 : i32 to vector<16xi32>
      %select_n3A_1685 = arith.select %eq3A_1682, %get3A_1679, %broadcast_in_dim3A_1684 : vector<16xi1>, vector<16xi32>
      %reduce_sum3A_1686 = arith.constant true
      %reduce_sum3A_1687 = vector.broadcast %reduce_sum3A_1686 : i1 to vector<16xi1>
      %reduce_sum3A_1688 = tpu.scan <sum>, %select_n3A_1685 masked %reduce_sum3A_1687 : vector<16xi32>, vector<16xi1> -> vector<16xi32>
      %reduce_sum3A_1689 = vector.extract %reduce_sum3A_1688[15] : i32 from vector<16xi32>
      %shift_right_arithmetic3A_1690 = arith.constant 7 : i32
      %shift_right_arithmetic3A_1691 = arith.shrsi %reduce_sum3A_1689, %shift_right_arithmetic3A_1690 : i32
      %shift_left3A_1692 = arith.constant 7 : i32
      %shift_left3A_1693 = arith.shli %shift_right_arithmetic3A_1691, %shift_left3A_1692 : i32
      %multiple_of3A_1694 = tpu.assume_multiple %shift_left3A_1693, 128 : i32
      %dma_start3A_1695 = arith.constant 0 : i32
      %dma_start3A_1696 = tpu.memref_slice %arg5[%dma_start3A_1695, %multiple_of3A_1694] : memref<64x1000000xf32, #tpu.memory_space<hbm>> -> memref<64x128xf32, #tpu.memory_space<hbm>>
      %dma_start3A_1697 = arith.constant 0 : i32
      %dma_start3A_1698 = tpu.memref_slice %arg5[%dma_start3A_1697, %multiple_of3A_1694] : memref<64x1000000xf32, #tpu.memory_space<hbm>> -> memref<64x128xf32, #tpu.memory_space<hbm>>
      tpu.enqueue_dma source(%dma_start3A_1698 : memref<64x128xf32, #tpu.memory_space<hbm>>) target(%arg15 : memref<64x128xf32, #tpu.memory_space<vmem>>) target_semaphore(%arg27 : memref<!tpu.dma_semaphore, #tpu.memory_space<semaphore_mem>>)
      %and3A_1699 = arith.constant 127 : i32
      %and3A_1700 = arith.andi %reduce_sum3A_1689, %and3A_1699 : i32
      %mul3A_1701 = arith.constant 16 : i32
      %mul3A_1702 = arith.muli %scan3A_428, %mul3A_1701 : i32
      %add3A_1703 = arith.constant 10 : i32
      %add3A_1704 = arith.addi %mul3A_1702, %add3A_1703 : i32
      %dma_wait3A_1705 = arith.constant 0 : i32
      %dma_wait3A_1706 = arith.constant 0 : i32
      %dma_wait3A_1707 = tpu.memref_slice %arg4[%dma_wait3A_1705, %dma_wait3A_1706] : memref<64x1000000xf32, #tpu.memory_space<hbm>> -> memref<64x128xf32, #tpu.memory_space<hbm>>
      %dma_wait3A_1708 = arith.constant 0 : i32
      %dma_wait3A_1709 = arith.constant 0 : i32
      %dma_wait3A_1710 = tpu.memref_slice %arg4[%dma_wait3A_1708, %dma_wait3A_1709] : memref<64x1000000xf32, #tpu.memory_space<hbm>> -> memref<64x128xf32, #tpu.memory_space<hbm>>
      tpu.wait_dma2 semaphore(%arg24 : memref<!tpu.dma_semaphore, #tpu.memory_space<semaphore_mem>>) src(%dma_wait3A_1710 : memref<64x128xf32, #tpu.memory_space<hbm>>) dst(%arg12 : memref<64x128xf32, #tpu.memory_space<vmem>>)
      %dma_wait3A_1711 = arith.constant 0 : i32
      %dma_wait3A_1712 = arith.constant 0 : i32
      %dma_wait3A_1713 = tpu.memref_slice %arg5[%dma_wait3A_1711, %dma_wait3A_1712] : memref<64x1000000xf32, #tpu.memory_space<hbm>> -> memref<64x128xf32, #tpu.memory_space<hbm>>
      %dma_wait3A_1714 = arith.constant 0 : i32
      %dma_wait3A_1715 = arith.constant 0 : i32
      %dma_wait3A_1716 = tpu.memref_slice %arg5[%dma_wait3A_1714, %dma_wait3A_1715] : memref<64x1000000xf32, #tpu.memory_space<hbm>> -> memref<64x128xf32, #tpu.memory_space<hbm>>
      tpu.wait_dma2 semaphore(%arg28 : memref<!tpu.dma_semaphore, #tpu.memory_space<semaphore_mem>>) src(%dma_wait3A_1716 : memref<64x128xf32, #tpu.memory_space<hbm>>) dst(%arg16 : memref<64x128xf32, #tpu.memory_space<vmem>>)
      %broadcast_in_dim3A_1717 = arith.constant 0 : i32
      %broadcast_in_dim3A_1718 = vector.broadcast %broadcast_in_dim3A_1717 : i32 to vector<16xi32>
      %add3A_1719 = vector.broadcast %and3A_1291 : i32 to vector<16xi32>
      %add3A_1720 = arith.addi %broadcast_in_dim3A_1718, %add3A_1719 : vector<16xi32>
      %broadcast_in_dim3A_1721 = arith.constant 0 : i32
      %broadcast_in_dim3A_1722 = vector.broadcast %broadcast_in_dim3A_1721 : i32 to vector<16xi32>
      %add3A_1723 = vector.broadcast %and3A_818 : i32 to vector<16xi32>
      %add3A_1724 = arith.addi %broadcast_in_dim3A_1722, %add3A_1723 : vector<16xi32>
      %broadcast_in_dim3A_1725 = arith.constant 0.000000e+00 : f32
      %broadcast_in_dim3A_1726 = vector.broadcast %broadcast_in_dim3A_1725 : f32 to vector<16xf32>
      %add3A_1727 = arith.constant 0 : i32
      %add3A_1728 = vector.broadcast %add3A_1727 : i32 to vector<16xi32>
      %add3A_1729 = arith.addi %iota3A, %add3A_1728 : vector<16xi32>
      %gather3A_1730 = tpu.vector_load_idx %arg12[%add3A_1729, %add3A_1720] : memref<64x128xf32, #tpu.memory_space<vmem>>[vector<16xi32>, vector<16xi32>], vector<16xf32>,
      %gather3A_1731 = tpu.vector_load_idx %arg16[%add3A_1729, %add3A_1724] : memref<64x128xf32, #tpu.memory_space<vmem>>[vector<16xi32>, vector<16xi32>], vector<16xf32>,
      %mul3A_1732 = arith.mulf %gather3A_1730, %gather3A_1731 : vector<16xf32>
      %add3A_1733 = arith.addf %broadcast_in_dim3A_1726, %mul3A_1732 : vector<16xf32>
      %add3A_1734 = arith.constant 16 : i32
      %add3A_1735 = vector.broadcast %add3A_1734 : i32 to vector<16xi32>
      %add3A_1736 = arith.addi %iota3A, %add3A_1735 : vector<16xi32>
      %gather3A_1737 = tpu.vector_load_idx %arg12[%add3A_1736, %add3A_1720] : memref<64x128xf32, #tpu.memory_space<vmem>>[vector<16xi32>, vector<16xi32>], vector<16xf32>,
      %gather3A_1738 = tpu.vector_load_idx %arg16[%add3A_1736, %add3A_1724] : memref<64x128xf32, #tpu.memory_space<vmem>>[vector<16xi32>, vector<16xi32>], vector<16xf32>,
      %mul3A_1739 = arith.mulf %gather3A_1737, %gather3A_1738 : vector<16xf32>
      %add3A_1740 = arith.addf %add3A_1733, %mul3A_1739 : vector<16xf32>
      %add3A_1741 = arith.constant 32 : i32
      %add3A_1742 = vector.broadcast %add3A_1741 : i32 to vector<16xi32>
      %add3A_1743 = arith.addi %iota3A, %add3A_1742 : vector<16xi32>
      %gather3A_1744 = tpu.vector_load_idx %arg12[%add3A_1743, %add3A_1720] : memref<64x128xf32, #tpu.memory_space<vmem>>[vector<16xi32>, vector<16xi32>], vector<16xf32>,
      %gather3A_1745 = tpu.vector_load_idx %arg16[%add3A_1743, %add3A_1724] : memref<64x128xf32, #tpu.memory_space<vmem>>[vector<16xi32>, vector<16xi32>], vector<16xf32>,
      %mul3A_1746 = arith.mulf %gather3A_1744, %gather3A_1745 : vector<16xf32>
      %add3A_1747 = arith.addf %add3A_1740, %mul3A_1746 : vector<16xf32>
      %add3A_1748 = arith.constant 48 : i32
      %add3A_1749 = vector.broadcast %add3A_1748 : i32 to vector<16xi32>
      %add3A_1750 = arith.addi %iota3A, %add3A_1749 : vector<16xi32>
      %gather3A_1751 = tpu.vector_load_idx %arg12[%add3A_1750, %add3A_1720] : memref<64x128xf32, #tpu.memory_space<vmem>>[vector<16xi32>, vector<16xi32>], vector<16xf32>,
      %gather3A_1752 = tpu.vector_load_idx %arg16[%add3A_1750, %add3A_1724] : memref<64x128xf32, #tpu.memory_space<vmem>>[vector<16xi32>, vector<16xi32>], vector<16xf32>,
      %mul3A_1753 = arith.mulf %gather3A_1751, %gather3A_1752 : vector<16xf32>
      %add3A_1754 = arith.addf %add3A_1747, %mul3A_1753 : vector<16xf32>
      %and3A_1755 = arith.constant 15 : i32
      %and3A_1756 = arith.andi %add3A_1704, %and3A_1755 : i32
      %eq3A_1757 = vector.broadcast %and3A_1756 : i32 to vector<16xi32>
      %eq3A_1758 = arith.cmpi eq, %iota3A, %eq3A_1757 : vector<16xi32>
      %reduce_sum3A_1759 = arith.constant true
      %reduce_sum3A_1760 = vector.broadcast %reduce_sum3A_1759 : i1 to vector<16xi1>
      %reduce_sum3A_1761 = tpu.scan <sum>, %add3A_1754 masked %reduce_sum3A_1760 : vector<16xf32>, vector<16xi1> -> vector<16xf32>
      %reduce_sum3A_1762 = vector.extract %reduce_sum3A_1761[15] : f32 from vector<16xf32>
      %broadcast_in_dim3A_1763 = vector.broadcast %reduce_sum3A_1762 : f32 to vector<16xf32>
      %select_n3A_1764 = arith.select %eq3A_1758, %broadcast_in_dim3A_1763, %select_n3A_1638 : vector<16xi1>, vector<16xf32>
      %add3A_1765 = arith.constant 4 : i32
      %add3A_1766 = arith.addi %add3A_1704, %add3A_1765 : i32
      %min3A_1767 = arith.constant 511 : i32
      %min3A_1768 = arith.minsi %add3A_1766, %min3A_1767 : i32
      %shift_right_arithmetic3A_1769 = arith.constant 4 : i32
      %shift_right_arithmetic3A_1770 = arith.shrsi %min3A_1768, %shift_right_arithmetic3A_1769 : i32
      %shift_left3A_1771 = arith.constant 4 : i32
      %shift_left3A_1772 = arith.shli %shift_right_arithmetic3A_1770, %shift_left3A_1771 : i32
      %get3A_1773 = arith.index_cast %shift_left3A_1772 : i32 to index
      %get3A_1774 = tpu.vector_load %arg7[%get3A_1773] {strides = array<i32>} : memref<512xi32, #tpu.memory_space<vmem>>, vector<16xi32>,
      %sub3A_1775 = arith.subi %min3A_1768, %shift_left3A_1772 : i32
      %eq3A_1776 = vector.broadcast %sub3A_1775 : i32 to vector<16xi32>
      %eq3A_1777 = arith.cmpi eq, %iota3A, %eq3A_1776 : vector<16xi32>
      %jit3A_1778 = arith.constant 0 : i32
      %broadcast_in_dim3A_1779 = vector.broadcast %jit3A_1778 : i32 to vector<16xi32>
      %select_n3A_1780 = arith.select %eq3A_1777, %get3A_1774, %broadcast_in_dim3A_1779 : vector<16xi1>, vector<16xi32>
      %reduce_sum3A_1781 = arith.constant true
      %reduce_sum3A_1782 = vector.broadcast %reduce_sum3A_1781 : i1 to vector<16xi1>
      %reduce_sum3A_1783 = tpu.scan <sum>, %select_n3A_1780 masked %reduce_sum3A_1782 : vector<16xi32>, vector<16xi1> -> vector<16xi32>
      %reduce_sum3A_1784 = vector.extract %reduce_sum3A_1783[15] : i32 from vector<16xi32>
      %shift_right_arithmetic3A_1785 = arith.constant 7 : i32
      %shift_right_arithmetic3A_1786 = arith.shrsi %reduce_sum3A_1784, %shift_right_arithmetic3A_1785 : i32
      %shift_left3A_1787 = arith.constant 7 : i32
      %shift_left3A_1788 = arith.shli %shift_right_arithmetic3A_1786, %shift_left3A_1787 : i32
      %multiple_of3A_1789 = tpu.assume_multiple %shift_left3A_1788, 128 : i32
      %dma_start3A_1790 = arith.constant 0 : i32
      %dma_start3A_1791 = tpu.memref_slice %arg4[%dma_start3A_1790, %multiple_of3A_1789] : memref<64x1000000xf32, #tpu.memory_space<hbm>> -> memref<64x128xf32, #tpu.memory_space<hbm>>
      %dma_start3A_1792 = arith.constant 0 : i32
      %dma_start3A_1793 = tpu.memref_slice %arg4[%dma_start3A_1792, %multiple_of3A_1789] : memref<64x1000000xf32, #tpu.memory_space<hbm>> -> memref<64x128xf32, #tpu.memory_space<hbm>>
      tpu.enqueue_dma source(%dma_start3A_1793 : memref<64x128xf32, #tpu.memory_space<hbm>>) target(%arg12 : memref<64x128xf32, #tpu.memory_space<vmem>>) target_semaphore(%arg24 : memref<!tpu.dma_semaphore, #tpu.memory_space<semaphore_mem>>)
      %and3A_1794 = arith.constant 127 : i32
      %and3A_1795 = arith.andi %reduce_sum3A_1784, %and3A_1794 : i32
      %add3A_1796 = arith.constant 8 : i32
      %add3A_1797 = arith.addi %add3A_1704, %add3A_1796 : i32
      %min3A_1798 = arith.constant 511 : i32
      %min3A_1799 = arith.minsi %add3A_1797, %min3A_1798 : i32
      %shift_right_arithmetic3A_1800 = arith.constant 4 : i32
      %shift_right_arithmetic3A_1801 = arith.shrsi %min3A_1799, %shift_right_arithmetic3A_1800 : i32
      %shift_left3A_1802 = arith.constant 4 : i32
      %shift_left3A_1803 = arith.shli %shift_right_arithmetic3A_1801, %shift_left3A_1802 : i32
      %get3A_1804 = arith.index_cast %shift_left3A_1803 : i32 to index
      %get3A_1805 = tpu.vector_load %arg8[%get3A_1804] {strides = array<i32>} : memref<512xi32, #tpu.memory_space<vmem>>, vector<16xi32>,
      %sub3A_1806 = arith.subi %min3A_1799, %shift_left3A_1803 : i32
      %eq3A_1807 = vector.broadcast %sub3A_1806 : i32 to vector<16xi32>
      %eq3A_1808 = arith.cmpi eq, %iota3A, %eq3A_1807 : vector<16xi32>
      %jit3A_1809 = arith.constant 0 : i32
      %broadcast_in_dim3A_1810 = vector.broadcast %jit3A_1809 : i32 to vector<16xi32>
      %select_n3A_1811 = arith.select %eq3A_1808, %get3A_1805, %broadcast_in_dim3A_1810 : vector<16xi1>, vector<16xi32>
      %reduce_sum3A_1812 = arith.constant true
      %reduce_sum3A_1813 = vector.broadcast %reduce_sum3A_1812 : i1 to vector<16xi1>
      %reduce_sum3A_1814 = tpu.scan <sum>, %select_n3A_1811 masked %reduce_sum3A_1813 : vector<16xi32>, vector<16xi1> -> vector<16xi32>
      %reduce_sum3A_1815 = vector.extract %reduce_sum3A_1814[15] : i32 from vector<16xi32>
      %shift_right_arithmetic3A_1816 = arith.constant 7 : i32
      %shift_right_arithmetic3A_1817 = arith.shrsi %reduce_sum3A_1815, %shift_right_arithmetic3A_1816 : i32
      %shift_left3A_1818 = arith.constant 7 : i32
      %shift_left3A_1819 = arith.shli %shift_right_arithmetic3A_1817, %shift_left3A_1818 : i32
      %multiple_of3A_1820 = tpu.assume_multiple %shift_left3A_1819, 128 : i32
      %dma_start3A_1821 = arith.constant 0 : i32
      %dma_start3A_1822 = tpu.memref_slice %arg5[%dma_start3A_1821, %multiple_of3A_1820] : memref<64x1000000xf32, #tpu.memory_space<hbm>> -> memref<64x128xf32, #tpu.memory_space<hbm>>
      %dma_start3A_1823 = arith.constant 0 : i32
      %dma_start3A_1824 = tpu.memref_slice %arg5[%dma_start3A_1823, %multiple_of3A_1820] : memref<64x1000000xf32, #tpu.memory_space<hbm>> -> memref<64x128xf32, #tpu.memory_space<hbm>>
      tpu.enqueue_dma source(%dma_start3A_1824 : memref<64x128xf32, #tpu.memory_space<hbm>>) target(%arg16 : memref<64x128xf32, #tpu.memory_space<vmem>>) target_semaphore(%arg28 : memref<!tpu.dma_semaphore, #tpu.memory_space<semaphore_mem>>)
      %and3A_1825 = arith.constant 127 : i32
      %and3A_1826 = arith.andi %reduce_sum3A_1815, %and3A_1825 : i32
      %mul3A_1827 = arith.constant 16 : i32
      %mul3A_1828 = arith.muli %scan3A_428, %mul3A_1827 : i32
      %add3A_1829 = arith.constant 11 : i32
      %add3A_1830 = arith.addi %mul3A_1828, %add3A_1829 : i32
      %dma_wait3A_1831 = arith.constant 0 : i32
      %dma_wait3A_1832 = arith.constant 0 : i32
      %dma_wait3A_1833 = tpu.memref_slice %arg4[%dma_wait3A_1831, %dma_wait3A_1832] : memref<64x1000000xf32, #tpu.memory_space<hbm>> -> memref<64x128xf32, #tpu.memory_space<hbm>>
      %dma_wait3A_1834 = arith.constant 0 : i32
      %dma_wait3A_1835 = arith.constant 0 : i32
      %dma_wait3A_1836 = tpu.memref_slice %arg4[%dma_wait3A_1834, %dma_wait3A_1835] : memref<64x1000000xf32, #tpu.memory_space<hbm>> -> memref<64x128xf32, #tpu.memory_space<hbm>>
      tpu.wait_dma2 semaphore(%arg25 : memref<!tpu.dma_semaphore, #tpu.memory_space<semaphore_mem>>) src(%dma_wait3A_1836 : memref<64x128xf32, #tpu.memory_space<hbm>>) dst(%arg13 : memref<64x128xf32, #tpu.memory_space<vmem>>)
      %dma_wait3A_1837 = arith.constant 0 : i32
      %dma_wait3A_1838 = arith.constant 0 : i32
      %dma_wait3A_1839 = tpu.memref_slice %arg5[%dma_wait3A_1837, %dma_wait3A_1838] : memref<64x1000000xf32, #tpu.memory_space<hbm>> -> memref<64x128xf32, #tpu.memory_space<hbm>>
      %dma_wait3A_1840 = arith.constant 0 : i32
      %dma_wait3A_1841 = arith.constant 0 : i32
      %dma_wait3A_1842 = tpu.memref_slice %arg5[%dma_wait3A_1840, %dma_wait3A_1841] : memref<64x1000000xf32, #tpu.memory_space<hbm>> -> memref<64x128xf32, #tpu.memory_space<hbm>>
      tpu.wait_dma2 semaphore(%arg29 : memref<!tpu.dma_semaphore, #tpu.memory_space<semaphore_mem>>) src(%dma_wait3A_1842 : memref<64x128xf32, #tpu.memory_space<hbm>>) dst(%arg17 : memref<64x128xf32, #tpu.memory_space<vmem>>)
      %broadcast_in_dim3A_1843 = arith.constant 0 : i32
      %broadcast_in_dim3A_1844 = vector.broadcast %broadcast_in_dim3A_1843 : i32 to vector<16xi32>
      %add3A_1845 = vector.broadcast %and3A_1417 : i32 to vector<16xi32>
      %add3A_1846 = arith.addi %broadcast_in_dim3A_1844, %add3A_1845 : vector<16xi32>
      %broadcast_in_dim3A_1847 = arith.constant 0 : i32
      %broadcast_in_dim3A_1848 = vector.broadcast %broadcast_in_dim3A_1847 : i32 to vector<16xi32>
      %add3A_1849 = vector.broadcast %and3A_944 : i32 to vector<16xi32>
      %add3A_1850 = arith.addi %broadcast_in_dim3A_1848, %add3A_1849 : vector<16xi32>
      %broadcast_in_dim3A_1851 = arith.constant 0.000000e+00 : f32
      %broadcast_in_dim3A_1852 = vector.broadcast %broadcast_in_dim3A_1851 : f32 to vector<16xf32>
      %add3A_1853 = arith.constant 0 : i32
      %add3A_1854 = vector.broadcast %add3A_1853 : i32 to vector<16xi32>
      %add3A_1855 = arith.addi %iota3A, %add3A_1854 : vector<16xi32>
      %gather3A_1856 = tpu.vector_load_idx %arg13[%add3A_1855, %add3A_1846] : memref<64x128xf32, #tpu.memory_space<vmem>>[vector<16xi32>, vector<16xi32>], vector<16xf32>,
      %gather3A_1857 = tpu.vector_load_idx %arg17[%add3A_1855, %add3A_1850] : memref<64x128xf32, #tpu.memory_space<vmem>>[vector<16xi32>, vector<16xi32>], vector<16xf32>,
      %mul3A_1858 = arith.mulf %gather3A_1856, %gather3A_1857 : vector<16xf32>
      %add3A_1859 = arith.addf %broadcast_in_dim3A_1852, %mul3A_1858 : vector<16xf32>
      %add3A_1860 = arith.constant 16 : i32
      %add3A_1861 = vector.broadcast %add3A_1860 : i32 to vector<16xi32>
      %add3A_1862 = arith.addi %iota3A, %add3A_1861 : vector<16xi32>
      %gather3A_1863 = tpu.vector_load_idx %arg13[%add3A_1862, %add3A_1846] : memref<64x128xf32, #tpu.memory_space<vmem>>[vector<16xi32>, vector<16xi32>], vector<16xf32>,
      %gather3A_1864 = tpu.vector_load_idx %arg17[%add3A_1862, %add3A_1850] : memref<64x128xf32, #tpu.memory_space<vmem>>[vector<16xi32>, vector<16xi32>], vector<16xf32>,
      %mul3A_1865 = arith.mulf %gather3A_1863, %gather3A_1864 : vector<16xf32>
      %add3A_1866 = arith.addf %add3A_1859, %mul3A_1865 : vector<16xf32>
      %add3A_1867 = arith.constant 32 : i32
      %add3A_1868 = vector.broadcast %add3A_1867 : i32 to vector<16xi32>
      %add3A_1869 = arith.addi %iota3A, %add3A_1868 : vector<16xi32>
      %gather3A_1870 = tpu.vector_load_idx %arg13[%add3A_1869, %add3A_1846] : memref<64x128xf32, #tpu.memory_space<vmem>>[vector<16xi32>, vector<16xi32>], vector<16xf32>,
      %gather3A_1871 = tpu.vector_load_idx %arg17[%add3A_1869, %add3A_1850] : memref<64x128xf32, #tpu.memory_space<vmem>>[vector<16xi32>, vector<16xi32>], vector<16xf32>,
      %mul3A_1872 = arith.mulf %gather3A_1870, %gather3A_1871 : vector<16xf32>
      %add3A_1873 = arith.addf %add3A_1866, %mul3A_1872 : vector<16xf32>
      %add3A_1874 = arith.constant 48 : i32
      %add3A_1875 = vector.broadcast %add3A_1874 : i32 to vector<16xi32>
      %add3A_1876 = arith.addi %iota3A, %add3A_1875 : vector<16xi32>
      %gather3A_1877 = tpu.vector_load_idx %arg13[%add3A_1876, %add3A_1846] : memref<64x128xf32, #tpu.memory_space<vmem>>[vector<16xi32>, vector<16xi32>], vector<16xf32>,
      %gather3A_1878 = tpu.vector_load_idx %arg17[%add3A_1876, %add3A_1850] : memref<64x128xf32, #tpu.memory_space<vmem>>[vector<16xi32>, vector<16xi32>], vector<16xf32>,
      %mul3A_1879 = arith.mulf %gather3A_1877, %gather3A_1878 : vector<16xf32>
      %add3A_1880 = arith.addf %add3A_1873, %mul3A_1879 : vector<16xf32>
      %and3A_1881 = arith.constant 15 : i32
      %and3A_1882 = arith.andi %add3A_1830, %and3A_1881 : i32
      %eq3A_1883 = vector.broadcast %and3A_1882 : i32 to vector<16xi32>
      %eq3A_1884 = arith.cmpi eq, %iota3A, %eq3A_1883 : vector<16xi32>
      %reduce_sum3A_1885 = arith.constant true
      %reduce_sum3A_1886 = vector.broadcast %reduce_sum3A_1885 : i1 to vector<16xi1>
      %reduce_sum3A_1887 = tpu.scan <sum>, %add3A_1880 masked %reduce_sum3A_1886 : vector<16xf32>, vector<16xi1> -> vector<16xf32>
      %reduce_sum3A_1888 = vector.extract %reduce_sum3A_1887[15] : f32 from vector<16xf32>
      %broadcast_in_dim3A_1889 = vector.broadcast %reduce_sum3A_1888 : f32 to vector<16xf32>
      %select_n3A_1890 = arith.select %eq3A_1884, %broadcast_in_dim3A_1889, %select_n3A_1764 : vector<16xi1>, vector<16xf32>
      %add3A_1891 = arith.constant 4 : i32
      %add3A_1892 = arith.addi %add3A_1830, %add3A_1891 : i32
      %min3A_1893 = arith.constant 511 : i32
      %min3A_1894 = arith.minsi %add3A_1892, %min3A_1893 : i32
      %shift_right_arithmetic3A_1895 = arith.constant 4 : i32
      %shift_right_arithmetic3A_1896 = arith.shrsi %min3A_1894, %shift_right_arithmetic3A_1895 : i32
      %shift_left3A_1897 = arith.constant 4 : i32
      %shift_left3A_1898 = arith.shli %shift_right_arithmetic3A_1896, %shift_left3A_1897 : i32
      %get3A_1899 = arith.index_cast %shift_left3A_1898 : i32 to index
      %get3A_1900 = tpu.vector_load %arg7[%get3A_1899] {strides = array<i32>} : memref<512xi32, #tpu.memory_space<vmem>>, vector<16xi32>,
      %sub3A_1901 = arith.subi %min3A_1894, %shift_left3A_1898 : i32
      %eq3A_1902 = vector.broadcast %sub3A_1901 : i32 to vector<16xi32>
      %eq3A_1903 = arith.cmpi eq, %iota3A, %eq3A_1902 : vector<16xi32>
      %jit3A_1904 = arith.constant 0 : i32
      %broadcast_in_dim3A_1905 = vector.broadcast %jit3A_1904 : i32 to vector<16xi32>
      %select_n3A_1906 = arith.select %eq3A_1903, %get3A_1900, %broadcast_in_dim3A_1905 : vector<16xi1>, vector<16xi32>
      %reduce_sum3A_1907 = arith.constant true
      %reduce_sum3A_1908 = vector.broadcast %reduce_sum3A_1907 : i1 to vector<16xi1>
      %reduce_sum3A_1909 = tpu.scan <sum>, %select_n3A_1906 masked %reduce_sum3A_1908 : vector<16xi32>, vector<16xi1> -> vector<16xi32>
      %reduce_sum3A_1910 = vector.extract %reduce_sum3A_1909[15] : i32 from vector<16xi32>
      %shift_right_arithmetic3A_1911 = arith.constant 7 : i32
      %shift_right_arithmetic3A_1912 = arith.shrsi %reduce_sum3A_1910, %shift_right_arithmetic3A_1911 : i32
      %shift_left3A_1913 = arith.constant 7 : i32
      %shift_left3A_1914 = arith.shli %shift_right_arithmetic3A_1912, %shift_left3A_1913 : i32
      %multiple_of3A_1915 = tpu.assume_multiple %shift_left3A_1914, 128 : i32
      %dma_start3A_1916 = arith.constant 0 : i32
      %dma_start3A_1917 = tpu.memref_slice %arg4[%dma_start3A_1916, %multiple_of3A_1915] : memref<64x1000000xf32, #tpu.memory_space<hbm>> -> memref<64x128xf32, #tpu.memory_space<hbm>>
      %dma_start3A_1918 = arith.constant 0 : i32
      %dma_start3A_1919 = tpu.memref_slice %arg4[%dma_start3A_1918, %multiple_of3A_1915] : memref<64x1000000xf32, #tpu.memory_space<hbm>> -> memref<64x128xf32, #tpu.memory_space<hbm>>
      tpu.enqueue_dma source(%dma_start3A_1919 : memref<64x128xf32, #tpu.memory_space<hbm>>) target(%arg13 : memref<64x128xf32, #tpu.memory_space<vmem>>) target_semaphore(%arg25 : memref<!tpu.dma_semaphore, #tpu.memory_space<semaphore_mem>>)
      %and3A_1920 = arith.constant 127 : i32
      %and3A_1921 = arith.andi %reduce_sum3A_1910, %and3A_1920 : i32
      %add3A_1922 = arith.constant 8 : i32
      %add3A_1923 = arith.addi %add3A_1830, %add3A_1922 : i32
      %min3A_1924 = arith.constant 511 : i32
      %min3A_1925 = arith.minsi %add3A_1923, %min3A_1924 : i32
      %shift_right_arithmetic3A_1926 = arith.constant 4 : i32
      %shift_right_arithmetic3A_1927 = arith.shrsi %min3A_1925, %shift_right_arithmetic3A_1926 : i32
      %shift_left3A_1928 = arith.constant 4 : i32
      %shift_left3A_1929 = arith.shli %shift_right_arithmetic3A_1927, %shift_left3A_1928 : i32
      %get3A_1930 = arith.index_cast %shift_left3A_1929 : i32 to index
      %get3A_1931 = tpu.vector_load %arg8[%get3A_1930] {strides = array<i32>} : memref<512xi32, #tpu.memory_space<vmem>>, vector<16xi32>,
      %sub3A_1932 = arith.subi %min3A_1925, %shift_left3A_1929 : i32
      %eq3A_1933 = vector.broadcast %sub3A_1932 : i32 to vector<16xi32>
      %eq3A_1934 = arith.cmpi eq, %iota3A, %eq3A_1933 : vector<16xi32>
      %jit3A_1935 = arith.constant 0 : i32
      %broadcast_in_dim3A_1936 = vector.broadcast %jit3A_1935 : i32 to vector<16xi32>
      %select_n3A_1937 = arith.select %eq3A_1934, %get3A_1931, %broadcast_in_dim3A_1936 : vector<16xi1>, vector<16xi32>
      %reduce_sum3A_1938 = arith.constant true
      %reduce_sum3A_1939 = vector.broadcast %reduce_sum3A_1938 : i1 to vector<16xi1>
      %reduce_sum3A_1940 = tpu.scan <sum>, %select_n3A_1937 masked %reduce_sum3A_1939 : vector<16xi32>, vector<16xi1> -> vector<16xi32>
      %reduce_sum3A_1941 = vector.extract %reduce_sum3A_1940[15] : i32 from vector<16xi32>
      %shift_right_arithmetic3A_1942 = arith.constant 7 : i32
      %shift_right_arithmetic3A_1943 = arith.shrsi %reduce_sum3A_1941, %shift_right_arithmetic3A_1942 : i32
      %shift_left3A_1944 = arith.constant 7 : i32
      %shift_left3A_1945 = arith.shli %shift_right_arithmetic3A_1943, %shift_left3A_1944 : i32
      %multiple_of3A_1946 = tpu.assume_multiple %shift_left3A_1945, 128 : i32
      %dma_start3A_1947 = arith.constant 0 : i32
      %dma_start3A_1948 = tpu.memref_slice %arg5[%dma_start3A_1947, %multiple_of3A_1946] : memref<64x1000000xf32, #tpu.memory_space<hbm>> -> memref<64x128xf32, #tpu.memory_space<hbm>>
      %dma_start3A_1949 = arith.constant 0 : i32
      %dma_start3A_1950 = tpu.memref_slice %arg5[%dma_start3A_1949, %multiple_of3A_1946] : memref<64x1000000xf32, #tpu.memory_space<hbm>> -> memref<64x128xf32, #tpu.memory_space<hbm>>
      tpu.enqueue_dma source(%dma_start3A_1950 : memref<64x128xf32, #tpu.memory_space<hbm>>) target(%arg17 : memref<64x128xf32, #tpu.memory_space<vmem>>) target_semaphore(%arg29 : memref<!tpu.dma_semaphore, #tpu.memory_space<semaphore_mem>>)
      %and3A_1951 = arith.constant 127 : i32
      %and3A_1952 = arith.andi %reduce_sum3A_1941, %and3A_1951 : i32
      %mul3A_1953 = arith.constant 16 : i32
      %mul3A_1954 = arith.muli %scan3A_428, %mul3A_1953 : i32
      %add3A_1955 = arith.constant 12 : i32
      %add3A_1956 = arith.addi %mul3A_1954, %add3A_1955 : i32
      %dma_wait3A_1957 = arith.constant 0 : i32
      %dma_wait3A_1958 = arith.constant 0 : i32
      %dma_wait3A_1959 = tpu.memref_slice %arg4[%dma_wait3A_1957, %dma_wait3A_1958] : memref<64x1000000xf32, #tpu.memory_space<hbm>> -> memref<64x128xf32, #tpu.memory_space<hbm>>
      %dma_wait3A_1960 = arith.constant 0 : i32
      %dma_wait3A_1961 = arith.constant 0 : i32
      %dma_wait3A_1962 = tpu.memref_slice %arg4[%dma_wait3A_1960, %dma_wait3A_1961] : memref<64x1000000xf32, #tpu.memory_space<hbm>> -> memref<64x128xf32, #tpu.memory_space<hbm>>
      tpu.wait_dma2 semaphore(%arg22 : memref<!tpu.dma_semaphore, #tpu.memory_space<semaphore_mem>>) src(%dma_wait3A_1962 : memref<64x128xf32, #tpu.memory_space<hbm>>) dst(%arg10 : memref<64x128xf32, #tpu.memory_space<vmem>>)
      %dma_wait3A_1963 = arith.constant 0 : i32
      %dma_wait3A_1964 = arith.constant 0 : i32
      %dma_wait3A_1965 = tpu.memref_slice %arg5[%dma_wait3A_1963, %dma_wait3A_1964] : memref<64x1000000xf32, #tpu.memory_space<hbm>> -> memref<64x128xf32, #tpu.memory_space<hbm>>
      %dma_wait3A_1966 = arith.constant 0 : i32
      %dma_wait3A_1967 = arith.constant 0 : i32
      %dma_wait3A_1968 = tpu.memref_slice %arg5[%dma_wait3A_1966, %dma_wait3A_1967] : memref<64x1000000xf32, #tpu.memory_space<hbm>> -> memref<64x128xf32, #tpu.memory_space<hbm>>
      tpu.wait_dma2 semaphore(%arg30 : memref<!tpu.dma_semaphore, #tpu.memory_space<semaphore_mem>>) src(%dma_wait3A_1968 : memref<64x128xf32, #tpu.memory_space<hbm>>) dst(%arg18 : memref<64x128xf32, #tpu.memory_space<vmem>>)
      %broadcast_in_dim3A_1969 = arith.constant 0 : i32
      %broadcast_in_dim3A_1970 = vector.broadcast %broadcast_in_dim3A_1969 : i32 to vector<16xi32>
      %add3A_1971 = vector.broadcast %and3A_1543 : i32 to vector<16xi32>
      %add3A_1972 = arith.addi %broadcast_in_dim3A_1970, %add3A_1971 : vector<16xi32>
      %broadcast_in_dim3A_1973 = arith.constant 0 : i32
      %broadcast_in_dim3A_1974 = vector.broadcast %broadcast_in_dim3A_1973 : i32 to vector<16xi32>
      %add3A_1975 = vector.broadcast %and3A_1070 : i32 to vector<16xi32>
      %add3A_1976 = arith.addi %broadcast_in_dim3A_1974, %add3A_1975 : vector<16xi32>
      %broadcast_in_dim3A_1977 = arith.constant 0.000000e+00 : f32
      %broadcast_in_dim3A_1978 = vector.broadcast %broadcast_in_dim3A_1977 : f32 to vector<16xf32>
      %add3A_1979 = arith.constant 0 : i32
      %add3A_1980 = vector.broadcast %add3A_1979 : i32 to vector<16xi32>
      %add3A_1981 = arith.addi %iota3A, %add3A_1980 : vector<16xi32>
      %gather3A_1982 = tpu.vector_load_idx %arg10[%add3A_1981, %add3A_1972] : memref<64x128xf32, #tpu.memory_space<vmem>>[vector<16xi32>, vector<16xi32>], vector<16xf32>,
      %gather3A_1983 = tpu.vector_load_idx %arg18[%add3A_1981, %add3A_1976] : memref<64x128xf32, #tpu.memory_space<vmem>>[vector<16xi32>, vector<16xi32>], vector<16xf32>,
      %mul3A_1984 = arith.mulf %gather3A_1982, %gather3A_1983 : vector<16xf32>
      %add3A_1985 = arith.addf %broadcast_in_dim3A_1978, %mul3A_1984 : vector<16xf32>
      %add3A_1986 = arith.constant 16 : i32
      %add3A_1987 = vector.broadcast %add3A_1986 : i32 to vector<16xi32>
      %add3A_1988 = arith.addi %iota3A, %add3A_1987 : vector<16xi32>
      %gather3A_1989 = tpu.vector_load_idx %arg10[%add3A_1988, %add3A_1972] : memref<64x128xf32, #tpu.memory_space<vmem>>[vector<16xi32>, vector<16xi32>], vector<16xf32>,
      %gather3A_1990 = tpu.vector_load_idx %arg18[%add3A_1988, %add3A_1976] : memref<64x128xf32, #tpu.memory_space<vmem>>[vector<16xi32>, vector<16xi32>], vector<16xf32>,
      %mul3A_1991 = arith.mulf %gather3A_1989, %gather3A_1990 : vector<16xf32>
      %add3A_1992 = arith.addf %add3A_1985, %mul3A_1991 : vector<16xf32>
      %add3A_1993 = arith.constant 32 : i32
      %add3A_1994 = vector.broadcast %add3A_1993 : i32 to vector<16xi32>
      %add3A_1995 = arith.addi %iota3A, %add3A_1994 : vector<16xi32>
      %gather3A_1996 = tpu.vector_load_idx %arg10[%add3A_1995, %add3A_1972] : memref<64x128xf32, #tpu.memory_space<vmem>>[vector<16xi32>, vector<16xi32>], vector<16xf32>,
      %gather3A_1997 = tpu.vector_load_idx %arg18[%add3A_1995, %add3A_1976] : memref<64x128xf32, #tpu.memory_space<vmem>>[vector<16xi32>, vector<16xi32>], vector<16xf32>,
      %mul3A_1998 = arith.mulf %gather3A_1996, %gather3A_1997 : vector<16xf32>
      %add3A_1999 = arith.addf %add3A_1992, %mul3A_1998 : vector<16xf32>
      %add3A_2000 = arith.constant 48 : i32
      %add3A_2001 = vector.broadcast %add3A_2000 : i32 to vector<16xi32>
      %add3A_2002 = arith.addi %iota3A, %add3A_2001 : vector<16xi32>
      %gather3A_2003 = tpu.vector_load_idx %arg10[%add3A_2002, %add3A_1972] : memref<64x128xf32, #tpu.memory_space<vmem>>[vector<16xi32>, vector<16xi32>], vector<16xf32>,
      %gather3A_2004 = tpu.vector_load_idx %arg18[%add3A_2002, %add3A_1976] : memref<64x128xf32, #tpu.memory_space<vmem>>[vector<16xi32>, vector<16xi32>], vector<16xf32>,
      %mul3A_2005 = arith.mulf %gather3A_2003, %gather3A_2004 : vector<16xf32>
      %add3A_2006 = arith.addf %add3A_1999, %mul3A_2005 : vector<16xf32>
      %and3A_2007 = arith.constant 15 : i32
      %and3A_2008 = arith.andi %add3A_1956, %and3A_2007 : i32
      %eq3A_2009 = vector.broadcast %and3A_2008 : i32 to vector<16xi32>
      %eq3A_2010 = arith.cmpi eq, %iota3A, %eq3A_2009 : vector<16xi32>
      %reduce_sum3A_2011 = arith.constant true
      %reduce_sum3A_2012 = vector.broadcast %reduce_sum3A_2011 : i1 to vector<16xi1>
      %reduce_sum3A_2013 = tpu.scan <sum>, %add3A_2006 masked %reduce_sum3A_2012 : vector<16xf32>, vector<16xi1> -> vector<16xf32>
      %reduce_sum3A_2014 = vector.extract %reduce_sum3A_2013[15] : f32 from vector<16xf32>
      %broadcast_in_dim3A_2015 = vector.broadcast %reduce_sum3A_2014 : f32 to vector<16xf32>
      %select_n3A_2016 = arith.select %eq3A_2010, %broadcast_in_dim3A_2015, %select_n3A_1890 : vector<16xi1>, vector<16xf32>
      %add3A_2017 = arith.constant 4 : i32
      %add3A_2018 = arith.addi %add3A_1956, %add3A_2017 : i32
      %min3A_2019 = arith.constant 511 : i32
      %min3A_2020 = arith.minsi %add3A_2018, %min3A_2019 : i32
      %shift_right_arithmetic3A_2021 = arith.constant 4 : i32
      %shift_right_arithmetic3A_2022 = arith.shrsi %min3A_2020, %shift_right_arithmetic3A_2021 : i32
      %shift_left3A_2023 = arith.constant 4 : i32
      %shift_left3A_2024 = arith.shli %shift_right_arithmetic3A_2022, %shift_left3A_2023 : i32
      %get3A_2025 = arith.index_cast %shift_left3A_2024 : i32 to index
      %get3A_2026 = tpu.vector_load %arg7[%get3A_2025] {strides = array<i32>} : memref<512xi32, #tpu.memory_space<vmem>>, vector<16xi32>,
      %sub3A_2027 = arith.subi %min3A_2020, %shift_left3A_2024 : i32
      %eq3A_2028 = vector.broadcast %sub3A_2027 : i32 to vector<16xi32>
      %eq3A_2029 = arith.cmpi eq, %iota3A, %eq3A_2028 : vector<16xi32>
      %jit3A_2030 = arith.constant 0 : i32
      %broadcast_in_dim3A_2031 = vector.broadcast %jit3A_2030 : i32 to vector<16xi32>
      %select_n3A_2032 = arith.select %eq3A_2029, %get3A_2026, %broadcast_in_dim3A_2031 : vector<16xi1>, vector<16xi32>
      %reduce_sum3A_2033 = arith.constant true
      %reduce_sum3A_2034 = vector.broadcast %reduce_sum3A_2033 : i1 to vector<16xi1>
      %reduce_sum3A_2035 = tpu.scan <sum>, %select_n3A_2032 masked %reduce_sum3A_2034 : vector<16xi32>, vector<16xi1> -> vector<16xi32>
      %reduce_sum3A_2036 = vector.extract %reduce_sum3A_2035[15] : i32 from vector<16xi32>
      %shift_right_arithmetic3A_2037 = arith.constant 7 : i32
      %shift_right_arithmetic3A_2038 = arith.shrsi %reduce_sum3A_2036, %shift_right_arithmetic3A_2037 : i32
      %shift_left3A_2039 = arith.constant 7 : i32
      %shift_left3A_2040 = arith.shli %shift_right_arithmetic3A_2038, %shift_left3A_2039 : i32
      %multiple_of3A_2041 = tpu.assume_multiple %shift_left3A_2040, 128 : i32
      %dma_start3A_2042 = arith.constant 0 : i32
      %dma_start3A_2043 = tpu.memref_slice %arg4[%dma_start3A_2042, %multiple_of3A_2041] : memref<64x1000000xf32, #tpu.memory_space<hbm>> -> memref<64x128xf32, #tpu.memory_space<hbm>>
      %dma_start3A_2044 = arith.constant 0 : i32
      %dma_start3A_2045 = tpu.memref_slice %arg4[%dma_start3A_2044, %multiple_of3A_2041] : memref<64x1000000xf32, #tpu.memory_space<hbm>> -> memref<64x128xf32, #tpu.memory_space<hbm>>
      tpu.enqueue_dma source(%dma_start3A_2045 : memref<64x128xf32, #tpu.memory_space<hbm>>) target(%arg10 : memref<64x128xf32, #tpu.memory_space<vmem>>) target_semaphore(%arg22 : memref<!tpu.dma_semaphore, #tpu.memory_space<semaphore_mem>>)
      %and3A_2046 = arith.constant 127 : i32
      %and3A_2047 = arith.andi %reduce_sum3A_2036, %and3A_2046 : i32
      %add3A_2048 = arith.constant 8 : i32
      %add3A_2049 = arith.addi %add3A_1956, %add3A_2048 : i32
      %min3A_2050 = arith.constant 511 : i32
      %min3A_2051 = arith.minsi %add3A_2049, %min3A_2050 : i32
      %shift_right_arithmetic3A_2052 = arith.constant 4 : i32
      %shift_right_arithmetic3A_2053 = arith.shrsi %min3A_2051, %shift_right_arithmetic3A_2052 : i32
      %shift_left3A_2054 = arith.constant 4 : i32
      %shift_left3A_2055 = arith.shli %shift_right_arithmetic3A_2053, %shift_left3A_2054 : i32
      %get3A_2056 = arith.index_cast %shift_left3A_2055 : i32 to index
      %get3A_2057 = tpu.vector_load %arg8[%get3A_2056] {strides = array<i32>} : memref<512xi32, #tpu.memory_space<vmem>>, vector<16xi32>,
      %sub3A_2058 = arith.subi %min3A_2051, %shift_left3A_2055 : i32
      %eq3A_2059 = vector.broadcast %sub3A_2058 : i32 to vector<16xi32>
      %eq3A_2060 = arith.cmpi eq, %iota3A, %eq3A_2059 : vector<16xi32>
      %jit3A_2061 = arith.constant 0 : i32
      %broadcast_in_dim3A_2062 = vector.broadcast %jit3A_2061 : i32 to vector<16xi32>
      %select_n3A_2063 = arith.select %eq3A_2060, %get3A_2057, %broadcast_in_dim3A_2062 : vector<16xi1>, vector<16xi32>
      %reduce_sum3A_2064 = arith.constant true
      %reduce_sum3A_2065 = vector.broadcast %reduce_sum3A_2064 : i1 to vector<16xi1>
      %reduce_sum3A_2066 = tpu.scan <sum>, %select_n3A_2063 masked %reduce_sum3A_2065 : vector<16xi32>, vector<16xi1> -> vector<16xi32>
      %reduce_sum3A_2067 = vector.extract %reduce_sum3A_2066[15] : i32 from vector<16xi32>
      %shift_right_arithmetic3A_2068 = arith.constant 7 : i32
      %shift_right_arithmetic3A_2069 = arith.shrsi %reduce_sum3A_2067, %shift_right_arithmetic3A_2068 : i32
      %shift_left3A_2070 = arith.constant 7 : i32
      %shift_left3A_2071 = arith.shli %shift_right_arithmetic3A_2069, %shift_left3A_2070 : i32
      %multiple_of3A_2072 = tpu.assume_multiple %shift_left3A_2071, 128 : i32
      %dma_start3A_2073 = arith.constant 0 : i32
      %dma_start3A_2074 = tpu.memref_slice %arg5[%dma_start3A_2073, %multiple_of3A_2072] : memref<64x1000000xf32, #tpu.memory_space<hbm>> -> memref<64x128xf32, #tpu.memory_space<hbm>>
      %dma_start3A_2075 = arith.constant 0 : i32
      %dma_start3A_2076 = tpu.memref_slice %arg5[%dma_start3A_2075, %multiple_of3A_2072] : memref<64x1000000xf32, #tpu.memory_space<hbm>> -> memref<64x128xf32, #tpu.memory_space<hbm>>
      tpu.enqueue_dma source(%dma_start3A_2076 : memref<64x128xf32, #tpu.memory_space<hbm>>) target(%arg18 : memref<64x128xf32, #tpu.memory_space<vmem>>) target_semaphore(%arg30 : memref<!tpu.dma_semaphore, #tpu.memory_space<semaphore_mem>>)
      %and3A_2077 = arith.constant 127 : i32
      %and3A_2078 = arith.andi %reduce_sum3A_2067, %and3A_2077 : i32
      %mul3A_2079 = arith.constant 16 : i32
      %mul3A_2080 = arith.muli %scan3A_428, %mul3A_2079 : i32
      %add3A_2081 = arith.constant 13 : i32
      %add3A_2082 = arith.addi %mul3A_2080, %add3A_2081 : i32
      %dma_wait3A_2083 = arith.constant 0 : i32
      %dma_wait3A_2084 = arith.constant 0 : i32
      %dma_wait3A_2085 = tpu.memref_slice %arg4[%dma_wait3A_2083, %dma_wait3A_2084] : memref<64x1000000xf32, #tpu.memory_space<hbm>> -> memref<64x128xf32, #tpu.memory_space<hbm>>
      %dma_wait3A_2086 = arith.constant 0 : i32
      %dma_wait3A_2087 = arith.constant 0 : i32
      %dma_wait3A_2088 = tpu.memref_slice %arg4[%dma_wait3A_2086, %dma_wait3A_2087] : memref<64x1000000xf32, #tpu.memory_space<hbm>> -> memref<64x128xf32, #tpu.memory_space<hbm>>
      tpu.wait_dma2 semaphore(%arg23 : memref<!tpu.dma_semaphore, #tpu.memory_space<semaphore_mem>>) src(%dma_wait3A_2088 : memref<64x128xf32, #tpu.memory_space<hbm>>) dst(%arg11 : memref<64x128xf32, #tpu.memory_space<vmem>>)
      %dma_wait3A_2089 = arith.constant 0 : i32
      %dma_wait3A_2090 = arith.constant 0 : i32
      %dma_wait3A_2091 = tpu.memref_slice %arg5[%dma_wait3A_2089, %dma_wait3A_2090] : memref<64x1000000xf32, #tpu.memory_space<hbm>> -> memref<64x128xf32, #tpu.memory_space<hbm>>
      %dma_wait3A_2092 = arith.constant 0 : i32
      %dma_wait3A_2093 = arith.constant 0 : i32
      %dma_wait3A_2094 = tpu.memref_slice %arg5[%dma_wait3A_2092, %dma_wait3A_2093] : memref<64x1000000xf32, #tpu.memory_space<hbm>> -> memref<64x128xf32, #tpu.memory_space<hbm>>
      tpu.wait_dma2 semaphore(%arg31 : memref<!tpu.dma_semaphore, #tpu.memory_space<semaphore_mem>>) src(%dma_wait3A_2094 : memref<64x128xf32, #tpu.memory_space<hbm>>) dst(%arg19 : memref<64x128xf32, #tpu.memory_space<vmem>>)
      %broadcast_in_dim3A_2095 = arith.constant 0 : i32
      %broadcast_in_dim3A_2096 = vector.broadcast %broadcast_in_dim3A_2095 : i32 to vector<16xi32>
      %add3A_2097 = vector.broadcast %and3A_1669 : i32 to vector<16xi32>
      %add3A_2098 = arith.addi %broadcast_in_dim3A_2096, %add3A_2097 : vector<16xi32>
      %broadcast_in_dim3A_2099 = arith.constant 0 : i32
      %broadcast_in_dim3A_2100 = vector.broadcast %broadcast_in_dim3A_2099 : i32 to vector<16xi32>
      %add3A_2101 = vector.broadcast %and3A_1196 : i32 to vector<16xi32>
      %add3A_2102 = arith.addi %broadcast_in_dim3A_2100, %add3A_2101 : vector<16xi32>
      %broadcast_in_dim3A_2103 = arith.constant 0.000000e+00 : f32
      %broadcast_in_dim3A_2104 = vector.broadcast %broadcast_in_dim3A_2103 : f32 to vector<16xf32>
      %add3A_2105 = arith.constant 0 : i32
      %add3A_2106 = vector.broadcast %add3A_2105 : i32 to vector<16xi32>
      %add3A_2107 = arith.addi %iota3A, %add3A_2106 : vector<16xi32>
      %gather3A_2108 = tpu.vector_load_idx %arg11[%add3A_2107, %add3A_2098] : memref<64x128xf32, #tpu.memory_space<vmem>>[vector<16xi32>, vector<16xi32>], vector<16xf32>,
      %gather3A_2109 = tpu.vector_load_idx %arg19[%add3A_2107, %add3A_2102] : memref<64x128xf32, #tpu.memory_space<vmem>>[vector<16xi32>, vector<16xi32>], vector<16xf32>,
      %mul3A_2110 = arith.mulf %gather3A_2108, %gather3A_2109 : vector<16xf32>
      %add3A_2111 = arith.addf %broadcast_in_dim3A_2104, %mul3A_2110 : vector<16xf32>
      %add3A_2112 = arith.constant 16 : i32
      %add3A_2113 = vector.broadcast %add3A_2112 : i32 to vector<16xi32>
      %add3A_2114 = arith.addi %iota3A, %add3A_2113 : vector<16xi32>
      %gather3A_2115 = tpu.vector_load_idx %arg11[%add3A_2114, %add3A_2098] : memref<64x128xf32, #tpu.memory_space<vmem>>[vector<16xi32>, vector<16xi32>], vector<16xf32>,
      %gather3A_2116 = tpu.vector_load_idx %arg19[%add3A_2114, %add3A_2102] : memref<64x128xf32, #tpu.memory_space<vmem>>[vector<16xi32>, vector<16xi32>], vector<16xf32>,
      %mul3A_2117 = arith.mulf %gather3A_2115, %gather3A_2116 : vector<16xf32>
      %add3A_2118 = arith.addf %add3A_2111, %mul3A_2117 : vector<16xf32>
      %add3A_2119 = arith.constant 32 : i32
      %add3A_2120 = vector.broadcast %add3A_2119 : i32 to vector<16xi32>
      %add3A_2121 = arith.addi %iota3A, %add3A_2120 : vector<16xi32>
      %gather3A_2122 = tpu.vector_load_idx %arg11[%add3A_2121, %add3A_2098] : memref<64x128xf32, #tpu.memory_space<vmem>>[vector<16xi32>, vector<16xi32>], vector<16xf32>,
      %gather3A_2123 = tpu.vector_load_idx %arg19[%add3A_2121, %add3A_2102] : memref<64x128xf32, #tpu.memory_space<vmem>>[vector<16xi32>, vector<16xi32>], vector<16xf32>,
      %mul3A_2124 = arith.mulf %gather3A_2122, %gather3A_2123 : vector<16xf32>
      %add3A_2125 = arith.addf %add3A_2118, %mul3A_2124 : vector<16xf32>
      %add3A_2126 = arith.constant 48 : i32
      %add3A_2127 = vector.broadcast %add3A_2126 : i32 to vector<16xi32>
      %add3A_2128 = arith.addi %iota3A, %add3A_2127 : vector<16xi32>
      %gather3A_2129 = tpu.vector_load_idx %arg11[%add3A_2128, %add3A_2098] : memref<64x128xf32, #tpu.memory_space<vmem>>[vector<16xi32>, vector<16xi32>], vector<16xf32>,
      %gather3A_2130 = tpu.vector_load_idx %arg19[%add3A_2128, %add3A_2102] : memref<64x128xf32, #tpu.memory_space<vmem>>[vector<16xi32>, vector<16xi32>], vector<16xf32>,
      %mul3A_2131 = arith.mulf %gather3A_2129, %gather3A_2130 : vector<16xf32>
      %add3A_2132 = arith.addf %add3A_2125, %mul3A_2131 : vector<16xf32>
      %and3A_2133 = arith.constant 15 : i32
      %and3A_2134 = arith.andi %add3A_2082, %and3A_2133 : i32
      %eq3A_2135 = vector.broadcast %and3A_2134 : i32 to vector<16xi32>
      %eq3A_2136 = arith.cmpi eq, %iota3A, %eq3A_2135 : vector<16xi32>
      %reduce_sum3A_2137 = arith.constant true
      %reduce_sum3A_2138 = vector.broadcast %reduce_sum3A_2137 : i1 to vector<16xi1>
      %reduce_sum3A_2139 = tpu.scan <sum>, %add3A_2132 masked %reduce_sum3A_2138 : vector<16xf32>, vector<16xi1> -> vector<16xf32>
      %reduce_sum3A_2140 = vector.extract %reduce_sum3A_2139[15] : f32 from vector<16xf32>
      %broadcast_in_dim3A_2141 = vector.broadcast %reduce_sum3A_2140 : f32 to vector<16xf32>
      %select_n3A_2142 = arith.select %eq3A_2136, %broadcast_in_dim3A_2141, %select_n3A_2016 : vector<16xi1>, vector<16xf32>
      %add3A_2143 = arith.constant 4 : i32
      %add3A_2144 = arith.addi %add3A_2082, %add3A_2143 : i32
      %min3A_2145 = arith.constant 511 : i32
      %min3A_2146 = arith.minsi %add3A_2144, %min3A_2145 : i32
      %shift_right_arithmetic3A_2147 = arith.constant 4 : i32
      %shift_right_arithmetic3A_2148 = arith.shrsi %min3A_2146, %shift_right_arithmetic3A_2147 : i32
      %shift_left3A_2149 = arith.constant 4 : i32
      %shift_left3A_2150 = arith.shli %shift_right_arithmetic3A_2148, %shift_left3A_2149 : i32
      %get3A_2151 = arith.index_cast %shift_left3A_2150 : i32 to index
      %get3A_2152 = tpu.vector_load %arg7[%get3A_2151] {strides = array<i32>} : memref<512xi32, #tpu.memory_space<vmem>>, vector<16xi32>,
      %sub3A_2153 = arith.subi %min3A_2146, %shift_left3A_2150 : i32
      %eq3A_2154 = vector.broadcast %sub3A_2153 : i32 to vector<16xi32>
      %eq3A_2155 = arith.cmpi eq, %iota3A, %eq3A_2154 : vector<16xi32>
      %jit3A_2156 = arith.constant 0 : i32
      %broadcast_in_dim3A_2157 = vector.broadcast %jit3A_2156 : i32 to vector<16xi32>
      %select_n3A_2158 = arith.select %eq3A_2155, %get3A_2152, %broadcast_in_dim3A_2157 : vector<16xi1>, vector<16xi32>
      %reduce_sum3A_2159 = arith.constant true
      %reduce_sum3A_2160 = vector.broadcast %reduce_sum3A_2159 : i1 to vector<16xi1>
      %reduce_sum3A_2161 = tpu.scan <sum>, %select_n3A_2158 masked %reduce_sum3A_2160 : vector<16xi32>, vector<16xi1> -> vector<16xi32>
      %reduce_sum3A_2162 = vector.extract %reduce_sum3A_2161[15] : i32 from vector<16xi32>
      %shift_right_arithmetic3A_2163 = arith.constant 7 : i32
      %shift_right_arithmetic3A_2164 = arith.shrsi %reduce_sum3A_2162, %shift_right_arithmetic3A_2163 : i32
      %shift_left3A_2165 = arith.constant 7 : i32
      %shift_left3A_2166 = arith.shli %shift_right_arithmetic3A_2164, %shift_left3A_2165 : i32
      %multiple_of3A_2167 = tpu.assume_multiple %shift_left3A_2166, 128 : i32
      %dma_start3A_2168 = arith.constant 0 : i32
      %dma_start3A_2169 = tpu.memref_slice %arg4[%dma_start3A_2168, %multiple_of3A_2167] : memref<64x1000000xf32, #tpu.memory_space<hbm>> -> memref<64x128xf32, #tpu.memory_space<hbm>>
      %dma_start3A_2170 = arith.constant 0 : i32
      %dma_start3A_2171 = tpu.memref_slice %arg4[%dma_start3A_2170, %multiple_of3A_2167] : memref<64x1000000xf32, #tpu.memory_space<hbm>> -> memref<64x128xf32, #tpu.memory_space<hbm>>
      tpu.enqueue_dma source(%dma_start3A_2171 : memref<64x128xf32, #tpu.memory_space<hbm>>) target(%arg11 : memref<64x128xf32, #tpu.memory_space<vmem>>) target_semaphore(%arg23 : memref<!tpu.dma_semaphore, #tpu.memory_space<semaphore_mem>>)
      %and3A_2172 = arith.constant 127 : i32
      %and3A_2173 = arith.andi %reduce_sum3A_2162, %and3A_2172 : i32
      %add3A_2174 = arith.constant 8 : i32
      %add3A_2175 = arith.addi %add3A_2082, %add3A_2174 : i32
      %min3A_2176 = arith.constant 511 : i32
      %min3A_2177 = arith.minsi %add3A_2175, %min3A_2176 : i32
      %shift_right_arithmetic3A_2178 = arith.constant 4 : i32
      %shift_right_arithmetic3A_2179 = arith.shrsi %min3A_2177, %shift_right_arithmetic3A_2178 : i32
      %shift_left3A_2180 = arith.constant 4 : i32
      %shift_left3A_2181 = arith.shli %shift_right_arithmetic3A_2179, %shift_left3A_2180 : i32
      %get3A_2182 = arith.index_cast %shift_left3A_2181 : i32 to index
      %get3A_2183 = tpu.vector_load %arg8[%get3A_2182] {strides = array<i32>} : memref<512xi32, #tpu.memory_space<vmem>>, vector<16xi32>,
      %sub3A_2184 = arith.subi %min3A_2177, %shift_left3A_2181 : i32
      %eq3A_2185 = vector.broadcast %sub3A_2184 : i32 to vector<16xi32>
      %eq3A_2186 = arith.cmpi eq, %iota3A, %eq3A_2185 : vector<16xi32>
      %jit3A_2187 = arith.constant 0 : i32
      %broadcast_in_dim3A_2188 = vector.broadcast %jit3A_2187 : i32 to vector<16xi32>
      %select_n3A_2189 = arith.select %eq3A_2186, %get3A_2183, %broadcast_in_dim3A_2188 : vector<16xi1>, vector<16xi32>
      %reduce_sum3A_2190 = arith.constant true
      %reduce_sum3A_2191 = vector.broadcast %reduce_sum3A_2190 : i1 to vector<16xi1>
      %reduce_sum3A_2192 = tpu.scan <sum>, %select_n3A_2189 masked %reduce_sum3A_2191 : vector<16xi32>, vector<16xi1> -> vector<16xi32>
      %reduce_sum3A_2193 = vector.extract %reduce_sum3A_2192[15] : i32 from vector<16xi32>
      %shift_right_arithmetic3A_2194 = arith.constant 7 : i32
      %shift_right_arithmetic3A_2195 = arith.shrsi %reduce_sum3A_2193, %shift_right_arithmetic3A_2194 : i32
      %shift_left3A_2196 = arith.constant 7 : i32
      %shift_left3A_2197 = arith.shli %shift_right_arithmetic3A_2195, %shift_left3A_2196 : i32
      %multiple_of3A_2198 = tpu.assume_multiple %shift_left3A_2197, 128 : i32
      %dma_start3A_2199 = arith.constant 0 : i32
      %dma_start3A_2200 = tpu.memref_slice %arg5[%dma_start3A_2199, %multiple_of3A_2198] : memref<64x1000000xf32, #tpu.memory_space<hbm>> -> memref<64x128xf32, #tpu.memory_space<hbm>>
      %dma_start3A_2201 = arith.constant 0 : i32
      %dma_start3A_2202 = tpu.memref_slice %arg5[%dma_start3A_2201, %multiple_of3A_2198] : memref<64x1000000xf32, #tpu.memory_space<hbm>> -> memref<64x128xf32, #tpu.memory_space<hbm>>
      tpu.enqueue_dma source(%dma_start3A_2202 : memref<64x128xf32, #tpu.memory_space<hbm>>) target(%arg19 : memref<64x128xf32, #tpu.memory_space<vmem>>) target_semaphore(%arg31 : memref<!tpu.dma_semaphore, #tpu.memory_space<semaphore_mem>>)
      %and3A_2203 = arith.constant 127 : i32
      %and3A_2204 = arith.andi %reduce_sum3A_2193, %and3A_2203 : i32
      %mul3A_2205 = arith.constant 16 : i32
      %mul3A_2206 = arith.muli %scan3A_428, %mul3A_2205 : i32
      %add3A_2207 = arith.constant 14 : i32
      %add3A_2208 = arith.addi %mul3A_2206, %add3A_2207 : i32
      %dma_wait3A_2209 = arith.constant 0 : i32
      %dma_wait3A_2210 = arith.constant 0 : i32
      %dma_wait3A_2211 = tpu.memref_slice %arg4[%dma_wait3A_2209, %dma_wait3A_2210] : memref<64x1000000xf32, #tpu.memory_space<hbm>> -> memref<64x128xf32, #tpu.memory_space<hbm>>
      %dma_wait3A_2212 = arith.constant 0 : i32
      %dma_wait3A_2213 = arith.constant 0 : i32
      %dma_wait3A_2214 = tpu.memref_slice %arg4[%dma_wait3A_2212, %dma_wait3A_2213] : memref<64x1000000xf32, #tpu.memory_space<hbm>> -> memref<64x128xf32, #tpu.memory_space<hbm>>
      tpu.wait_dma2 semaphore(%arg24 : memref<!tpu.dma_semaphore, #tpu.memory_space<semaphore_mem>>) src(%dma_wait3A_2214 : memref<64x128xf32, #tpu.memory_space<hbm>>) dst(%arg12 : memref<64x128xf32, #tpu.memory_space<vmem>>)
      %dma_wait3A_2215 = arith.constant 0 : i32
      %dma_wait3A_2216 = arith.constant 0 : i32
      %dma_wait3A_2217 = tpu.memref_slice %arg5[%dma_wait3A_2215, %dma_wait3A_2216] : memref<64x1000000xf32, #tpu.memory_space<hbm>> -> memref<64x128xf32, #tpu.memory_space<hbm>>
      %dma_wait3A_2218 = arith.constant 0 : i32
      %dma_wait3A_2219 = arith.constant 0 : i32
      %dma_wait3A_2220 = tpu.memref_slice %arg5[%dma_wait3A_2218, %dma_wait3A_2219] : memref<64x1000000xf32, #tpu.memory_space<hbm>> -> memref<64x128xf32, #tpu.memory_space<hbm>>
      tpu.wait_dma2 semaphore(%arg32 : memref<!tpu.dma_semaphore, #tpu.memory_space<semaphore_mem>>) src(%dma_wait3A_2220 : memref<64x128xf32, #tpu.memory_space<hbm>>) dst(%arg20 : memref<64x128xf32, #tpu.memory_space<vmem>>)
      %broadcast_in_dim3A_2221 = arith.constant 0 : i32
      %broadcast_in_dim3A_2222 = vector.broadcast %broadcast_in_dim3A_2221 : i32 to vector<16xi32>
      %add3A_2223 = vector.broadcast %and3A_1795 : i32 to vector<16xi32>
      %add3A_2224 = arith.addi %broadcast_in_dim3A_2222, %add3A_2223 : vector<16xi32>
      %broadcast_in_dim3A_2225 = arith.constant 0 : i32
      %broadcast_in_dim3A_2226 = vector.broadcast %broadcast_in_dim3A_2225 : i32 to vector<16xi32>
      %add3A_2227 = vector.broadcast %and3A_1322 : i32 to vector<16xi32>
      %add3A_2228 = arith.addi %broadcast_in_dim3A_2226, %add3A_2227 : vector<16xi32>
      %broadcast_in_dim3A_2229 = arith.constant 0.000000e+00 : f32
      %broadcast_in_dim3A_2230 = vector.broadcast %broadcast_in_dim3A_2229 : f32 to vector<16xf32>
      %add3A_2231 = arith.constant 0 : i32
      %add3A_2232 = vector.broadcast %add3A_2231 : i32 to vector<16xi32>
      %add3A_2233 = arith.addi %iota3A, %add3A_2232 : vector<16xi32>
      %gather3A_2234 = tpu.vector_load_idx %arg12[%add3A_2233, %add3A_2224] : memref<64x128xf32, #tpu.memory_space<vmem>>[vector<16xi32>, vector<16xi32>], vector<16xf32>,
      %gather3A_2235 = tpu.vector_load_idx %arg20[%add3A_2233, %add3A_2228] : memref<64x128xf32, #tpu.memory_space<vmem>>[vector<16xi32>, vector<16xi32>], vector<16xf32>,
      %mul3A_2236 = arith.mulf %gather3A_2234, %gather3A_2235 : vector<16xf32>
      %add3A_2237 = arith.addf %broadcast_in_dim3A_2230, %mul3A_2236 : vector<16xf32>
      %add3A_2238 = arith.constant 16 : i32
      %add3A_2239 = vector.broadcast %add3A_2238 : i32 to vector<16xi32>
      %add3A_2240 = arith.addi %iota3A, %add3A_2239 : vector<16xi32>
      %gather3A_2241 = tpu.vector_load_idx %arg12[%add3A_2240, %add3A_2224] : memref<64x128xf32, #tpu.memory_space<vmem>>[vector<16xi32>, vector<16xi32>], vector<16xf32>,
      %gather3A_2242 = tpu.vector_load_idx %arg20[%add3A_2240, %add3A_2228] : memref<64x128xf32, #tpu.memory_space<vmem>>[vector<16xi32>, vector<16xi32>], vector<16xf32>,
      %mul3A_2243 = arith.mulf %gather3A_2241, %gather3A_2242 : vector<16xf32>
      %add3A_2244 = arith.addf %add3A_2237, %mul3A_2243 : vector<16xf32>
      %add3A_2245 = arith.constant 32 : i32
      %add3A_2246 = vector.broadcast %add3A_2245 : i32 to vector<16xi32>
      %add3A_2247 = arith.addi %iota3A, %add3A_2246 : vector<16xi32>
      %gather3A_2248 = tpu.vector_load_idx %arg12[%add3A_2247, %add3A_2224] : memref<64x128xf32, #tpu.memory_space<vmem>>[vector<16xi32>, vector<16xi32>], vector<16xf32>,
      %gather3A_2249 = tpu.vector_load_idx %arg20[%add3A_2247, %add3A_2228] : memref<64x128xf32, #tpu.memory_space<vmem>>[vector<16xi32>, vector<16xi32>], vector<16xf32>,
      %mul3A_2250 = arith.mulf %gather3A_2248, %gather3A_2249 : vector<16xf32>
      %add3A_2251 = arith.addf %add3A_2244, %mul3A_2250 : vector<16xf32>
      %add3A_2252 = arith.constant 48 : i32
      %add3A_2253 = vector.broadcast %add3A_2252 : i32 to vector<16xi32>
      %add3A_2254 = arith.addi %iota3A, %add3A_2253 : vector<16xi32>
      %gather3A_2255 = tpu.vector_load_idx %arg12[%add3A_2254, %add3A_2224] : memref<64x128xf32, #tpu.memory_space<vmem>>[vector<16xi32>, vector<16xi32>], vector<16xf32>,
      %gather3A_2256 = tpu.vector_load_idx %arg20[%add3A_2254, %add3A_2228] : memref<64x128xf32, #tpu.memory_space<vmem>>[vector<16xi32>, vector<16xi32>], vector<16xf32>,
      %mul3A_2257 = arith.mulf %gather3A_2255, %gather3A_2256 : vector<16xf32>
      %add3A_2258 = arith.addf %add3A_2251, %mul3A_2257 : vector<16xf32>
      %and3A_2259 = arith.constant 15 : i32
      %and3A_2260 = arith.andi %add3A_2208, %and3A_2259 : i32
      %eq3A_2261 = vector.broadcast %and3A_2260 : i32 to vector<16xi32>
      %eq3A_2262 = arith.cmpi eq, %iota3A, %eq3A_2261 : vector<16xi32>
      %reduce_sum3A_2263 = arith.constant true
      %reduce_sum3A_2264 = vector.broadcast %reduce_sum3A_2263 : i1 to vector<16xi1>
      %reduce_sum3A_2265 = tpu.scan <sum>, %add3A_2258 masked %reduce_sum3A_2264 : vector<16xf32>, vector<16xi1> -> vector<16xf32>
      %reduce_sum3A_2266 = vector.extract %reduce_sum3A_2265[15] : f32 from vector<16xf32>
      %broadcast_in_dim3A_2267 = vector.broadcast %reduce_sum3A_2266 : f32 to vector<16xf32>
      %select_n3A_2268 = arith.select %eq3A_2262, %broadcast_in_dim3A_2267, %select_n3A_2142 : vector<16xi1>, vector<16xf32>
      %add3A_2269 = arith.constant 4 : i32
      %add3A_2270 = arith.addi %add3A_2208, %add3A_2269 : i32
      %min3A_2271 = arith.constant 511 : i32
      %min3A_2272 = arith.minsi %add3A_2270, %min3A_2271 : i32
      %shift_right_arithmetic3A_2273 = arith.constant 4 : i32
      %shift_right_arithmetic3A_2274 = arith.shrsi %min3A_2272, %shift_right_arithmetic3A_2273 : i32
      %shift_left3A_2275 = arith.constant 4 : i32
      %shift_left3A_2276 = arith.shli %shift_right_arithmetic3A_2274, %shift_left3A_2275 : i32
      %get3A_2277 = arith.index_cast %shift_left3A_2276 : i32 to index
      %get3A_2278 = tpu.vector_load %arg7[%get3A_2277] {strides = array<i32>} : memref<512xi32, #tpu.memory_space<vmem>>, vector<16xi32>,
      %sub3A_2279 = arith.subi %min3A_2272, %shift_left3A_2276 : i32
      %eq3A_2280 = vector.broadcast %sub3A_2279 : i32 to vector<16xi32>
      %eq3A_2281 = arith.cmpi eq, %iota3A, %eq3A_2280 : vector<16xi32>
      %jit3A_2282 = arith.constant 0 : i32
      %broadcast_in_dim3A_2283 = vector.broadcast %jit3A_2282 : i32 to vector<16xi32>
      %select_n3A_2284 = arith.select %eq3A_2281, %get3A_2278, %broadcast_in_dim3A_2283 : vector<16xi1>, vector<16xi32>
      %reduce_sum3A_2285 = arith.constant true
      %reduce_sum3A_2286 = vector.broadcast %reduce_sum3A_2285 : i1 to vector<16xi1>
      %reduce_sum3A_2287 = tpu.scan <sum>, %select_n3A_2284 masked %reduce_sum3A_2286 : vector<16xi32>, vector<16xi1> -> vector<16xi32>
      %reduce_sum3A_2288 = vector.extract %reduce_sum3A_2287[15] : i32 from vector<16xi32>
      %shift_right_arithmetic3A_2289 = arith.constant 7 : i32
      %shift_right_arithmetic3A_2290 = arith.shrsi %reduce_sum3A_2288, %shift_right_arithmetic3A_2289 : i32
      %shift_left3A_2291 = arith.constant 7 : i32
      %shift_left3A_2292 = arith.shli %shift_right_arithmetic3A_2290, %shift_left3A_2291 : i32
      %multiple_of3A_2293 = tpu.assume_multiple %shift_left3A_2292, 128 : i32
      %dma_start3A_2294 = arith.constant 0 : i32
      %dma_start3A_2295 = tpu.memref_slice %arg4[%dma_start3A_2294, %multiple_of3A_2293] : memref<64x1000000xf32, #tpu.memory_space<hbm>> -> memref<64x128xf32, #tpu.memory_space<hbm>>
      %dma_start3A_2296 = arith.constant 0 : i32
      %dma_start3A_2297 = tpu.memref_slice %arg4[%dma_start3A_2296, %multiple_of3A_2293] : memref<64x1000000xf32, #tpu.memory_space<hbm>> -> memref<64x128xf32, #tpu.memory_space<hbm>>
      tpu.enqueue_dma source(%dma_start3A_2297 : memref<64x128xf32, #tpu.memory_space<hbm>>) target(%arg12 : memref<64x128xf32, #tpu.memory_space<vmem>>) target_semaphore(%arg24 : memref<!tpu.dma_semaphore, #tpu.memory_space<semaphore_mem>>)
      %and3A_2298 = arith.constant 127 : i32
      %and3A_2299 = arith.andi %reduce_sum3A_2288, %and3A_2298 : i32
      %add3A_2300 = arith.constant 8 : i32
      %add3A_2301 = arith.addi %add3A_2208, %add3A_2300 : i32
      %min3A_2302 = arith.constant 511 : i32
      %min3A_2303 = arith.minsi %add3A_2301, %min3A_2302 : i32
      %shift_right_arithmetic3A_2304 = arith.constant 4 : i32
      %shift_right_arithmetic3A_2305 = arith.shrsi %min3A_2303, %shift_right_arithmetic3A_2304 : i32
      %shift_left3A_2306 = arith.constant 4 : i32
      %shift_left3A_2307 = arith.shli %shift_right_arithmetic3A_2305, %shift_left3A_2306 : i32
      %get3A_2308 = arith.index_cast %shift_left3A_2307 : i32 to index
      %get3A_2309 = tpu.vector_load %arg8[%get3A_2308] {strides = array<i32>} : memref<512xi32, #tpu.memory_space<vmem>>, vector<16xi32>,
      %sub3A_2310 = arith.subi %min3A_2303, %shift_left3A_2307 : i32
      %eq3A_2311 = vector.broadcast %sub3A_2310 : i32 to vector<16xi32>
      %eq3A_2312 = arith.cmpi eq, %iota3A, %eq3A_2311 : vector<16xi32>
      %jit3A_2313 = arith.constant 0 : i32
      %broadcast_in_dim3A_2314 = vector.broadcast %jit3A_2313 : i32 to vector<16xi32>
      %select_n3A_2315 = arith.select %eq3A_2312, %get3A_2309, %broadcast_in_dim3A_2314 : vector<16xi1>, vector<16xi32>
      %reduce_sum3A_2316 = arith.constant true
      %reduce_sum3A_2317 = vector.broadcast %reduce_sum3A_2316 : i1 to vector<16xi1>
      %reduce_sum3A_2318 = tpu.scan <sum>, %select_n3A_2315 masked %reduce_sum3A_2317 : vector<16xi32>, vector<16xi1> -> vector<16xi32>
      %reduce_sum3A_2319 = vector.extract %reduce_sum3A_2318[15] : i32 from vector<16xi32>
      %shift_right_arithmetic3A_2320 = arith.constant 7 : i32
      %shift_right_arithmetic3A_2321 = arith.shrsi %reduce_sum3A_2319, %shift_right_arithmetic3A_2320 : i32
      %shift_left3A_2322 = arith.constant 7 : i32
      %shift_left3A_2323 = arith.shli %shift_right_arithmetic3A_2321, %shift_left3A_2322 : i32
      %multiple_of3A_2324 = tpu.assume_multiple %shift_left3A_2323, 128 : i32
      %dma_start3A_2325 = arith.constant 0 : i32
      %dma_start3A_2326 = tpu.memref_slice %arg5[%dma_start3A_2325, %multiple_of3A_2324] : memref<64x1000000xf32, #tpu.memory_space<hbm>> -> memref<64x128xf32, #tpu.memory_space<hbm>>
      %dma_start3A_2327 = arith.constant 0 : i32
      %dma_start3A_2328 = tpu.memref_slice %arg5[%dma_start3A_2327, %multiple_of3A_2324] : memref<64x1000000xf32, #tpu.memory_space<hbm>> -> memref<64x128xf32, #tpu.memory_space<hbm>>
      tpu.enqueue_dma source(%dma_start3A_2328 : memref<64x128xf32, #tpu.memory_space<hbm>>) target(%arg20 : memref<64x128xf32, #tpu.memory_space<vmem>>) target_semaphore(%arg32 : memref<!tpu.dma_semaphore, #tpu.memory_space<semaphore_mem>>)
      %and3A_2329 = arith.constant 127 : i32
      %and3A_2330 = arith.andi %reduce_sum3A_2319, %and3A_2329 : i32
      %mul3A_2331 = arith.constant 16 : i32
      %mul3A_2332 = arith.muli %scan3A_428, %mul3A_2331 : i32
      %add3A_2333 = arith.constant 15 : i32
      %add3A_2334 = arith.addi %mul3A_2332, %add3A_2333 : i32
      %dma_wait3A_2335 = arith.constant 0 : i32
      %dma_wait3A_2336 = arith.constant 0 : i32
      %dma_wait3A_2337 = tpu.memref_slice %arg4[%dma_wait3A_2335, %dma_wait3A_2336] : memref<64x1000000xf32, #tpu.memory_space<hbm>> -> memref<64x128xf32, #tpu.memory_space<hbm>>
      %dma_wait3A_2338 = arith.constant 0 : i32
      %dma_wait3A_2339 = arith.constant 0 : i32
      %dma_wait3A_2340 = tpu.memref_slice %arg4[%dma_wait3A_2338, %dma_wait3A_2339] : memref<64x1000000xf32, #tpu.memory_space<hbm>> -> memref<64x128xf32, #tpu.memory_space<hbm>>
      tpu.wait_dma2 semaphore(%arg25 : memref<!tpu.dma_semaphore, #tpu.memory_space<semaphore_mem>>) src(%dma_wait3A_2340 : memref<64x128xf32, #tpu.memory_space<hbm>>) dst(%arg13 : memref<64x128xf32, #tpu.memory_space<vmem>>)
      %dma_wait3A_2341 = arith.constant 0 : i32
      %dma_wait3A_2342 = arith.constant 0 : i32
      %dma_wait3A_2343 = tpu.memref_slice %arg5[%dma_wait3A_2341, %dma_wait3A_2342] : memref<64x1000000xf32, #tpu.memory_space<hbm>> -> memref<64x128xf32, #tpu.memory_space<hbm>>
      %dma_wait3A_2344 = arith.constant 0 : i32
      %dma_wait3A_2345 = arith.constant 0 : i32
      %dma_wait3A_2346 = tpu.memref_slice %arg5[%dma_wait3A_2344, %dma_wait3A_2345] : memref<64x1000000xf32, #tpu.memory_space<hbm>> -> memref<64x128xf32, #tpu.memory_space<hbm>>
      tpu.wait_dma2 semaphore(%arg33 : memref<!tpu.dma_semaphore, #tpu.memory_space<semaphore_mem>>) src(%dma_wait3A_2346 : memref<64x128xf32, #tpu.memory_space<hbm>>) dst(%arg21 : memref<64x128xf32, #tpu.memory_space<vmem>>)
      %broadcast_in_dim3A_2347 = arith.constant 0 : i32
      %broadcast_in_dim3A_2348 = vector.broadcast %broadcast_in_dim3A_2347 : i32 to vector<16xi32>
      %add3A_2349 = vector.broadcast %and3A_1921 : i32 to vector<16xi32>
      %add3A_2350 = arith.addi %broadcast_in_dim3A_2348, %add3A_2349 : vector<16xi32>
      %broadcast_in_dim3A_2351 = arith.constant 0 : i32
      %broadcast_in_dim3A_2352 = vector.broadcast %broadcast_in_dim3A_2351 : i32 to vector<16xi32>
      %add3A_2353 = vector.broadcast %and3A_1448 : i32 to vector<16xi32>
      %add3A_2354 = arith.addi %broadcast_in_dim3A_2352, %add3A_2353 : vector<16xi32>
      %broadcast_in_dim3A_2355 = arith.constant 0.000000e+00 : f32
      %broadcast_in_dim3A_2356 = vector.broadcast %broadcast_in_dim3A_2355 : f32 to vector<16xf32>
      %add3A_2357 = arith.constant 0 : i32
      %add3A_2358 = vector.broadcast %add3A_2357 : i32 to vector<16xi32>
      %add3A_2359 = arith.addi %iota3A, %add3A_2358 : vector<16xi32>
      %gather3A_2360 = tpu.vector_load_idx %arg13[%add3A_2359, %add3A_2350] : memref<64x128xf32, #tpu.memory_space<vmem>>[vector<16xi32>, vector<16xi32>], vector<16xf32>,
      %gather3A_2361 = tpu.vector_load_idx %arg21[%add3A_2359, %add3A_2354] : memref<64x128xf32, #tpu.memory_space<vmem>>[vector<16xi32>, vector<16xi32>], vector<16xf32>,
      %mul3A_2362 = arith.mulf %gather3A_2360, %gather3A_2361 : vector<16xf32>
      %add3A_2363 = arith.addf %broadcast_in_dim3A_2356, %mul3A_2362 : vector<16xf32>
      %add3A_2364 = arith.constant 16 : i32
      %add3A_2365 = vector.broadcast %add3A_2364 : i32 to vector<16xi32>
      %add3A_2366 = arith.addi %iota3A, %add3A_2365 : vector<16xi32>
      %gather3A_2367 = tpu.vector_load_idx %arg13[%add3A_2366, %add3A_2350] : memref<64x128xf32, #tpu.memory_space<vmem>>[vector<16xi32>, vector<16xi32>], vector<16xf32>,
      %gather3A_2368 = tpu.vector_load_idx %arg21[%add3A_2366, %add3A_2354] : memref<64x128xf32, #tpu.memory_space<vmem>>[vector<16xi32>, vector<16xi32>], vector<16xf32>,
      %mul3A_2369 = arith.mulf %gather3A_2367, %gather3A_2368 : vector<16xf32>
      %add3A_2370 = arith.addf %add3A_2363, %mul3A_2369 : vector<16xf32>
      %add3A_2371 = arith.constant 32 : i32
      %add3A_2372 = vector.broadcast %add3A_2371 : i32 to vector<16xi32>
      %add3A_2373 = arith.addi %iota3A, %add3A_2372 : vector<16xi32>
      %gather3A_2374 = tpu.vector_load_idx %arg13[%add3A_2373, %add3A_2350] : memref<64x128xf32, #tpu.memory_space<vmem>>[vector<16xi32>, vector<16xi32>], vector<16xf32>,
      %gather3A_2375 = tpu.vector_load_idx %arg21[%add3A_2373, %add3A_2354] : memref<64x128xf32, #tpu.memory_space<vmem>>[vector<16xi32>, vector<16xi32>], vector<16xf32>,
      %mul3A_2376 = arith.mulf %gather3A_2374, %gather3A_2375 : vector<16xf32>
      %add3A_2377 = arith.addf %add3A_2370, %mul3A_2376 : vector<16xf32>
      %add3A_2378 = arith.constant 48 : i32
      %add3A_2379 = vector.broadcast %add3A_2378 : i32 to vector<16xi32>
      %add3A_2380 = arith.addi %iota3A, %add3A_2379 : vector<16xi32>
      %gather3A_2381 = tpu.vector_load_idx %arg13[%add3A_2380, %add3A_2350] : memref<64x128xf32, #tpu.memory_space<vmem>>[vector<16xi32>, vector<16xi32>], vector<16xf32>,
      %gather3A_2382 = tpu.vector_load_idx %arg21[%add3A_2380, %add3A_2354] : memref<64x128xf32, #tpu.memory_space<vmem>>[vector<16xi32>, vector<16xi32>], vector<16xf32>,
      %mul3A_2383 = arith.mulf %gather3A_2381, %gather3A_2382 : vector<16xf32>
      %add3A_2384 = arith.addf %add3A_2377, %mul3A_2383 : vector<16xf32>
      %and3A_2385 = arith.constant 15 : i32
      %and3A_2386 = arith.andi %add3A_2334, %and3A_2385 : i32
      %eq3A_2387 = vector.broadcast %and3A_2386 : i32 to vector<16xi32>
      %eq3A_2388 = arith.cmpi eq, %iota3A, %eq3A_2387 : vector<16xi32>
      %reduce_sum3A_2389 = arith.constant true
      %reduce_sum3A_2390 = vector.broadcast %reduce_sum3A_2389 : i1 to vector<16xi1>
      %reduce_sum3A_2391 = tpu.scan <sum>, %add3A_2384 masked %reduce_sum3A_2390 : vector<16xf32>, vector<16xi1> -> vector<16xf32>
      %reduce_sum3A_2392 = vector.extract %reduce_sum3A_2391[15] : f32 from vector<16xf32>
      %broadcast_in_dim3A_2393 = vector.broadcast %reduce_sum3A_2392 : f32 to vector<16xf32>
      %select_n3A_2394 = arith.select %eq3A_2388, %broadcast_in_dim3A_2393, %select_n3A_2268 : vector<16xi1>, vector<16xf32>
      %add3A_2395 = arith.constant 4 : i32
      %add3A_2396 = arith.addi %add3A_2334, %add3A_2395 : i32
      %min3A_2397 = arith.constant 511 : i32
      %min3A_2398 = arith.minsi %add3A_2396, %min3A_2397 : i32
      %shift_right_arithmetic3A_2399 = arith.constant 4 : i32
      %shift_right_arithmetic3A_2400 = arith.shrsi %min3A_2398, %shift_right_arithmetic3A_2399 : i32
      %shift_left3A_2401 = arith.constant 4 : i32
      %shift_left3A_2402 = arith.shli %shift_right_arithmetic3A_2400, %shift_left3A_2401 : i32
      %get3A_2403 = arith.index_cast %shift_left3A_2402 : i32 to index
      %get3A_2404 = tpu.vector_load %arg7[%get3A_2403] {strides = array<i32>} : memref<512xi32, #tpu.memory_space<vmem>>, vector<16xi32>,
      %sub3A_2405 = arith.subi %min3A_2398, %shift_left3A_2402 : i32
      %eq3A_2406 = vector.broadcast %sub3A_2405 : i32 to vector<16xi32>
      %eq3A_2407 = arith.cmpi eq, %iota3A, %eq3A_2406 : vector<16xi32>
      %jit3A_2408 = arith.constant 0 : i32
      %broadcast_in_dim3A_2409 = vector.broadcast %jit3A_2408 : i32 to vector<16xi32>
      %select_n3A_2410 = arith.select %eq3A_2407, %get3A_2404, %broadcast_in_dim3A_2409 : vector<16xi1>, vector<16xi32>
      %reduce_sum3A_2411 = arith.constant true
      %reduce_sum3A_2412 = vector.broadcast %reduce_sum3A_2411 : i1 to vector<16xi1>
      %reduce_sum3A_2413 = tpu.scan <sum>, %select_n3A_2410 masked %reduce_sum3A_2412 : vector<16xi32>, vector<16xi1> -> vector<16xi32>
      %reduce_sum3A_2414 = vector.extract %reduce_sum3A_2413[15] : i32 from vector<16xi32>
      %shift_right_arithmetic3A_2415 = arith.constant 7 : i32
      %shift_right_arithmetic3A_2416 = arith.shrsi %reduce_sum3A_2414, %shift_right_arithmetic3A_2415 : i32
      %shift_left3A_2417 = arith.constant 7 : i32
      %shift_left3A_2418 = arith.shli %shift_right_arithmetic3A_2416, %shift_left3A_2417 : i32
      %multiple_of3A_2419 = tpu.assume_multiple %shift_left3A_2418, 128 : i32
      %dma_start3A_2420 = arith.constant 0 : i32
      %dma_start3A_2421 = tpu.memref_slice %arg4[%dma_start3A_2420, %multiple_of3A_2419] : memref<64x1000000xf32, #tpu.memory_space<hbm>> -> memref<64x128xf32, #tpu.memory_space<hbm>>
      %dma_start3A_2422 = arith.constant 0 : i32
      %dma_start3A_2423 = tpu.memref_slice %arg4[%dma_start3A_2422, %multiple_of3A_2419] : memref<64x1000000xf32, #tpu.memory_space<hbm>> -> memref<64x128xf32, #tpu.memory_space<hbm>>
      tpu.enqueue_dma source(%dma_start3A_2423 : memref<64x128xf32, #tpu.memory_space<hbm>>) target(%arg13 : memref<64x128xf32, #tpu.memory_space<vmem>>) target_semaphore(%arg25 : memref<!tpu.dma_semaphore, #tpu.memory_space<semaphore_mem>>)
      %and3A_2424 = arith.constant 127 : i32
      %and3A_2425 = arith.andi %reduce_sum3A_2414, %and3A_2424 : i32
      %add3A_2426 = arith.constant 8 : i32
      %add3A_2427 = arith.addi %add3A_2334, %add3A_2426 : i32
      %min3A_2428 = arith.constant 511 : i32
      %min3A_2429 = arith.minsi %add3A_2427, %min3A_2428 : i32
      %shift_right_arithmetic3A_2430 = arith.constant 4 : i32
      %shift_right_arithmetic3A_2431 = arith.shrsi %min3A_2429, %shift_right_arithmetic3A_2430 : i32
      %shift_left3A_2432 = arith.constant 4 : i32
      %shift_left3A_2433 = arith.shli %shift_right_arithmetic3A_2431, %shift_left3A_2432 : i32
      %get3A_2434 = arith.index_cast %shift_left3A_2433 : i32 to index
      %get3A_2435 = tpu.vector_load %arg8[%get3A_2434] {strides = array<i32>} : memref<512xi32, #tpu.memory_space<vmem>>, vector<16xi32>,
      %sub3A_2436 = arith.subi %min3A_2429, %shift_left3A_2433 : i32
      %eq3A_2437 = vector.broadcast %sub3A_2436 : i32 to vector<16xi32>
      %eq3A_2438 = arith.cmpi eq, %iota3A, %eq3A_2437 : vector<16xi32>
      %jit3A_2439 = arith.constant 0 : i32
      %broadcast_in_dim3A_2440 = vector.broadcast %jit3A_2439 : i32 to vector<16xi32>
      %select_n3A_2441 = arith.select %eq3A_2438, %get3A_2435, %broadcast_in_dim3A_2440 : vector<16xi1>, vector<16xi32>
      %reduce_sum3A_2442 = arith.constant true
      %reduce_sum3A_2443 = vector.broadcast %reduce_sum3A_2442 : i1 to vector<16xi1>
      %reduce_sum3A_2444 = tpu.scan <sum>, %select_n3A_2441 masked %reduce_sum3A_2443 : vector<16xi32>, vector<16xi1> -> vector<16xi32>
      %reduce_sum3A_2445 = vector.extract %reduce_sum3A_2444[15] : i32 from vector<16xi32>
      %shift_right_arithmetic3A_2446 = arith.constant 7 : i32
      %shift_right_arithmetic3A_2447 = arith.shrsi %reduce_sum3A_2445, %shift_right_arithmetic3A_2446 : i32
      %shift_left3A_2448 = arith.constant 7 : i32
      %shift_left3A_2449 = arith.shli %shift_right_arithmetic3A_2447, %shift_left3A_2448 : i32
      %multiple_of3A_2450 = tpu.assume_multiple %shift_left3A_2449, 128 : i32
      %dma_start3A_2451 = arith.constant 0 : i32
      %dma_start3A_2452 = tpu.memref_slice %arg5[%dma_start3A_2451, %multiple_of3A_2450] : memref<64x1000000xf32, #tpu.memory_space<hbm>> -> memref<64x128xf32, #tpu.memory_space<hbm>>
      %dma_start3A_2453 = arith.constant 0 : i32
      %dma_start3A_2454 = tpu.memref_slice %arg5[%dma_start3A_2453, %multiple_of3A_2450] : memref<64x1000000xf32, #tpu.memory_space<hbm>> -> memref<64x128xf32, #tpu.memory_space<hbm>>
      tpu.enqueue_dma source(%dma_start3A_2454 : memref<64x128xf32, #tpu.memory_space<hbm>>) target(%arg21 : memref<64x128xf32, #tpu.memory_space<vmem>>) target_semaphore(%arg33 : memref<!tpu.dma_semaphore, #tpu.memory_space<semaphore_mem>>)
      %and3A_2455 = arith.constant 127 : i32
      %and3A_2456 = arith.andi %reduce_sum3A_2445, %and3A_2455 : i32
      %mul3A_2457 = arith.constant 16 : i32
      %mul3A_2458 = arith.muli %scan3A_428, %mul3A_2457 : i32
      %add3A_2459 = arith.constant 16 : i32
      %add3A_2460 = arith.addi %mul3A_2458, %add3A_2459 : i32
      %sub3A_2461 = arith.constant 1 : i32
      %sub3A_2462 = arith.subi %add3A_2460, %sub3A_2461 : i32
      %shift_right_arithmetic3A_2463 = arith.constant 4 : i32
      %shift_right_arithmetic3A_2464 = arith.shrsi %sub3A_2462, %shift_right_arithmetic3A_2463 : i32
      %shift_left3A_2465 = arith.constant 4 : i32
      %shift_left3A_2466 = arith.shli %shift_right_arithmetic3A_2464, %shift_left3A_2465 : i32
      %swap3A = arith.index_cast %shift_left3A_2466 : i32 to index
      %swap3A_2467 = tpu.vector_load %arg9[%swap3A] {strides = array<i32>} : memref<512xf32, #tpu.memory_space<vmem>>, vector<16xf32>,
      tpu.vector_store %arg9[%swap3A], %select_n3A_2394 {strides = array<i32>} : memref<512xf32, #tpu.memory_space<vmem>>, vector<16xf32>,
      scf.yield %and3A_2047, %and3A_2173, %and3A_2299, %and3A_2425, %and3A_1574, %and3A_1700, %and3A_1826, %and3A_1952, %and3A_2078, %and3A_2204, %and3A_2330, %and3A_2456, %select_n3A_2394 : i32, i32, i32, i32, i32, i32, i32, i32, i32, i32, i32, i32, vector<16xf32>
    }
    %scan3A_356 = arith.constant 32 : i32
    %dma_wait3A = arith.constant 0 : i32
    %dma_wait3A_357 = arith.constant 0 : i32
    %dma_wait3A_358 = tpu.memref_slice %arg4[%dma_wait3A, %dma_wait3A_357] : memref<64x1000000xf32, #tpu.memory_space<hbm>> -> memref<64x128xf32, #tpu.memory_space<hbm>>
    %dma_wait3A_359 = arith.constant 0 : i32
    %dma_wait3A_360 = arith.constant 0 : i32
    %dma_wait3A_361 = tpu.memref_slice %arg4[%dma_wait3A_359, %dma_wait3A_360] : memref<64x1000000xf32, #tpu.memory_space<hbm>> -> memref<64x128xf32, #tpu.memory_space<hbm>>
    tpu.wait_dma2 semaphore(%arg22 : memref<!tpu.dma_semaphore, #tpu.memory_space<semaphore_mem>>) src(%dma_wait3A_361 : memref<64x128xf32, #tpu.memory_space<hbm>>) dst(%arg10 : memref<64x128xf32, #tpu.memory_space<vmem>>)
    %dma_wait3A_362 = arith.constant 0 : i32
    %dma_wait3A_363 = arith.constant 0 : i32
    %dma_wait3A_364 = tpu.memref_slice %arg4[%dma_wait3A_362, %dma_wait3A_363] : memref<64x1000000xf32, #tpu.memory_space<hbm>> -> memref<64x128xf32, #tpu.memory_space<hbm>>
    %dma_wait3A_365 = arith.constant 0 : i32
    %dma_wait3A_366 = arith.constant 0 : i32
    %dma_wait3A_367 = tpu.memref_slice %arg4[%dma_wait3A_365, %dma_wait3A_366] : memref<64x1000000xf32, #tpu.memory_space<hbm>> -> memref<64x128xf32, #tpu.memory_space<hbm>>
    tpu.wait_dma2 semaphore(%arg23 : memref<!tpu.dma_semaphore, #tpu.memory_space<semaphore_mem>>) src(%dma_wait3A_367 : memref<64x128xf32, #tpu.memory_space<hbm>>) dst(%arg11 : memref<64x128xf32, #tpu.memory_space<vmem>>)
    %dma_wait3A_368 = arith.constant 0 : i32
    %dma_wait3A_369 = arith.constant 0 : i32
    %dma_wait3A_370 = tpu.memref_slice %arg4[%dma_wait3A_368, %dma_wait3A_369] : memref<64x1000000xf32, #tpu.memory_space<hbm>> -> memref<64x128xf32, #tpu.memory_space<hbm>>
    %dma_wait3A_371 = arith.constant 0 : i32
    %dma_wait3A_372 = arith.constant 0 : i32
    %dma_wait3A_373 = tpu.memref_slice %arg4[%dma_wait3A_371, %dma_wait3A_372] : memref<64x1000000xf32, #tpu.memory_space<hbm>> -> memref<64x128xf32, #tpu.memory_space<hbm>>
    tpu.wait_dma2 semaphore(%arg24 : memref<!tpu.dma_semaphore, #tpu.memory_space<semaphore_mem>>) src(%dma_wait3A_373 : memref<64x128xf32, #tpu.memory_space<hbm>>) dst(%arg12 : memref<64x128xf32, #tpu.memory_space<vmem>>)
    %dma_wait3A_374 = arith.constant 0 : i32
    %dma_wait3A_375 = arith.constant 0 : i32
    %dma_wait3A_376 = tpu.memref_slice %arg4[%dma_wait3A_374, %dma_wait3A_375] : memref<64x1000000xf32, #tpu.memory_space<hbm>> -> memref<64x128xf32, #tpu.memory_space<hbm>>
    %dma_wait3A_377 = arith.constant 0 : i32
    %dma_wait3A_378 = arith.constant 0 : i32
    %dma_wait3A_379 = tpu.memref_slice %arg4[%dma_wait3A_377, %dma_wait3A_378] : memref<64x1000000xf32, #tpu.memory_space<hbm>> -> memref<64x128xf32, #tpu.memory_space<hbm>>
    tpu.wait_dma2 semaphore(%arg25 : memref<!tpu.dma_semaphore, #tpu.memory_space<semaphore_mem>>) src(%dma_wait3A_379 : memref<64x128xf32, #tpu.memory_space<hbm>>) dst(%arg13 : memref<64x128xf32, #tpu.memory_space<vmem>>)
    %dma_wait3A_380 = arith.constant 0 : i32
    %dma_wait3A_381 = arith.constant 0 : i32
    %dma_wait3A_382 = tpu.memref_slice %arg5[%dma_wait3A_380, %dma_wait3A_381] : memref<64x1000000xf32, #tpu.memory_space<hbm>> -> memref<64x128xf32, #tpu.memory_space<hbm>>
    %dma_wait3A_383 = arith.constant 0 : i32
    %dma_wait3A_384 = arith.constant 0 : i32
    %dma_wait3A_385 = tpu.memref_slice %arg5[%dma_wait3A_383, %dma_wait3A_384] : memref<64x1000000xf32, #tpu.memory_space<hbm>> -> memref<64x128xf32, #tpu.memory_space<hbm>>
    tpu.wait_dma2 semaphore(%arg26 : memref<!tpu.dma_semaphore, #tpu.memory_space<semaphore_mem>>) src(%dma_wait3A_385 : memref<64x128xf32, #tpu.memory_space<hbm>>) dst(%arg14 : memref<64x128xf32, #tpu.memory_space<vmem>>)
    %dma_wait3A_386 = arith.constant 0 : i32
    %dma_wait3A_387 = arith.constant 0 : i32
    %dma_wait3A_388 = tpu.memref_slice %arg5[%dma_wait3A_386, %dma_wait3A_387] : memref<64x1000000xf32, #tpu.memory_space<hbm>> -> memref<64x128xf32, #tpu.memory_space<hbm>>
    %dma_wait3A_389 = arith.constant 0 : i32
    %dma_wait3A_390 = arith.constant 0 : i32
    %dma_wait3A_391 = tpu.memref_slice %arg5[%dma_wait3A_389, %dma_wait3A_390] : memref<64x1000000xf32, #tpu.memory_space<hbm>> -> memref<64x128xf32, #tpu.memory_space<hbm>>
    tpu.wait_dma2 semaphore(%arg27 : memref<!tpu.dma_semaphore, #tpu.memory_space<semaphore_mem>>) src(%dma_wait3A_391 : memref<64x128xf32, #tpu.memory_space<hbm>>) dst(%arg15 : memref<64x128xf32, #tpu.memory_space<vmem>>)
    %dma_wait3A_392 = arith.constant 0 : i32
    %dma_wait3A_393 = arith.constant 0 : i32
    %dma_wait3A_394 = tpu.memref_slice %arg5[%dma_wait3A_392, %dma_wait3A_393] : memref<64x1000000xf32, #tpu.memory_space<hbm>> -> memref<64x128xf32, #tpu.memory_space<hbm>>
    %dma_wait3A_395 = arith.constant 0 : i32
    %dma_wait3A_396 = arith.constant 0 : i32
    %dma_wait3A_397 = tpu.memref_slice %arg5[%dma_wait3A_395, %dma_wait3A_396] : memref<64x1000000xf32, #tpu.memory_space<hbm>> -> memref<64x128xf32, #tpu.memory_space<hbm>>
    tpu.wait_dma2 semaphore(%arg28 : memref<!tpu.dma_semaphore, #tpu.memory_space<semaphore_mem>>) src(%dma_wait3A_397 : memref<64x128xf32, #tpu.memory_space<hbm>>) dst(%arg16 : memref<64x128xf32, #tpu.memory_space<vmem>>)
    %dma_wait3A_398 = arith.constant 0 : i32
    %dma_wait3A_399 = arith.constant 0 : i32
    %dma_wait3A_400 = tpu.memref_slice %arg5[%dma_wait3A_398, %dma_wait3A_399] : memref<64x1000000xf32, #tpu.memory_space<hbm>> -> memref<64x128xf32, #tpu.memory_space<hbm>>
    %dma_wait3A_401 = arith.constant 0 : i32
    %dma_wait3A_402 = arith.constant 0 : i32
    %dma_wait3A_403 = tpu.memref_slice %arg5[%dma_wait3A_401, %dma_wait3A_402] : memref<64x1000000xf32, #tpu.memory_space<hbm>> -> memref<64x128xf32, #tpu.memory_space<hbm>>
    tpu.wait_dma2 semaphore(%arg29 : memref<!tpu.dma_semaphore, #tpu.memory_space<semaphore_mem>>) src(%dma_wait3A_403 : memref<64x128xf32, #tpu.memory_space<hbm>>) dst(%arg17 : memref<64x128xf32, #tpu.memory_space<vmem>>)
    %dma_wait3A_404 = arith.constant 0 : i32
    %dma_wait3A_405 = arith.constant 0 : i32
    %dma_wait3A_406 = tpu.memref_slice %arg5[%dma_wait3A_404, %dma_wait3A_405] : memref<64x1000000xf32, #tpu.memory_space<hbm>> -> memref<64x128xf32, #tpu.memory_space<hbm>>
    %dma_wait3A_407 = arith.constant 0 : i32
    %dma_wait3A_408 = arith.constant 0 : i32
    %dma_wait3A_409 = tpu.memref_slice %arg5[%dma_wait3A_407, %dma_wait3A_408] : memref<64x1000000xf32, #tpu.memory_space<hbm>> -> memref<64x128xf32, #tpu.memory_space<hbm>>
    tpu.wait_dma2 semaphore(%arg30 : memref<!tpu.dma_semaphore, #tpu.memory_space<semaphore_mem>>) src(%dma_wait3A_409 : memref<64x128xf32, #tpu.memory_space<hbm>>) dst(%arg18 : memref<64x128xf32, #tpu.memory_space<vmem>>)
    %dma_wait3A_410 = arith.constant 0 : i32
    %dma_wait3A_411 = arith.constant 0 : i32
    %dma_wait3A_412 = tpu.memref_slice %arg5[%dma_wait3A_410, %dma_wait3A_411] : memref<64x1000000xf32, #tpu.memory_space<hbm>> -> memref<64x128xf32, #tpu.memory_space<hbm>>
    %dma_wait3A_413 = arith.constant 0 : i32
    %dma_wait3A_414 = arith.constant 0 : i32
    %dma_wait3A_415 = tpu.memref_slice %arg5[%dma_wait3A_413, %dma_wait3A_414] : memref<64x1000000xf32, #tpu.memory_space<hbm>> -> memref<64x128xf32, #tpu.memory_space<hbm>>
    tpu.wait_dma2 semaphore(%arg31 : memref<!tpu.dma_semaphore, #tpu.memory_space<semaphore_mem>>) src(%dma_wait3A_415 : memref<64x128xf32, #tpu.memory_space<hbm>>) dst(%arg19 : memref<64x128xf32, #tpu.memory_space<vmem>>)
    %dma_wait3A_416 = arith.constant 0 : i32
    %dma_wait3A_417 = arith.constant 0 : i32
    %dma_wait3A_418 = tpu.memref_slice %arg5[%dma_wait3A_416, %dma_wait3A_417] : memref<64x1000000xf32, #tpu.memory_space<hbm>> -> memref<64x128xf32, #tpu.memory_space<hbm>>
    %dma_wait3A_419 = arith.constant 0 : i32
    %dma_wait3A_420 = arith.constant 0 : i32
    %dma_wait3A_421 = tpu.memref_slice %arg5[%dma_wait3A_419, %dma_wait3A_420] : memref<64x1000000xf32, #tpu.memory_space<hbm>> -> memref<64x128xf32, #tpu.memory_space<hbm>>
    tpu.wait_dma2 semaphore(%arg32 : memref<!tpu.dma_semaphore, #tpu.memory_space<semaphore_mem>>) src(%dma_wait3A_421 : memref<64x128xf32, #tpu.memory_space<hbm>>) dst(%arg20 : memref<64x128xf32, #tpu.memory_space<vmem>>)
    %dma_wait3A_422 = arith.constant 0 : i32
    %dma_wait3A_423 = arith.constant 0 : i32
    %dma_wait3A_424 = tpu.memref_slice %arg5[%dma_wait3A_422, %dma_wait3A_423] : memref<64x1000000xf32, #tpu.memory_space<hbm>> -> memref<64x128xf32, #tpu.memory_space<hbm>>
    %dma_wait3A_425 = arith.constant 0 : i32
    %dma_wait3A_426 = arith.constant 0 : i32
    %dma_wait3A_427 = tpu.memref_slice %arg5[%dma_wait3A_425, %dma_wait3A_426] : memref<64x1000000xf32, #tpu.memory_space<hbm>> -> memref<64x128xf32, #tpu.memory_space<hbm>>
    tpu.wait_dma2 semaphore(%arg33 : memref<!tpu.dma_semaphore, #tpu.memory_space<semaphore_mem>>) src(%dma_wait3A_427 : memref<64x128xf32, #tpu.memory_space<hbm>>) dst(%arg21 : memref<64x128xf32, #tpu.memory_space<vmem>>)
    "tpu.region"() ({
      %run_scoped3A = tpu.sem_alloc : memref<!tpu.dma_semaphore, #tpu.memory_space<semaphore_mem>>
      %dma_start3A_428 = tpu.memref_slice %arg6[%mul3A_2] : memref<16384xf32, #tpu.memory_space<hbm>> -> memref<512xf32, #tpu.memory_space<hbm>>
      %dma_start3A_429 = tpu.memref_slice %arg6[%mul3A_2] : memref<16384xf32, #tpu.memory_space<hbm>> -> memref<512xf32, #tpu.memory_space<hbm>>
      tpu.enqueue_dma source(%arg9 : memref<512xf32, #tpu.memory_space<vmem>>) target(%dma_start3A_429 : memref<512xf32, #tpu.memory_space<hbm>>) target_semaphore(%run_scoped3A : memref<!tpu.dma_semaphore, #tpu.memory_space<semaphore_mem>>)
      %dma_wait3A_430 = tpu.memref_slice %arg6[%mul3A_2] : memref<16384xf32, #tpu.memory_space<hbm>> -> memref<512xf32, #tpu.memory_space<hbm>>
      %dma_wait3A_431 = tpu.memref_slice %arg6[%mul3A_2] : memref<16384xf32, #tpu.memory_space<hbm>> -> memref<512xf32, #tpu.memory_space<hbm>>
      tpu.wait_dma2 semaphore(%run_scoped3A : memref<!tpu.dma_semaphore, #tpu.memory_space<semaphore_mem>>) src(%arg9 : memref<512xf32, #tpu.memory_space<vmem>>) dst(%dma_wait3A_431 : memref<512xf32, #tpu.memory_space<hbm>>)
      tpu.yield
    }) : () -> ()
    return
  }
}

</mosaic_0001>

<sc_bundles>
// kernel: kernel.3.cloned.1.call-start
scs
__scs_entry_jumppad:
0x0: {  	(pc) =	sbr.rel $0x88, $3  }
0x1: {  	(tag) =	ssettag $0x0;
	lr =	simm.s32 $0x1  }
0x2: {  	[smem:$0x3F9D] =	sst lr;
	_ =	strace $0xD0000000  }
0x3: {  	_ = 	snop  }
0x4: {  	_ = 	snop  }
0x5: {  	_ = 	snop  }
0x6: {  	_ = 	snop  }
0x7: {  	_ = 	snop  }
__scs_overlays_trampoline_lowered:
0x8: {  	[smem:$0x3FAC] =	sst s0  }
0x9: {  	[smem:$0x3FAD] =	sst s1  }
0xa: {  	[smem:$0x3FAE] =	sst s2  }
0xb: {  	[smem:$0x3FAF] =	sst s3  }
0xc: {  	[smem:$0x3FB0] =	sst s4  }
0xd: {  	[smem:$0x3FB1] =	sst s5  }
0xe: {  	[smem:$0x3FB2] =	sst s6  }
0xf: {  	[smem:$0x3FB3] =	sst s7  }
0x10: {  	[smem:$0x3FB4] =	sst s8  }
0x11: {  	[smem:$0x3FB5] =	sst s9;
	s0 =	simm.s32 @!p0 $0x0  }
0x12: {  	s1 =	sld [smem:$0x3F9B];
	s0 =	simm.s32 @p0 $0x1  }
0x13: {  	[smem:$0x3FB6] =	sst s0;
	s0 =	simm.s32 @!p1 $0x0  }
0x14: {  	s2 =	sld [smem:$0x3F9A];
	s0 =	simm.s32 @p1 $0x1  }
0x15: {  	[smem:$0x3FB7] =	sst s0;
	s0 =	simm.s32 @!p2 $0x0  }
0x16: {  	s3 =	sld [smem:$0x3FDB];
	s0 =	simm.s32 @p2 $0x1  }
0x17: {  	s4 =	simm.s32 $0x1BF5;
	[smem:$0x3FB9] =	sst s0  }
0x18: {  	s0 =	sld [smem:$0x3F9C];
	_ =	swait.ge [sflag:s4], $0x0  }
0x19: {  	s7 =	sld [smem:$0x3F9D]  }
0x1a: {  	s8 =	sadd.s32 $0xFFFFE003, lr  }
0x1b: {  	s9 =	sadd.s32 $0xFFFFFEF7, lr;
	s5 =	simm.s32 $0xFFFFFFFF;
	p2 =	slt.u32 s8, $0xFFFFF086  }
0x1c: {  	p1 =	slt.u32 s9, $0xF7A;
	s5 =	simm.s32 @!p2 $0x0  }
0x1d: {  	s5 =	simm.s32 @p1 $0x1;
	p0 =	seq.s32 s7, s2  }
0x1e: {  	s7 =	smul.u32 @!p0 $0xF7A, s2;
	p2 =	seq.s32 @!p0 s5, $0x0  }
0x1f: {  	s9 =	smul.u32 $0xF7A, s1;
	s8 =	simm.s32 @!p0 $0x1BF5;
	p2 =	por !p2, p0  }
0x20: {  	[sflag:s8] =	ssyncset.s32 @!p0 $0xFFFFF086;
	s6 =	sadd.s32 @!p0 s3, s7;
	s7 =	simm.s32 @!p0 $0x108  }
0x21: {  	s3 =	sadd.s32 s3, s9;
	s6 =	sadd.s32 @!p0 $0x88, s6;
	s7 =	simm.s32 @p2 $0x1082  }
0x22: {  	[simem:s7], [sflag:s8] =	dma.local @!p0 [hbm:s6], $0xF7A  }
0x23: {  	s9 =	sor.u32 $0xD0000000, s2;
	s6 =	simm.s32 $0x108;
	_ =	swait.ge @!p0 [sflag:s8], $0x0  }
0x24: {  	s3 =	sadd.s32 $0x88, s3;
	s6 =	simm.s32 @!p1 $0x1082;
	[sflag:s4] =	ssyncset.s32 $0xFFFFF086  }
0x25: {  	[simem:s6], [sflag:s4] =	dma.local [hbm:s3], $0xF7A  }
0x26: {  	[smem:$0x3F9D] =	sst s1;
	(tag) =	ssettag s2;
	_ =	strace s9  }
0x27: {  	s1 =	sld [smem:$0x3FAD]  }
0x28: {  	s2 =	sld [smem:$0x3FAE]  }
0x29: {  	s4 =	sld [smem:$0x3FB0]  }
0x2a: {  	p0 =	seq.s32 s5, $0x0;
	s5 =	sld [smem:$0x3FB1]  }
0x2b: {  	s6 =	sld [smem:$0x3FB2]  }
0x2c: {  	s7 =	sld [smem:$0x3FB3]  }
0x2d: {  	s3 =	simm.s32 $0x108;
	s8 =	sld [smem:$0x3FB4]  }
0x2e: {  	s3 =	simm.s32 @!p0 $0x1082;
	s9 =	sld [smem:$0x3FB5]  }
0x2f: {  	lr =	sadd.s32 s0, s3;
	s0 =	sld [smem:$0x3FAC]  }
0x30: {  	s3 =	sld [smem:$0x3FAF]  }
0x31: {  	[smem:$0x3FB8] =	sst s10  }
0x32: {  	s10 =	sld [smem:$0x3FB6];
	_ =	sdelay $0x3  }
0x33: {  	p0 =	seq.s32 s10, $0x1;
	s10 =	sld [smem:$0x3FB8];
	_ =	sdelay $0x3  }
0x34: {  	[smem:$0x3FB8] =	sst s10  }
0x35: {  	s10 =	sld [smem:$0x3FB7];
	_ =	sdelay $0x3  }
0x36: {  	p1 =	seq.s32 s10, $0x1;
	s10 =	sld [smem:$0x3FB8];
	_ =	sdelay $0x3  }
0x37: {  	[smem:$0x3FB8] =	sst s10  }
0x38: {  	s10 =	sld [smem:$0x3FB9]  }
0x39: {  	_ = 	snop;
	(pc) =	sbr.ind lr, $3  }
0x3a: {  	_ = 	snop  }
0x3b: {  	_ = 	snop  }
0x3c: {  	p2 =	seq.s32 s10, $0x1;
	s10 =	sld [smem:$0x3FB8]  }
0x3d: {  	_ =	shalt  }
0x3e: {  	_ =	shalt  }
0x3f: {  	_ =	shalt  }
0x40: {  	_ =	shalt  }
0x41: {  	_ =	shalt  }
0x42: {  	_ =	shalt  }
0x43: {  	_ =	shalt  }
0x44: {  	_ =	shalt  }
0x45: {  	_ =	shalt  }
0x46: {  	_ =	shalt  }
0x47: {  	_ =	shalt  }
0x48: {  	_ =	shalt  }
0x49: {  	_ =	shalt  }
0x4a: {  	_ =	shalt  }
0x4b: {  	_ =	shalt  }
0x4c: {  	_ =	shalt  }
0x4d: {  	_ =	shalt  }
0x4e: {  	_ =	shalt  }
0x4f: {  	_ =	shalt  }
0x50: {  	_ =	shalt  }
0x51: {  	_ =	shalt  }
0x52: {  	_ =	shalt  }
0x53: {  	_ =	shalt  }
0x54: {  	_ =	shalt  }
0x55: {  	_ =	shalt  }
0x56: {  	_ =	shalt  }
0x57: {  	_ =	shalt  }
0x58: {  	_ =	shalt  }
0x59: {  	_ =	shalt  }
0x5a: {  	_ =	shalt  }
0x5b: {  	_ =	shalt  }
0x5c: {  	_ =	shalt  }
0x5d: {  	_ =	shalt  }
0x5e: {  	_ =	shalt  }
0x5f: {  	_ =	shalt  }
0x60: {  	_ =	shalt  }
0x61: {  	_ =	shalt  }
0x62: {  	_ =	shalt  }
0x63: {  	_ =	shalt  }
0x64: {  	_ =	shalt  }
0x65: {  	_ =	shalt  }
0x66: {  	_ =	shalt  }
0x67: {  	_ =	shalt  }
0x68: {  	_ =	shalt  }
0x69: {  	_ =	shalt  }
0x6a: {  	_ =	shalt  }
0x6b: {  	_ =	shalt  }
0x6c: {  	_ =	shalt  }
0x6d: {  	_ =	shalt  }
0x6e: {  	_ =	shalt  }
0x6f: {  	_ =	shalt  }
0x70: {  	_ =	shalt  }
0x71: {  	_ =	shalt  }
0x72: {  	_ =	shalt  }
0x73: {  	_ =	shalt  }
0x74: {  	_ =	shalt  }
0x75: {  	_ =	shalt  }
0x76: {  	_ =	shalt  }
0x77: {  	_ =	shalt  }
0x78: {  	_ =	shalt  }
0x79: {  	_ =	shalt  }
0x7a: {  	_ =	shalt  }
0x7b: {  	_ =	shalt  }
0x7c: {  	_ =	shalt  }
0x7d: {  	_ =	shalt  }
0x7e: {  	_ =	shalt  }
0x7f: {  	_ =	shalt  }
0x80: {  	_ =	shalt  }
0x81: {  	_ =	shalt  }
0x82: {  	_ =	shalt  }
0x83: {  	_ =	shalt  }
0x84: {  	_ =	shalt  }
0x85: {  	_ =	shalt  }
0x86: {  	_ =	shalt  }
0x87: {  	_ =	shalt  }
.Lfunc_end0:
.L_simem_size_0:
called_computation_lowered:
.L_overlay_start_0:
0x88: {  	s2 =	sld [smem:$0x3FD9]  }
0x89: {  	s3 =	sld [smem:$0x3FFE];
	_ =	sdelay $0x1  }
0x8a: {  	s1 =	srdreg.scid  }
0x8b: {  	s0 =	sand.u32 $0x1, s1  }
0x8c: {  	s17 =	sshll.u32 s0, $0xA;
	s2 =	sadd.s32 s3, s2  }
0x8d: {  	s2 =	sadd.s32 s2, s17  }
0x8e: {  	[smem:$0x3FC4] =	sst s2  }
0x8f: {  	_ = 	snop  }
0x90: {  	s2 =	sld [smem:$0x3FC7]  }
0x91: {  	s18 =	sld [smem:$0x3FC6]  }
0x92: {  	s4 =	sld [smem:$0x3FD0];
	(tm) =	ssettm $0x1  }
0x93: {  	s5 =	sld [smem:$0x3FFB];
	_ =	sdelay $0x3  }
0x94: {  	_ =	strace s5  }
0x95: {  	s5 =	sld [smem:$0x3FFC];
	_ =	sdelay $0x3  }
0x96: {  	_ =	strace s5  }
0x97: {  	s5 =	sld [smem:$0x3FFD];
	_ =	sdelay $0x3  }
0x98: {  	_ =	strace s5  }
0x99: {  	_ =	strace $0x8FFFFFFF  }
0x9a: {  	s19 =	sld [smem:$0x3FDB];
	_ =	sdelay $0x1  }
0x9b: {  	s6 =	simm.s32 $_scs_section_size  }
0x9c: {  	s7 =	simm.s32 $_size__tile_overlayer_lowered;
	s8 =	simm.s32 $_tile_overlayer_lowered  }
0x9d: {  	s22 =	simm.s32 $0x1BFF;
	s21 =	sshll.u32 s8, $0x1;
	s5 =	sadd.s32 s6, s19  }
0x9e: {  	s9 =	simm.s32 $0x0;
	s20 =	sshll.u32 s7, $0x1;
	s7 =	sadd.s32 s21, s5  }
0x9f: {  	[timem:s9], [sflag:s22] =	dma.local [hbm:s7], s20  }
0xa0: {  	_ =	swait.ge [sflag:s22], s20  }
0xa1: {  	s6 =	ssub.s32 $0x0, s20;
	[sflag:s22] =	ssyncset.done $0x0  }
0xa2: {  	[sflag:s22] =	ssyncadd.s32 s6;
	_ =	sdelay $0x1  }
0xa3: {  	s23 =	simm.s32 $0x1B8B  }
0xa4: {  	_ =	swait.ge [sflag:s23], $0x1  }
0xa5: {  	[sflag:s23] =	ssyncset.done $0x0  }
0xa6: {  	s25 =	simm.s32 $0x1B8E;
	s24 =	sld [smem:$0x3FFE];
	[sflag:s23] =	ssyncadd.s32 $0xFFFFFFFF  }
0xa7: {  	s26 =	simm.s32 $execute0_lowered;
	[smem:$0x3FD2] =	sst s25  }
0xa8: {  	s7 =	sshll.u32 s26, $0x1;
	_ =	strace $0x80000046;
	[dreg:$0x1] =	wrdreg $0xFFFFFFFF  }
0xa9: {  	s28 =	simm.s32 $_size_execute0_lowered;
	s5 =	sadd.s32 s5, s7;
	[dreg:$0x0] =	wrdreg $0x0  }
0xaa: {  	s7 =	sshll.u32 s28, $0x1;
	[dreg:$0x2] =	wrdreg s5  }
0xab: {  	[dreg:$0x3] =	wrdreg s7  }
0xac: {  	[dreg:$0x4] =	wrdreg $0xC0  }
0xad: {  	_ =	task [dreg:s9], $0x5FFFF  }
0xae: {  	[dreg:$0x1] =	wrdreg $0xFFFFFFFF  }
0xaf: {  	[dreg:$0x0] =	wrdreg $0x60  }
0xb0: {  	[dreg:$0x2] =	wrdreg s24  }
0xb1: {  	[dreg:$0x3] =	wrdreg s2  }
0xb2: {  	[dreg:$0x4] =	wrdreg s18  }
0xb3: {  	[dreg:$0x5] =	wrdreg s4  }
0xb4: {  	[dreg:$0x6] =	wrdreg $0x9  }
0xb5: {  	_ =	task.clear_ibuf [dreg:s9], $0x7FFFF;
	_ =	strace $0x90000046  }
0xb6: {  	s29 =	simm.s32 $0x9;
	_ =	strace $0x80000048  }
0xb7: {  	_ =	swait.ge [sflag:s29], $0x1  }
0xb8: {  	[sflag:s29] =	ssyncadd.s32 $0xFFFFFFFF  }
0xb9: {  	_ =	strace $0x90000048  }
0xba: {  	_ =	sfence  }
0xbb: {  	s30 =	sld [smem:$0x0];
	_ =	sdelay $0x2  }
0xbc: {  	s31 =	sshll.u32 s1, $0xD;
	s1 =	sshrl.u32 s1, $0x2  }
0xbd: {  	s3 =	sand.u32 $0x4000, s31;
	s1 =	sadd.s32 s1, s30  }
0xbe: {  	s0 =	sor.u32 s3, s0;
	s1 =	sshll.u32 s1, $0x11  }
0xbf: {  	s0 =	sor.u32 s1, s0  }
0xc0: {  	s0 =	sadd.s32 $0x8F2B, s0  }
0xc1: {  	[sflag:s0] =	ssyncadd.remote.s32 $0x1  }
0xc2: {  	_ =	sfence.sel $0xFFFF  }
0xc3: {  	[dreg:$0x0] =	wrdreg $0xFFFFFFFF;
	(pc) =	sbr.abs _section_cstart, $3  }
0xc4: {  	[dreg:$0x1] =	wrdreg $0xFFFFFFFF  }
0xc5: {  	_ =	task.clear_ibuf [dreg:s9], $0x2FFFF;
	_ =	strace $0x9FFFFFFF  }
0xc6: {  	(tm) =	ssettm $0x7FFFFFFF  }
0xc7: {  	_ =	shalt  }
tec
execute0_lowered:
.L_overlay_start_1:
0x0: {  	(tag) =	ssettag $0x1  }
0x1: {  	s0 =	rddreg [dreg:$0x0]  }
0x2: {  	s1 =	rddreg [dreg:$0x1]  }
0x3: {  	s3 =	rddreg [dreg:$0x2]  }
0x4: {  	s2 =	srdreg.scid;
	s6 =	stileid.u32  }
0x5: {  	s4 =	rddreg [dreg:$0x3];
	s8 =	simm.s32 $0x0;
	s10 =	simm.s32 $0x7A1400  }
0x6: {  	s9 =	simm.s32 $0x600;
	s11 =	simm.s32 $0x2600;
	s13 =	simm.s32 $0x4600;
	vm9 =	vmmov $0x1f;
	v5 =	vimm.s32 $0x0  }
0x7: {  	s14 =	simm.s32 $0x6600;
	s23 =	simm.s32 $0x8600;
	[smem:$0x7FF] =	sst s8;
	v5 =	vsel vm9, $0xFFFFFFFF, v5  }
0x8: {  	vm0 =	vmmov $0x1;
	s28 =	simm.s32 $0xC600;
	s12 =	simm.s32 $0x10600;
	vm9 =	vmmov $0x3f;
	_ =	strace $0x80000047;
	[tilespmem:$0x1FFA0] =	vst v5;
	v5 =	vimm.s32 $0x0  }
0x9: {  	v0 =	vlaneseq.u32;
	vm12 =	vcmask $0xF14;
	s22 =	simm.s32 $0x12600;
	s16 =	simm.s32 $0x14600;
	s21 =	simm.s32 $0x16600;
	v5 =	vsel vm9, $0xFFFFFFFF, v5  }
0xa: {  	vm13 =	vcmask $0x1318;
	s29 =	simm.s32 $0x6600;
	s2 =	sand.u32 $0x1, s2;
	s5 =	sshll.u32 s6, $0x1;
	vm9 =	vmmov $0x7f;
	[tilespmem:$0x1FFB0] =	vst v5;
	v5 =	vimm.s32 $0x0  }
0xb: {  	vm14 =	vcmask $0x171C;
	vm15 =	vcmask $0x1B20;
	s30 =	simm.s32 $0x2600;
	s5 =	sor.u32 s2, s5;
	s2 =	ssub.s32 $0x2, s2;
	v5 =	vsel vm9, $0xFFFFFFFF, v5  }
0xc: {  	vm1 =	vcmask $0x1F24;
	vm10 =	vmmov $0xff;
	s6 =	sshll.u32 s6, $0x7;
	s7 =	sshll.u32 s5, $0x4;
	s24 =	sshrl.u32 s2, $0x1;
	[tilespmem:$0x1FFC0] =	vst v5;
	v5 =	vimm.s32 $0x0  }
0xd: {  	vm2 =	vcmask $0x2328;
	vm3 =	vmmov $0x3;
	s15 =	simm.s32 $0x4600;
	s6 =	sor.u32 s6, s7;
	s2 =	ssub.s32 s2, s24;
	v5 =	vsel vm10, $0xFFFFFFFF, v5  }
0xe: {  	vm4 =	vcmask $0x272C;
	s25 =	sshll.u32 s5, $0x6;
	s6 =	sand.u32 $0x670, s6;
	s31 =	smax.u32 s2, $0x1;
	vm10 =	vmmov $0x1ff;
	[tilespmem:$0x1FFD0] =	vst v5;
	v5 =	vimm.s32 $0x0  }
0xf: {  	vm5 =	vmmov $0x7;
	vm7 =	vcmask $0x2B30;
	s24 =	simm.s32 $0xA600;
	s6 =	sadd.s32 s0, s6;
	[dreg:$0x8] =	wrdreg s31;
	v5 =	vsel vm10, $0xFFFFFFFF, v5  }
0x10: {  	v1 =	vmul.u32 $0x80, v0;
	s7 =	simm.s32 $0xE600;
	vm9 =	vmmov $0x7fff;
	s0 =	sadd.s32 s4, s25;
	[dreg:$0x5] =	wrdreg s6;
	[tilespmem:$0x1FFE0] =	vst v5;
	v5 =	vimm.s32 $0x0  }
0x11: {  	vm8 =	vmmov $0xf;
	vm6 =	vcmask $0x2F34;
	s2 =	simm.s32 $0x0;
	s26 =	sadd.s32 $0x800, s6;
	[dreg:$0x7] =	wrdreg s0;
	v5 =	vsel vm9, $0xFFFFFFFF, v5  }
0x12: {  	v2 =	vor.u32 $0x800, v1;
	v3 =	vor.u32 $0x1000, v1;
	v4 =	vor.u32 $0x1800, v1;
	s6 =	simm.s32 $0xD;
	[dreg:$0x6] =	wrdreg s26;
	s26 =	simm.s32 $0x400;
	[tilespmem:$0x1FFF0] =	vst v5  }
.LBB2_1:
0x13: {  	[dreg:$0x9] =	wrdreg s2  }
0x14: {  	s0 =	rddreg [dreg:$0x5];
	s4 =	simm.s32 $0x80  }
0x15: {  	[tilespmem:s8], [sflag:$0xD] =	stream.strided.gather [hbm4b:s0+s4], $0x200, s26, s4, $0x38;
	[tilespmem:$0x18600] =	vst v63  }
0x16: {  	_ =	swait.ge [sflag:s6], $0x200  }
0x17: {  	[sflag:s6] =	ssyncset.done $0x0  }
0x18: {  	s5 =	simm.s32 $0x200;
	s2 =	rddreg [dreg:$0x6];
	[sflag:s6] =	ssyncadd.s32 $0xFFFFFE00  }
0x19: {  	[tilespmem:s5], [sflag:$0xD] =	stream.strided.gather [hbm4b:s2+s4], $0x200, s26, s4, $0x38;
	[tilespmem:$0x18600] =	vst v63  }
0x1a: {  	_ =	swait.ge [sflag:s6], $0x200  }
0x1b: {  	[sflag:s6] =	ssyncset.done $0x0  }
0x1c: {  	[sflag:s6] =	ssyncadd.s32 $0xFFFFFE00  }
0x1d: {  	v5 =	vld [tilespmem:$0x0];
	_ =	sdelay $0x4  }
0x1e: {  	v5 =	vnsel vm0, $0x0, v5  }
0x1f: {  	(xrf0) =	vadd.scan.msk.s32 $0xffff, v5;
	_ =	sdelay $0x5  }
0x20: {  	v5, _, _ =	vpop (xrf0)  }
0x21: {  	(v2sf) =	vpush v5, $0xF;
	_ =	sdelay $0xe  }
0x22: {  	s17 =	spop (v2sf)  }
0x23: {  	s8 =	sand.u32 $0xFFFFF80, s17  }
0x24: {  	s0 =	sadd.s32 s1, s8  }
0x25: {  	[tilespmem:s9], [sflag:$0x1] =	stream.strided.gather [hbm4b:s0+s26], $0x2000, s10, s26, $0x38;
	[tilespmem:$0x18600] =	vst v63  }
0x26: {  	v5 =	vld [tilespmem:$0x0];
	_ =	sdelay $0x3  }
0x27: {  	vm9 =	vcmask $0x308  }
0x28: {  	v5 =	vsel vm9, $0x0, v5  }
0x29: {  	(xrf0) =	vadd.scan.msk.s32 $0xffff, v5;
	_ =	sdelay $0x5  }
0x2a: {  	v5, _, _ =	vpop (xrf0)  }
0x2b: {  	(v2sf) =	vpush v5, $0xF;
	_ =	sdelay $0xe  }
0x2c: {  	s18 =	spop (v2sf)  }
0x2d: {  	s9 =	sand.u32 $0xFFFFF80, s18  }
0x2e: {  	s0 =	sadd.s32 s1, s9  }
0x2f: {  	[tilespmem:s11], [sflag:$0x2] =	stream.strided.gather [hbm4b:s0+s26], $0x2000, s10, s26, $0x38;
	[tilespmem:$0x18600] =	vst v63  }
0x30: {  	v5 =	vld [tilespmem:$0x0];
	_ =	sdelay $0x3  }
0x31: {  	vm10 =	vcmask $0x70C  }
0x32: {  	v5 =	vsel vm10, $0x0, v5  }
0x33: {  	(xrf0) =	vadd.scan.msk.s32 $0xffff, v5;
	_ =	sdelay $0x5  }
0x34: {  	v5, _, _ =	vpop (xrf0)  }
0x35: {  	(v2sf) =	vpush v5, $0xF;
	_ =	sdelay $0xe  }
0x36: {  	s19 =	spop (v2sf)  }
0x37: {  	s11 =	sand.u32 $0xFFFFF80, s19  }
0x38: {  	s0 =	sadd.s32 s1, s11  }
0x39: {  	[tilespmem:s13], [sflag:$0x3] =	stream.strided.gather [hbm4b:s0+s26], $0x2000, s10, s26, $0x38;
	[tilespmem:$0x18600] =	vst v63  }
0x3a: {  	v5 =	vld [tilespmem:$0x0];
	_ =	sdelay $0x3  }
0x3b: {  	vm11 =	vcmask $0xB10  }
0x3c: {  	v5 =	vsel vm11, $0x0, v5  }
0x3d: {  	(xrf0) =	vadd.scan.msk.s32 $0xffff, v5;
	_ =	sdelay $0x5  }
0x3e: {  	v5, _, _ =	vpop (xrf0)  }
0x3f: {  	(v2sf) =	vpush v5, $0xF;
	_ =	sdelay $0xe  }
0x40: {  	s20 =	spop (v2sf)  }
0x41: {  	s13 =	sand.u32 $0xFFFFF80, s20  }
0x42: {  	s0 =	sadd.s32 s1, s13  }
0x43: {  	[tilespmem:s14], [sflag:$0x4] =	stream.strided.gather [hbm4b:s0+s26], $0x2000, s10, s26, $0x38;
	[tilespmem:$0x18600] =	vst v63  }
0x44: {  	v5 =	vld [tilespmem:$0x200];
	_ =	sdelay $0x4  }
0x45: {  	v5 =	vnsel vm0, $0x0, v5  }
0x46: {  	(xrf0) =	vadd.scan.msk.s32 $0xffff, v5;
	_ =	sdelay $0x5  }
0x47: {  	v5, _, _ =	vpop (xrf0)  }
0x48: {  	(v2sf) =	vpush v5, $0xF;
	_ =	sdelay $0xe  }
0x49: {  	s31 =	spop (v2sf)  }
0x4a: {  	s14 =	sand.u32 $0xFFFFF80, s31  }
0x4b: {  	s0 =	sadd.s32 s3, s14  }
0x4c: {  	[tilespmem:s23], [sflag:$0x5] =	stream.strided.gather [hbm4b:s0+s26], $0x2000, s10, s26, $0x38;
	[tilespmem:$0x18600] =	vst v63  }
0x4d: {  	v5 =	vld [tilespmem:$0x200];
	_ =	sdelay $0x4  }
0x4e: {  	v5 =	vsel vm9, $0x0, v5  }
0x4f: {  	(xrf0) =	vadd.scan.msk.s32 $0xffff, v5;
	_ =	sdelay $0x5  }
0x50: {  	v5, _, _ =	vpop (xrf0)  }
0x51: {  	(v2sf) =	vpush v5, $0xF;
	_ =	sdelay $0xe  }
0x52: {  	s11 =	spop (v2sf)  }
0x53: {  	s25 =	sand.u32 $0xFFFFF80, s11  }
0x54: {  	s0 =	sadd.s32 s3, s25  }
0x55: {  	[tilespmem:s24], [sflag:$0x6] =	stream.strided.gather [hbm4b:s0+s26], $0x2000, s10, s26, $0x38;
	[tilespmem:$0x18600] =	vst v63  }
0x56: {  	v5 =	vld [tilespmem:$0x200];
	_ =	sdelay $0x4  }
0x57: {  	v5 =	vsel vm10, $0x0, v5  }
0x58: {  	(xrf0) =	vadd.scan.msk.s32 $0xffff, v5;
	_ =	sdelay $0x5  }
0x59: {  	v5, _, _ =	vpop (xrf0)  }
0x5a: {  	(v2sf) =	vpush v5, $0xF;
	_ =	sdelay $0xe  }
0x5b: {  	s0 =	spop (v2sf)  }
0x5c: {  	s2 =	sand.u32 $0xFFFFF80, s0  }
0x5d: {  	s4 =	sadd.s32 s3, s2  }
0x5e: {  	[tilespmem:s28], [sflag:$0x7] =	stream.strided.gather [hbm4b:s4+s26], $0x2000, s10, s26, $0x38;
	[tilespmem:$0x18600] =	vst v63  }
0x5f: {  	v5 =	vld [tilespmem:$0x200];
	_ =	sdelay $0x4  }
0x60: {  	v5 =	vsel vm11, $0x0, v5  }
0x61: {  	(xrf0) =	vadd.scan.msk.s32 $0xffff, v5;
	_ =	sdelay $0x5  }
0x62: {  	v5, _, _ =	vpop (xrf0)  }
0x63: {  	(v2sf) =	vpush v5, $0xF;
	_ =	sdelay $0xe  }
0x64: {  	s9 =	spop (v2sf)  }
0x65: {  	s6 =	sand.u32 $0xFFFFF80, s9  }
0x66: {  	s4 =	sadd.s32 s3, s6  }
0x67: {  	[tilespmem:s7], [sflag:$0x8] =	stream.strided.gather [hbm4b:s4+s26], $0x2000, s10, s26, $0x38;
	[tilespmem:$0x18600] =	vst v63  }
0x68: {  	v5 =	vld [tilespmem:$0x200];
	_ =	sdelay $0x4  }
0x69: {  	v5 =	vsel vm12, $0x0, v5  }
0x6a: {  	(xrf0) =	vadd.scan.msk.s32 $0xffff, v5;
	_ =	sdelay $0x5  }
0x6b: {  	v5, _, _ =	vpop (xrf0)  }
0x6c: {  	(v2sf) =	vpush v5, $0xF;
	_ =	sdelay $0xe  }
0x6d: {  	s4 =	spop (v2sf)  }
0x6e: {  	s8 =	sand.u32 $0xFFFFF80, s4  }
0x6f: {  	s6 =	sadd.s32 s3, s8  }
0x70: {  	[tilespmem:s12], [sflag:$0x9] =	stream.strided.gather [hbm4b:s6+s26], $0x2000, s10, s26, $0x38;
	[tilespmem:$0x18600] =	vst v63  }
0x71: {  	v5 =	vld [tilespmem:$0x200];
	_ =	sdelay $0x4  }
0x72: {  	v5 =	vsel vm13, $0x0, v5  }
0x73: {  	(xrf0) =	vadd.scan.msk.s32 $0xffff, v5;
	_ =	sdelay $0x5  }
0x74: {  	v5, _, _ =	vpop (xrf0)  }
0x75: {  	(v2sf) =	vpush v5, $0xF;
	_ =	sdelay $0xe  }
0x76: {  	s6 =	spop (v2sf)  }
0x77: {  	s12 =	sand.u32 $0xFFFFF80, s6  }
0x78: {  	s7 =	sadd.s32 s3, s12  }
0x79: {  	[tilespmem:s22], [sflag:$0xA] =	stream.strided.gather [hbm4b:s7+s26], $0x2000, s10, s26, $0x38;
	[tilespmem:$0x18600] =	vst v63  }
0x7a: {  	v5 =	vld [tilespmem:$0x200];
	_ =	sdelay $0x4  }
0x7b: {  	v5 =	vsel vm14, $0x0, v5  }
0x7c: {  	(xrf0) =	vadd.scan.msk.s32 $0xffff, v5;
	_ =	sdelay $0x5  }
0x7d: {  	v5, _, _ =	vpop (xrf0)  }
0x7e: {  	(v2sf) =	vpush v5, $0xF;
	_ =	sdelay $0xe  }
0x7f: {  	s7 =	spop (v2sf)  }
0x80: {  	s14 =	sand.u32 $0xFFFFF80, s7  }
0x81: {  	s8 =	sadd.s32 s3, s14  }
0x82: {  	[tilespmem:s16], [sflag:$0xB] =	stream.strided.gather [hbm4b:s8+s26], $0x2000, s10, s26, $0x38;
	[tilespmem:$0x18600] =	vst v63  }
0x83: {  	v5 =	vld [tilespmem:$0x200];
	_ =	sdelay $0x4  }
0x84: {  	v5 =	vsel vm15, $0x0, v5  }
0x85: {  	(xrf0) =	vadd.scan.msk.s32 $0xffff, v5;
	_ =	sdelay $0x5  }
0x86: {  	v5, _, _ =	vpop (xrf0)  }
0x87: {  	(v2sf) =	vpush v5, $0xF;
	_ =	sdelay $0xd  }
0x88: {  	v5 =	vld [tilespmem:$0x1FFF0]  }
0x89: {  	s16 =	spop (v2sf)  }
0x8a: {  	s25 =	sand.u32 $0xFFFFF80, s16  }
0x8b: {  	s13 =	simm.s32 $0x600;
	s8 =	sadd.s32 s3, s25  }
0x8c: {  	[tilespmem:s21], [sflag:$0xC] =	stream.strided.gather [hbm4b:s8+s26], $0x2000, s10, s26, $0x38;
	[tilespmem:$0x18600] =	vst v63  }
0x8d: {  	s2 =	simm.s32 $0x400;
	vm9 =	vnez.u8 v5;
	s25 =	simm.s32 $0x0;
	s8 =	simm.s32 $0x0  }
.LBB2_2:
0x8e: {  	[dreg:$0xa] =	wrdreg s2;
	s14 =	simm.s32 $0x1  }
0x8f: {  	_ =	swait.ge [sflag:s14], $0x2000  }
0x90: {  	[sflag:s14] =	ssyncset.done $0x0  }
0x91: {  	s21 =	simm.s32 $0x5;
	[sflag:s14] =	ssyncadd.s32 $0xFFFFE000  }
0x92: {  	_ =	swait.ge [sflag:s21], $0x2000  }
0x93: {  	[sflag:s21] =	ssyncset.done $0x0  }
0x94: {  	[sflag:s21] =	ssyncadd.s32 $0xFFFFE000  }
0x95: {  	v5 =	vld [tilespmem:s8+$0x0];
	_ =	sdelay $0x4  }
0x96: {  	v5 =	vsel vm12, $0x0, v5  }
0x97: {  	(xrf0) =	vadd.scan.msk.s32 $0xffff, v5;
	_ =	sdelay $0x5  }
0x98: {  	v5, _, _ =	vpop (xrf0)  }
0x99: {  	(v2sf) =	vpush v5, $0xF;
	_ =	sdelay $0x4  }
0x9a: {  	s17 =	sand.u32 $0x7F, s17  }
0x9b: {  	v7 =	vor.u32 s17, v2  }
0x9c: {  	v9 =	vor.u32 s17, v3  }
0x9d: {  	v11 =	vor.u32 s17, v4;
	s21 =	sand.u32 $0x7F, s31  }
0x9e: {  	v6 =	vor.u32 s21, v1  }
0x9f: {  	v8 =	vor.u32 s21, v2  }
0xa0: {  	v10 =	vor.u32 s21, v3;
	v7 =	vld.idx.msk [tilespmem:v7+s13+$0x0], $0xffff  }
0xa1: {  	v12 =	vor.u32 s21, v4;
	v9 =	vld.idx.msk [tilespmem:v9+s13+$0x0], $0xffff  }
0xa2: {  	v11 =	vld.idx.msk [tilespmem:v11+s13+$0x0], $0xffff;
	v5 =	vor.u32 s17, v1  }
0xa3: {  	v6 =	vld.idx.msk [tilespmem:v6+s23+$0x0], $0xffff  }
0xa4: {  	v8 =	vld.idx.msk [tilespmem:v8+s23+$0x0], $0xffff;
	s17 =	spop (v2sf)  }
0xa5: {  	v10 =	vld.idx.msk [tilespmem:v10+s23+$0x0], $0xffff;
	s12 =	sand.u32 $0xFFFFF80, s17  }
0xa6: {  	v12 =	vld.idx.msk [tilespmem:v12+s23+$0x0], $0xffff;
	s21 =	sadd.s32 s1, s12  }
0xa7: {  	v5 =	vld.idx.msk [tilespmem:v5+s13+$0x0], $0xffff;
	[tilespmem:s13], [sflag:$0x1] =	stream.strided.gather [hbm4b:s21+s26], $0x2000, s10, s26, $0x38  }
0xa8: {  	v13 =	vld [tilespmem:s5+$0x0];
	_ =	sdelay $0x4  }
0xa9: {  	v13 =	vsel vm1, $0x0, v13  }
0xaa: {  	(xrf0) =	vadd.scan.msk.s32 $0xffff, v13;
	_ =	sdelay $0x4  }
0xab: {  	v5 =	vmul.f32 v6, v5  }
0xac: {  	v6, _, _ =	vpop (xrf0)  }
0xad: {  	v7 =	vmul.f32 v8, v7;
	v5 =	vadd.f32 $0.0e+00, v5;
	(v2sf) =	vpush v6, $0xF;
	_ =	sdelay $0x1  }
0xae: {  	v5 =	vadd.f32 v7, v5;
	v6 =	vmul.f32 v10, v9;
	_ =	sdelay $0x1  }
0xaf: {  	v5 =	vadd.f32 v6, v5;
	v6 =	vmul.f32 v12, v11;
	_ =	sdelay $0x1  }
0xb0: {  	v5 =	vadd.f32 v6, v5;
	_ =	sdelay $0x1  }
0xb1: {  	(xrf2) =	vadd.scan.msk.f32 $0xffff, v5;
	_ =	sdelay $0x6  }
0xb2: {  	s21 =	spop (v2sf)  }
0xb3: {  	s12 =	sand.u32 $0xFFFFF80, s21  }
0xb4: {  	s31 =	simm.s32 $0x2;
	[dreg:$0x10] =	wrdreg s21;
	s21 =	sadd.s32 s3, s12  }
0xb5: {  	v5, _, _ =	vpop (xrf2);
	[tilespmem:s23], [sflag:$0x5] =	stream.strided.gather [hbm4b:s21+s26], $0x2000, s10, s26, $0x38;
	[tilespmem:$0x18600] =	vst v63  }
0xb6: {  	_ =	swait.ge [sflag:s31], $0x2000  }
0xb7: {  	[sflag:s31] =	ssyncset.done $0x0  }
0xb8: {  	s21 =	simm.s32 $0x6;
	[sflag:s31] =	ssyncadd.s32 $0xFFFFE000  }
0xb9: {  	_ =	swait.ge [sflag:s21], $0x2000  }
0xba: {  	[sflag:s21] =	ssyncset.done $0x0  }
0xbb: {  	[sflag:s21] =	ssyncadd.s32 $0xFFFFE000  }
0xbc: {  	v6 =	vld [tilespmem:s8+$0x0];
	_ =	sdelay $0x4  }
0xbd: {  	v6 =	vsel vm13, $0x0, v6  }
0xbe: {  	(xrf0) =	vadd.scan.msk.s32 $0xffff, v6;
	_ =	sdelay $0x5  }
0xbf: {  	v6, _, _ =	vpop (xrf0)  }
0xc0: {  	(v2sf) =	vpush v6, $0xF;
	_ =	sdelay $0x4  }
0xc1: {  	s12 =	sand.u32 $0x7F, s11  }
0xc2: {  	s18 =	sand.u32 $0x7F, s18;
	v7 =	vor.u32 s12, v1  }
0xc3: {  	v42 =	vor.u32 s18, v2  }
0xc4: {  	v43 =	vor.u32 s12, v2  }
0xc5: {  	v44 =	vor.u32 s18, v3  }
0xc6: {  	v45 =	vor.u32 s12, v3  }
0xc7: {  	v46 =	vor.u32 s18, v4;
	v7 =	vld.idx.msk [tilespmem:v7+s24+$0x0], $0xffff  }
0xc8: {  	v47 =	vor.u32 s12, v4;
	v8 =	vld.idx.msk [tilespmem:v42+s30+$0x0], $0xffff  }
0xc9: {  	v9 =	vld.idx.msk [tilespmem:v43+s24+$0x0], $0xffff;
	v6 =	vor.u32 s18, v1  }
0xca: {  	v10 =	vld.idx.msk [tilespmem:v44+s30+$0x0], $0xffff  }
0xcb: {  	v11 =	vld.idx.msk [tilespmem:v45+s24+$0x0], $0xffff;
	s18 =	spop (v2sf)  }
0xcc: {  	v12 =	vld.idx.msk [tilespmem:v46+s30+$0x0], $0xffff;
	s2 =	sand.u32 $0xFFFFF80, s18  }
0xcd: {  	v13 =	vld.idx.msk [tilespmem:v47+s24+$0x0], $0xffff;
	s21 =	sadd.s32 s1, s2  }
0xce: {  	v6 =	vld.idx.msk [tilespmem:v6+s30+$0x0], $0xffff;
	[tilespmem:s30], [sflag:$0x2] =	stream.strided.gather [hbm4b:s21+s26], $0x2000, s10, s26, $0x38  }
0xcf: {  	v14 =	vld [tilespmem:s5+$0x0];
	_ =	sdelay $0x4  }
0xd0: {  	v14 =	vsel vm2, $0x0, v14  }
0xd1: {  	(xrf0) =	vadd.scan.msk.s32 $0xffff, v14;
	_ =	sdelay $0x4  }
0xd2: {  	v6 =	vmul.f32 v7, v6  }
0xd3: {  	v7, _, _ =	vpop (xrf0)  }
0xd4: {  	v8 =	vmul.f32 v9, v8;
	v6 =	vadd.f32 $0.0e+00, v6;
	(v2sf) =	vpush v7, $0xF;
	_ =	sdelay $0x1  }
0xd5: {  	v6 =	vadd.f32 v8, v6;
	v7 =	vmul.f32 v11, v10;
	_ =	sdelay $0x1  }
0xd6: {  	v6 =	vadd.f32 v7, v6;
	v7 =	vmul.f32 v13, v12;
	_ =	sdelay $0x1  }
0xd7: {  	v6 =	vadd.f32 v7, v6;
	_ =	sdelay $0x1  }
0xd8: {  	(xrf2) =	vadd.scan.msk.f32 $0xffff, v6;
	_ =	sdelay $0x6  }
0xd9: {  	s11 =	spop (v2sf)  }
0xda: {  	s12 =	sand.u32 $0xFFFFF80, s11  }
0xdb: {  	[dreg:$0xf] =	wrdreg s11;
	s11 =	simm.s32 $0x3;
	s21 =	sadd.s32 s3, s12  }
0xdc: {  	v6, _, _ =	vpop (xrf2);
	[tilespmem:s24], [sflag:$0x6] =	stream.strided.gather [hbm4b:s21+s26], $0x2000, s10, s26, $0x38;
	[tilespmem:$0x18600] =	vst v63  }
0xdd: {  	_ =	swait.ge [sflag:s11], $0x2000  }
0xde: {  	[sflag:s11] =	ssyncset.done $0x0  }
0xdf: {  	s21 =	simm.s32 $0x7;
	[sflag:s11] =	ssyncadd.s32 $0xFFFFE000  }
0xe0: {  	_ =	swait.ge [sflag:s21], $0x2000  }
0xe1: {  	[sflag:s21] =	ssyncset.done $0x0  }
0xe2: {  	[sflag:s21] =	ssyncadd.s32 $0xFFFFE000  }
0xe3: {  	v7 =	vld [tilespmem:s8+$0x0];
	_ =	sdelay $0x4  }
0xe4: {  	v7 =	vsel vm14, $0x0, v7  }
0xe5: {  	(xrf0) =	vadd.scan.msk.s32 $0xffff, v7;
	_ =	sdelay $0x5  }
0xe6: {  	v7, _, _ =	vpop (xrf0)  }
0xe7: {  	(v2sf) =	vpush v7, $0xF;
	_ =	sdelay $0x4  }
0xe8: {  	s0 =	sand.u32 $0x7F, s0  }
0xe9: {  	s19 =	sand.u32 $0x7F, s19;
	v48 =	vor.u32 s0, v1  }
0xea: {  	v49 =	vor.u32 s19, v2  }
0xeb: {  	v50 =	vor.u32 s0, v2  }
0xec: {  	v51 =	vor.u32 s19, v3  }
0xed: {  	v52 =	vor.u32 s0, v3  }
0xee: {  	v53 =	vor.u32 s19, v4;
	v8 =	vld.idx.msk [tilespmem:v48+s28+$0x0], $0xffff  }
0xef: {  	v54 =	vor.u32 s0, v4;
	v9 =	vld.idx.msk [tilespmem:v49+s15+$0x0], $0xffff  }
0xf0: {  	v10 =	vld.idx.msk [tilespmem:v50+s28+$0x0], $0xffff;
	v7 =	vor.u32 s19, v1  }
0xf1: {  	v11 =	vld.idx.msk [tilespmem:v51+s15+$0x0], $0xffff  }
0xf2: {  	v12 =	vld.idx.msk [tilespmem:v52+s28+$0x0], $0xffff;
	s19 =	spop (v2sf)  }
0xf3: {  	v13 =	vld.idx.msk [tilespmem:v53+s15+$0x0], $0xffff;
	s2 =	sand.u32 $0xFFFFF80, s19  }
0xf4: {  	v14 =	vld.idx.msk [tilespmem:v54+s28+$0x0], $0xffff;
	s0 =	sadd.s32 s1, s2  }
0xf5: {  	v7 =	vld.idx.msk [tilespmem:v7+s15+$0x0], $0xffff;
	[tilespmem:s15], [sflag:$0x3] =	stream.strided.gather [hbm4b:s0+s26], $0x2000, s10, s26, $0x38  }
0xf6: {  	v15 =	vld [tilespmem:s5+$0x0];
	_ =	sdelay $0x4  }
0xf7: {  	v15 =	vsel vm4, $0x0, v15  }
0xf8: {  	(xrf0) =	vadd.scan.msk.s32 $0xffff, v15;
	_ =	sdelay $0x4  }
0xf9: {  	v7 =	vmul.f32 v8, v7  }
0xfa: {  	v55, _, _ =	vpop (xrf0)  }
0xfb: {  	v9 =	vmul.f32 v10, v9;
	v7 =	vadd.f32 $0.0e+00, v7;
	(v2sf) =	vpush v55, $0xF;
	_ =	sdelay $0x1  }
0xfc: {  	v56 =	vmul.f32 v12, v11;
	v7 =	vadd.f32 v9, v7;
	_ =	sdelay $0x1  }
0xfd: {  	v57 =	vmul.f32 v14, v13;
	v7 =	vadd.f32 v56, v7;
	_ =	sdelay $0x1  }
0xfe: {  	v7 =	vadd.f32 v57, v7;
	_ =	sdelay $0x1  }
0xff: {  	(xrf2) =	vadd.scan.msk.f32 $0xffff, v7;
	_ =	sdelay $0x6  }
0x100: {  	s0 =	spop (v2sf)  }
0x101: {  	s12 =	sand.u32 $0xFFFFF80, s0  }
0x102: {  	s21 =	sadd.s32 s3, s12;
	s12 =	simm.s32 $0x4  }
0x103: {  	v7, _, _ =	vpop (xrf2);
	[tilespmem:s28], [sflag:$0x7] =	stream.strided.gather [hbm4b:s21+s26], $0x2000, s10, s26, $0x38;
	[tilespmem:$0x18600] =	vst v63  }
0x104: {  	_ =	swait.ge [sflag:s12], $0x2000  }
0x105: {  	[sflag:s12] =	ssyncset.done $0x0  }
0x106: {  	s21 =	simm.s32 $0x8;
	[sflag:s12] =	ssyncadd.s32 $0xFFFFE000  }
0x107: {  	_ =	swait.ge [sflag:s21], $0x2000  }
0x108: {  	[sflag:s21] =	ssyncset.done $0x0  }
0x109: {  	[sflag:s21] =	ssyncadd.s32 $0xFFFFE000  }
0x10a: {  	v58 =	vld [tilespmem:s8+$0x0];
	_ =	sdelay $0x4  }
0x10b: {  	v8 =	vsel vm15, $0x0, v58  }
0x10c: {  	(xrf0) =	vadd.scan.msk.s32 $0xffff, v8;
	_ =	sdelay $0x5  }
0x10d: {  	v8, _, _ =	vpop (xrf0)  }
0x10e: {  	(v2sf) =	vpush v8, $0xF;
	_ =	sdelay $0x4  }
0x10f: {  	s9 =	sand.u32 $0x7F, s9  }
0x110: {  	s20 =	sand.u32 $0x7F, s20;
	v60 =	vor.u32 s9, v1  }
0x111: {  	v61 =	vor.u32 s20, v2  }
0x112: {  	v62 =	vor.u32 s9, v2  }
0x113: {  	v63 =	vor.u32 s20, v3  }
0x114: {  	v18 =	vor.u32 s9, v3;
	s2 =	simm.s32 $0xE600  }
0x115: {  	v19 =	vor.u32 s20, v4;
	v9 =	vld.idx.msk [tilespmem:v60+s2+$0x0], $0xffff  }
0x116: {  	v20 =	vor.u32 s9, v4;
	v10 =	vld.idx.msk [tilespmem:v61+s29+$0x0], $0xffff  }
0x117: {  	v59 =	vor.u32 s20, v1;
	v11 =	vld.idx.msk [tilespmem:v62+s2+$0x0], $0xffff  }
0x118: {  	v12 =	vld.idx.msk [tilespmem:v63+s29+$0x0], $0xffff  }
0x119: {  	v13 =	vld.idx.msk [tilespmem:v18+s2+$0x0], $0xffff;
	s20 =	spop (v2sf)  }
0x11a: {  	v14 =	vld.idx.msk [tilespmem:v19+s29+$0x0], $0xffff;
	s21 =	sand.u32 $0xFFFFF80, s20  }
0x11b: {  	v15 =	vld.idx.msk [tilespmem:v20+s2+$0x0], $0xffff;
	s9 =	sadd.s32 s1, s21  }
0x11c: {  	v8 =	vld.idx.msk [tilespmem:v59+s29+$0x0], $0xffff;
	[tilespmem:s29], [sflag:$0x4] =	stream.strided.gather [hbm4b:s9+s26], $0x2000, s10, s26, $0x38  }
0x11d: {  	v16 =	vld [tilespmem:s5+$0x0];
	_ =	sdelay $0x4  }
0x11e: {  	v16 =	vsel vm7, $0x0, v16  }
0x11f: {  	(xrf0) =	vadd.scan.msk.s32 $0xffff, v16;
	_ =	sdelay $0x4  }
0x120: {  	v8 =	vmul.f32 v9, v8  }
0x121: {  	v21, _, _ =	vpop (xrf0)  }
0x122: {  	v10 =	vmul.f32 v11, v10;
	v8 =	vadd.f32 $0.0e+00, v8;
	(v2sf) =	vpush v21, $0xF;
	_ =	sdelay $0x1  }
0x123: {  	v22 =	vmul.f32 v13, v12;
	v8 =	vadd.f32 v10, v8;
	_ =	sdelay $0x1  }
0x124: {  	v23 =	vmul.f32 v15, v14;
	v8 =	vadd.f32 v22, v8;
	_ =	sdelay $0x1  }
0x125: {  	v8 =	vadd.f32 v23, v8;
	_ =	sdelay $0x1  }
0x126: {  	(xrf2) =	vadd.scan.msk.f32 $0xffff, v8;
	_ =	sdelay $0x6  }
0x127: {  	s9 =	spop (v2sf)  }
0x128: {  	s21 =	sand.u32 $0xFFFFF80, s9  }
0x129: {  	s14 =	simm.s32 $0x1;
	s21 =	sadd.s32 s3, s21  }
0x12a: {  	v8, _, _ =	vpop (xrf2);
	[tilespmem:s2], [sflag:$0x8] =	stream.strided.gather [hbm4b:s21+s26], $0x2000, s10, s26, $0x38;
	[tilespmem:$0x18600] =	vst v63  }
0x12b: {  	_ =	swait.ge [sflag:s14], $0x2000  }
0x12c: {  	[sflag:s14] =	ssyncset.done $0x0  }
0x12d: {  	s21 =	simm.s32 $0x9;
	[sflag:s14] =	ssyncadd.s32 $0xFFFFE000  }
0x12e: {  	_ =	swait.ge [sflag:s21], $0x2000  }
0x12f: {  	[sflag:s21] =	ssyncset.done $0x0  }
0x130: {  	[sflag:s21] =	ssyncadd.s32 $0xFFFFE000  }
0x131: {  	v24 =	vld [tilespmem:s8+$0x0];
	_ =	sdelay $0x4  }
0x132: {  	v9 =	vsel vm1, $0x0, v24  }
0x133: {  	(xrf0) =	vadd.scan.msk.s32 $0xffff, v9;
	_ =	sdelay $0x5  }
0x134: {  	v9, _, _ =	vpop (xrf0)  }
0x135: {  	(v2sf) =	vpush v9, $0xF;
	_ =	sdelay $0x4  }
0x136: {  	s4 =	sand.u32 $0x7F, s4  }
0x137: {  	v26 =	vor.u32 s4, v1;
	s17 =	sand.u32 $0x7F, s17  }
0x138: {  	v27 =	vor.u32 s17, v2  }
0x139: {  	v28 =	vor.u32 s4, v2  }
0x13a: {  	v29 =	vor.u32 s17, v3  }
0x13b: {  	v30 =	vor.u32 s4, v3;
	s14 =	simm.s32 $0x10600  }
0x13c: {  	v31 =	vor.u32 s17, v4;
	v10 =	vld.idx.msk [tilespmem:v26+s14+$0x0], $0xffff  }
0x13d: {  	v32 =	vor.u32 s4, v4;
	v11 =	vld.idx.msk [tilespmem:v27+s13+$0x0], $0xffff  }
0x13e: {  	v25 =	vor.u32 s17, v1;
	v12 =	vld.idx.msk [tilespmem:v28+s14+$0x0], $0xffff  }
0x13f: {  	v13 =	vld.idx.msk [tilespmem:v29+s13+$0x0], $0xffff  }
0x140: {  	v14 =	vld.idx.msk [tilespmem:v30+s14+$0x0], $0xffff;
	s17 =	spop (v2sf)  }
0x141: {  	v15 =	vld.idx.msk [tilespmem:v31+s13+$0x0], $0xffff;
	s21 =	sand.u32 $0xFFFFF80, s17  }
0x142: {  	v16 =	vld.idx.msk [tilespmem:v32+s14+$0x0], $0xffff;
	s4 =	sadd.s32 s1, s21  }
0x143: {  	v9 =	vld.idx.msk [tilespmem:v25+s13+$0x0], $0xffff;
	[tilespmem:s13], [sflag:$0x1] =	stream.strided.gather [hbm4b:s4+s26], $0x2000, s10, s26, $0x38  }
0x144: {  	v17 =	vld [tilespmem:s5+$0x0];
	_ =	sdelay $0x4  }
0x145: {  	v17 =	vsel vm6, $0x0, v17  }
0x146: {  	(xrf0) =	vadd.scan.msk.s32 $0xffff, v17;
	_ =	sdelay $0x4  }
0x147: {  	v9 =	vmul.f32 v10, v9  }
0x148: {  	v33, _, _ =	vpop (xrf0)  }
0x149: {  	v11 =	vmul.f32 v12, v11;
	v9 =	vadd.f32 $0.0e+00, v9;
	(v2sf) =	vpush v33, $0xF;
	_ =	sdelay $0x1  }
0x14a: {  	v34 =	vmul.f32 v14, v13;
	v9 =	vadd.f32 v11, v9;
	_ =	sdelay $0x1  }
0x14b: {  	v35 =	vmul.f32 v16, v15;
	v9 =	vadd.f32 v34, v9;
	_ =	sdelay $0x1  }
0x14c: {  	v9 =	vadd.f32 v35, v9;
	_ =	sdelay $0x1  }
0x14d: {  	(xrf2) =	vadd.scan.msk.f32 $0xffff, v9;
	_ =	sdelay $0x6  }
0x14e: {  	s21 =	spop (v2sf)  }
0x14f: {  	s4 =	sand.u32 $0xFFFFF80, s21  }
0x150: {  	[dreg:$0xe] =	wrdreg s21;
	s21 =	sadd.s32 s3, s4  }
0x151: {  	v9, _, _ =	vpop (xrf2);
	[tilespmem:s14], [sflag:$0x9] =	stream.strided.gather [hbm4b:s21+s26], $0x2000, s10, s26, $0x38;
	[tilespmem:$0x18600] =	vst v63  }
0x152: {  	_ =	swait.ge [sflag:s31], $0x2000  }
0x153: {  	[sflag:s31] =	ssyncset.done $0x0  }
0x154: {  	s21 =	simm.s32 $0xA;
	[sflag:s31] =	ssyncadd.s32 $0xFFFFE000  }
0x155: {  	_ =	swait.ge [sflag:s21], $0x2000  }
0x156: {  	[sflag:s21] =	ssyncset.done $0x0  }
0x157: {  	[sflag:s21] =	ssyncadd.s32 $0xFFFFE000  }
0x158: {  	v36 =	vld [tilespmem:s8+$0x0];
	_ =	sdelay $0x4  }
0x159: {  	v10 =	vsel vm2, $0x0, v36  }
0x15a: {  	(xrf0) =	vadd.scan.msk.s32 $0xffff, v10;
	_ =	sdelay $0x5  }
0x15b: {  	v10, _, _ =	vpop (xrf0)  }
0x15c: {  	(v2sf) =	vpush v10, $0xF;
	_ =	sdelay $0x4  }
0x15d: {  	s6 =	sand.u32 $0x7F, s6  }
0x15e: {  	v38 =	vor.u32 s6, v1;
	s18 =	sand.u32 $0x7F, s18  }
0x15f: {  	v39 =	vor.u32 s18, v2  }
0x160: {  	v40 =	vor.u32 s6, v2  }
0x161: {  	v41 =	vor.u32 s18, v3  }
0x162: {  	v42 =	vor.u32 s6, v3  }
0x163: {  	v43 =	vor.u32 s18, v4;
	v11 =	vld.idx.msk [tilespmem:v38+s22+$0x0], $0xffff  }
0x164: {  	v44 =	vor.u32 s6, v4;
	v12 =	vld.idx.msk [tilespmem:v39+s30+$0x0], $0xffff  }
0x165: {  	v37 =	vor.u32 s18, v1;
	v13 =	vld.idx.msk [tilespmem:v40+s22+$0x0], $0xffff  }
0x166: {  	v14 =	vld.idx.msk [tilespmem:v41+s30+$0x0], $0xffff  }
0x167: {  	v15 =	vld.idx.msk [tilespmem:v42+s22+$0x0], $0xffff;
	s18 =	spop (v2sf)  }
0x168: {  	v16 =	vld.idx.msk [tilespmem:v43+s30+$0x0], $0xffff;
	s4 =	sand.u32 $0xFFFFF80, s18  }
0x169: {  	v17 =	vld.idx.msk [tilespmem:v44+s22+$0x0], $0xffff;
	s6 =	sadd.s32 s1, s4  }
0x16a: {  	v10 =	vld.idx.msk [tilespmem:v37+s30+$0x0], $0xffff;
	[tilespmem:s30], [sflag:$0x2] =	stream.strided.gather [hbm4b:s6+s26], $0x2000, s10, s26, $0x38  }
0x16b: {  	v18 =	vld [tilespmem:s5+$0x0];
	_ =	sdelay $0x3  }
0x16c: {  	vm10 =	vcmask $0x3338  }
0x16d: {  	v18 =	vsel vm10, $0x0, v18  }
0x16e: {  	(xrf0) =	vadd.scan.msk.s32 $0xffff, v18;
	_ =	sdelay $0x4  }
0x16f: {  	v10 =	vmul.f32 v11, v10  }
0x170: {  	v45, _, _ =	vpop (xrf0)  }
0x171: {  	v12 =	vmul.f32 v13, v12;
	v10 =	vadd.f32 $0.0e+00, v10;
	(v2sf) =	vpush v45, $0xF;
	_ =	sdelay $0x1  }
0x172: {  	v46 =	vmul.f32 v15, v14;
	v10 =	vadd.f32 v12, v10;
	_ =	sdelay $0x1  }
0x173: {  	v47 =	vmul.f32 v17, v16;
	v10 =	vadd.f32 v46, v10;
	_ =	sdelay $0x1  }
0x174: {  	v10 =	vadd.f32 v47, v10;
	_ =	sdelay $0x1  }
0x175: {  	(xrf2) =	vadd.scan.msk.f32 $0xffff, v10;
	_ =	sdelay $0x6  }
0x176: {  	s21 =	spop (v2sf)  }
0x177: {  	s6 =	sand.u32 $0xFFFFF80, s21  }
0x178: {  	[dreg:$0xd] =	wrdreg s21;
	s21 =	sadd.s32 s3, s6  }
0x179: {  	v10, _, _ =	vpop (xrf2);
	[tilespmem:s22], [sflag:$0xA] =	stream.strided.gather [hbm4b:s21+s26], $0x2000, s10, s26, $0x38;
	[tilespmem:$0x18600] =	vst v63  }
0x17a: {  	_ =	swait.ge [sflag:s11], $0x2000  }
0x17b: {  	[sflag:s11] =	ssyncset.done $0x0  }
0x17c: {  	s22 =	simm.s32 $0xB;
	[sflag:s11] =	ssyncadd.s32 $0xFFFFE000  }
0x17d: {  	_ =	swait.ge [sflag:s22], $0x2000  }
0x17e: {  	[sflag:s22] =	ssyncset.done $0x0  }
0x17f: {  	[sflag:s22] =	ssyncadd.s32 $0xFFFFE000  }
0x180: {  	v48 =	vld [tilespmem:s8+$0x0];
	_ =	sdelay $0x4  }
0x181: {  	v11 =	vsel vm4, $0x0, v48  }
0x182: {  	(xrf0) =	vadd.scan.msk.s32 $0xffff, v11;
	_ =	sdelay $0x5  }
0x183: {  	v11, _, _ =	vpop (xrf0)  }
0x184: {  	(v2sf) =	vpush v11, $0xF;
	_ =	sdelay $0x4  }
0x185: {  	s7 =	sand.u32 $0x7F, s7  }
0x186: {  	v50 =	vor.u32 s7, v1;
	s19 =	sand.u32 $0x7F, s19  }
0x187: {  	v51 =	vor.u32 s19, v2  }
0x188: {  	v52 =	vor.u32 s7, v2  }
0x189: {  	v53 =	vor.u32 s19, v3  }
0x18a: {  	v54 =	vor.u32 s7, v3;
	s11 =	simm.s32 $0x14600  }
0x18b: {  	v55 =	vor.u32 s19, v4;
	v12 =	vld.idx.msk [tilespmem:v50+s11+$0x0], $0xffff  }
0x18c: {  	v56 =	vor.u32 s7, v4;
	v13 =	vld.idx.msk [tilespmem:v51+s15+$0x0], $0xffff  }
0x18d: {  	v49 =	vor.u32 s19, v1;
	v14 =	vld.idx.msk [tilespmem:v52+s11+$0x0], $0xffff  }
0x18e: {  	v15 =	vld.idx.msk [tilespmem:v53+s15+$0x0], $0xffff  }
0x18f: {  	v16 =	vld.idx.msk [tilespmem:v54+s11+$0x0], $0xffff;
	s19 =	spop (v2sf)  }
0x190: {  	v17 =	vld.idx.msk [tilespmem:v55+s15+$0x0], $0xffff;
	s4 =	sand.u32 $0xFFFFF80, s19  }
0x191: {  	v18 =	vld.idx.msk [tilespmem:v56+s11+$0x0], $0xffff;
	s7 =	sadd.s32 s1, s4  }
0x192: {  	v11 =	vld.idx.msk [tilespmem:v49+s15+$0x0], $0xffff;
	[tilespmem:s15], [sflag:$0x3] =	stream.strided.gather [hbm4b:s7+s26], $0x2000, s10, s26, $0x38  }
0x193: {  	v19 =	vld [tilespmem:s5+$0x0];
	_ =	sdelay $0x3  }
0x194: {  	vm11 =	vcmask $0x373C  }
0x195: {  	v19 =	vsel vm11, $0x0, v19  }
0x196: {  	(xrf0) =	vadd.scan.msk.s32 $0xffff, v19;
	_ =	sdelay $0x4  }
0x197: {  	v11 =	vmul.f32 v12, v11  }
0x198: {  	v57, _, _ =	vpop (xrf0)  }
0x199: {  	v13 =	vmul.f32 v14, v13;
	v11 =	vadd.f32 $0.0e+00, v11;
	(v2sf) =	vpush v57, $0xF;
	_ =	sdelay $0x1  }
0x19a: {  	v58 =	vmul.f32 v16, v15;
	v11 =	vadd.f32 v13, v11;
	_ =	sdelay $0x1  }
0x19b: {  	v59 =	vmul.f32 v18, v17;
	v11 =	vadd.f32 v58, v11;
	_ =	sdelay $0x1  }
0x19c: {  	v11 =	vadd.f32 v59, v11;
	_ =	sdelay $0x1  }
0x19d: {  	(xrf2) =	vadd.scan.msk.f32 $0xffff, v11;
	_ =	sdelay $0x6  }
0x19e: {  	s6 =	spop (v2sf)  }
0x19f: {  	s7 =	sand.u32 $0xFFFFF80, s6  }
0x1a0: {  	[dreg:$0xc] =	wrdreg s6;
	s21 =	sadd.s32 s3, s7  }
0x1a1: {  	v11, _, _ =	vpop (xrf2);
	[tilespmem:s11], [sflag:$0xB] =	stream.strided.gather [hbm4b:s21+s26], $0x2000, s10, s26, $0x38;
	[tilespmem:$0x18600] =	vst v63  }
0x1a2: {  	_ =	swait.ge [sflag:s12], $0x2000  }
0x1a3: {  	[sflag:s12] =	ssyncset.done $0x0  }
0x1a4: {  	[sflag:s12] =	ssyncadd.s32 $0xFFFFE000;
	s12 =	simm.s32 $0xC  }
0x1a5: {  	_ =	swait.ge [sflag:s12], $0x2000  }
0x1a6: {  	[sflag:s12] =	ssyncset.done $0x0  }
0x1a7: {  	[sflag:s12] =	ssyncadd.s32 $0xFFFFE000  }
0x1a8: {  	v60 =	vld [tilespmem:s8+$0x0];
	_ =	sdelay $0x4  }
0x1a9: {  	v12 =	vsel vm7, $0x0, v60  }
0x1aa: {  	(xrf0) =	vadd.scan.msk.s32 $0xffff, v12;
	_ =	sdelay $0x5  }
0x1ab: {  	v12, _, _ =	vpop (xrf0)  }
0x1ac: {  	(v2sf) =	vpush v12, $0xF;
	_ =	sdelay $0x4  }
0x1ad: {  	s16 =	sand.u32 $0x7F, s16  }
0x1ae: {  	v62 =	vor.u32 s16, v1;
	s20 =	sand.u32 $0x7F, s20  }
0x1af: {  	v63 =	vor.u32 s20, v2  }
0x1b0: {  	v21 =	vor.u32 s16, v2  }
0x1b1: {  	v22 =	vor.u32 s20, v3  }
0x1b2: {  	v23 =	vor.u32 s16, v3;
	s12 =	simm.s32 $0x16600  }
0x1b3: {  	v24 =	vor.u32 s20, v4;
	v13 =	vld.idx.msk [tilespmem:v62+s12+$0x0], $0xffff  }
0x1b4: {  	v25 =	vor.u32 s16, v4;
	v14 =	vld.idx.msk [tilespmem:v63+s29+$0x0], $0xffff  }
0x1b5: {  	v61 =	vor.u32 s20, v1;
	v15 =	vld.idx.msk [tilespmem:v21+s12+$0x0], $0xffff  }
0x1b6: {  	v16 =	vld.idx.msk [tilespmem:v22+s29+$0x0], $0xffff  }
0x1b7: {  	v17 =	vld.idx.msk [tilespmem:v23+s12+$0x0], $0xffff;
	s20 =	spop (v2sf)  }
0x1b8: {  	v18 =	vld.idx.msk [tilespmem:v24+s29+$0x0], $0xffff;
	s21 =	sand.u32 $0xFFFFF80, s20  }
0x1b9: {  	v19 =	vld.idx.msk [tilespmem:v25+s12+$0x0], $0xffff;
	s16 =	sadd.s32 s1, s21  }
0x1ba: {  	v12 =	vld.idx.msk [tilespmem:v61+s29+$0x0], $0xffff;
	[tilespmem:s29], [sflag:$0x4] =	stream.strided.gather [hbm4b:s16+s26], $0x2000, s10, s26, $0x38  }
0x1bb: {  	v20 =	vld [tilespmem:s5+$0x0];
	_ =	sdelay $0x4  }
0x1bc: {  	v20 =	vsel vm9, $0x0, v20  }
0x1bd: {  	(xrf0) =	vadd.scan.msk.s32 $0xffff, v20;
	_ =	sdelay $0x4  }
0x1be: {  	v12 =	vmul.f32 v13, v12  }
0x1bf: {  	v26, _, _ =	vpop (xrf0)  }
0x1c0: {  	v14 =	vmul.f32 v15, v14;
	v12 =	vadd.f32 $0.0e+00, v12;
	(v2sf) =	vpush v26, $0xF;
	_ =	sdelay $0x1  }
0x1c1: {  	v27 =	vmul.f32 v17, v16;
	v12 =	vadd.f32 v14, v12;
	_ =	sdelay $0x1  }
0x1c2: {  	v28 =	vmul.f32 v19, v18;
	v12 =	vadd.f32 v27, v12;
	_ =	sdelay $0x1  }
0x1c3: {  	v12 =	vadd.f32 v28, v12;
	_ =	sdelay $0x1  }
0x1c4: {  	(xrf2) =	vadd.scan.msk.f32 $0xffff, v12;
	_ =	sdelay $0x6  }
0x1c5: {  	s22 =	spop (v2sf)  }
0x1c6: {  	s6 =	sand.u32 $0xFFFFF80, s22  }
0x1c7: {  	s7 =	simm.s32 $0x1;
	[dreg:$0xb] =	wrdreg s22;
	s21 =	sadd.s32 s3, s6  }
0x1c8: {  	v12, _, _ =	vpop (xrf2);
	[tilespmem:s12], [sflag:$0xC] =	stream.strided.gather [hbm4b:s21+s26], $0x2000, s10, s26, $0x38;
	[tilespmem:$0x18600] =	vst v63  }
0x1c9: {  	_ =	swait.ge [sflag:s7], $0x2000  }
0x1ca: {  	[sflag:s7] =	ssyncset.done $0x0  }
0x1cb: {  	s16 =	simm.s32 $0x5;
	[sflag:s7] =	ssyncadd.s32 $0xFFFFE000  }
0x1cc: {  	_ =	swait.ge [sflag:s16], $0x2000  }
0x1cd: {  	[sflag:s16] =	ssyncset.done $0x0  }
0x1ce: {  	[sflag:s16] =	ssyncadd.s32 $0xFFFFE000  }
0x1cf: {  	v29 =	vld [tilespmem:s8+$0x0];
	_ =	sdelay $0x4  }
0x1d0: {  	v13 =	vsel vm6, $0x0, v29  }
0x1d1: {  	(xrf0) =	vadd.scan.msk.s32 $0xffff, v13;
	_ =	sdelay $0x5  }
0x1d2: {  	v13, _, _ =	vpop (xrf0)  }
0x1d3: {  	(v2sf) =	vpush v13, $0xF;
	_ =	sdelay $0x4  }
0x1d4: {  	s17 =	sand.u32 $0x7F, s17  }
0x1d5: {  	v32 =	vor.u32 s17, v2  }
0x1d6: {  	v34 =	vor.u32 s17, v3;
	s21 =	rddreg [dreg:$0x10]  }
0x1d7: {  	v36 =	vor.u32 s17, v4;
	s22 =	sand.u32 $0x7F, s21  }
0x1d8: {  	v31 =	vor.u32 s22, v1  }
0x1d9: {  	v33 =	vor.u32 s22, v2  }
0x1da: {  	v35 =	vor.u32 s22, v3;
	v15 =	vld.idx.msk [tilespmem:v32+s13+$0x0], $0xffff  }
0x1db: {  	v37 =	vor.u32 s22, v4;
	v17 =	vld.idx.msk [tilespmem:v34+s13+$0x0], $0xffff  }
0x1dc: {  	v30 =	vor.u32 s17, v1;
	v19 =	vld.idx.msk [tilespmem:v36+s13+$0x0], $0xffff  }
0x1dd: {  	v14 =	vld.idx.msk [tilespmem:v31+s23+$0x0], $0xffff  }
0x1de: {  	v16 =	vld.idx.msk [tilespmem:v33+s23+$0x0], $0xffff;
	s17 =	spop (v2sf)  }
0x1df: {  	s7 =	smin.u32 s25, $0x1EF;
	v18 =	vld.idx.msk [tilespmem:v35+s23+$0x0], $0xffff;
	s6 =	sand.u32 $0xFFFFF80, s17  }
0x1e0: {  	s16 =	sadd.s32 $0x10, s7;
	v20 =	vld.idx.msk [tilespmem:v37+s23+$0x0], $0xffff;
	s21 =	sadd.s32 s1, s6  }
0x1e1: {  	v13 =	vld.idx.msk [tilespmem:v30+s13+$0x0], $0xffff;
	[tilespmem:s13], [sflag:$0x1] =	stream.strided.gather [hbm4b:s21+s26], $0x2000, s10, s26, $0x38  }
0x1e2: {  	s21 =	sand.u32 $0x3F0, s16  }
0x1e3: {  	v21 =	vld [tilespmem:s21+$0x200];
	_ =	sdelay $0x1  }
0x1e4: {  	s22 =	sand.u32 $0xF, s7  }
0x1e5: {  	v22 =	vmov s22  }
0x1e6: {  	vm9 =	veq.s32 v22, v0  }
0x1e7: {  	v21 =	vnsel vm9, $0x0, v21  }
0x1e8: {  	(xrf0) =	vadd.scan.msk.s32 $0xffff, v21;
	_ =	sdelay $0x4  }
0x1e9: {  	v13 =	vmul.f32 v14, v13  }
0x1ea: {  	v38, _, _ =	vpop (xrf0)  }
0x1eb: {  	v15 =	vmul.f32 v16, v15;
	v13 =	vadd.f32 $0.0e+00, v13;
	(v2sf) =	vpush v38, $0xF;
	_ =	sdelay $0x1  }
0x1ec: {  	v39 =	vmul.f32 v18, v17;
	v13 =	vadd.f32 v15, v13;
	_ =	sdelay $0x1  }
0x1ed: {  	v40 =	vmul.f32 v20, v19;
	v13 =	vadd.f32 v39, v13;
	_ =	sdelay $0x1  }
0x1ee: {  	v13 =	vadd.f32 v40, v13;
	_ =	sdelay $0x1  }
0x1ef: {  	(xrf2) =	vadd.scan.msk.f32 $0xffff, v13;
	_ =	sdelay $0x6  }
0x1f0: {  	s22 =	spop (v2sf)  }
0x1f1: {  	s7 =	sand.u32 $0xFFFFF80, s22  }
0x1f2: {  	s16 =	simm.s32 $0x2;
	[dreg:$0x11] =	wrdreg s22;
	s22 =	sadd.s32 s3, s7  }
0x1f3: {  	v13, _, _ =	vpop (xrf2);
	[tilespmem:s23], [sflag:$0x5] =	stream.strided.gather [hbm4b:s22+s26], $0x2000, s10, s26, $0x38;
	[tilespmem:$0x18600] =	vst v63  }
0x1f4: {  	_ =	swait.ge [sflag:s16], $0x2000  }
0x1f5: {  	[sflag:s16] =	ssyncset.done $0x0  }
0x1f6: {  	s22 =	simm.s32 $0x6;
	[sflag:s16] =	ssyncadd.s32 $0xFFFFE000  }
0x1f7: {  	_ =	swait.ge [sflag:s22], $0x2000  }
0x1f8: {  	[sflag:s22] =	ssyncset.done $0x0  }
0x1f9: {  	[sflag:s22] =	ssyncadd.s32 $0xFFFFE000  }
0x1fa: {  	v41 =	vld [tilespmem:s8+$0x0];
	_ =	sdelay $0x4  }
0x1fb: {  	v14 =	vsel vm10, $0x0, v41  }
0x1fc: {  	(xrf0) =	vadd.scan.msk.s32 $0xffff, v14;
	_ =	sdelay $0x5  }
0x1fd: {  	v14, _, _ =	vpop (xrf0)  }
0x1fe: {  	(v2sf) =	vpush v14, $0xF;
	_ =	sdelay $0x4  }
0x1ff: {  	s18 =	sand.u32 $0x7F, s18  }
0x200: {  	v44 =	vor.u32 s18, v2  }
0x201: {  	v46 =	vor.u32 s18, v3;
	s23 =	rddreg [dreg:$0xf]  }
0x202: {  	v48 =	vor.u32 s18, v4;
	s7 =	sand.u32 $0x7F, s23  }
0x203: {  	v43 =	vor.u32 s7, v1  }
0x204: {  	v45 =	vor.u32 s7, v2  }
0x205: {  	v47 =	vor.u32 s7, v3;
	v16 =	vld.idx.msk [tilespmem:v44+s30+$0x0], $0xffff  }
0x206: {  	v49 =	vor.u32 s7, v4;
	v18 =	vld.idx.msk [tilespmem:v46+s30+$0x0], $0xffff  }
0x207: {  	v42 =	vor.u32 s18, v1;
	v20 =	vld.idx.msk [tilespmem:v48+s30+$0x0], $0xffff  }
0x208: {  	v15 =	vld.idx.msk [tilespmem:v43+s24+$0x0], $0xffff  }
0x209: {  	v17 =	vld.idx.msk [tilespmem:v45+s24+$0x0], $0xffff;
	s18 =	spop (v2sf)  }
0x20a: {  	s23 =	smin.u32 s25, $0x1EE;
	v19 =	vld.idx.msk [tilespmem:v47+s24+$0x0], $0xffff;
	s16 =	sand.u32 $0xFFFFF80, s18  }
0x20b: {  	s7 =	sadd.s32 $0x11, s23;
	v21 =	vld.idx.msk [tilespmem:v49+s24+$0x0], $0xffff;
	s22 =	sadd.s32 s1, s16  }
0x20c: {  	v14 =	vld.idx.msk [tilespmem:v42+s30+$0x0], $0xffff;
	[tilespmem:s30], [sflag:$0x2] =	stream.strided.gather [hbm4b:s22+s26], $0x2000, s10, s26, $0x38  }
0x20d: {  	s22 =	sand.u32 $0x3F0, s7  }
0x20e: {  	v50 =	vld [tilespmem:s22+$0x200];
	_ =	sdelay $0x1  }
0x20f: {  	s23 =	sand.u32 $0xF, s7  }
0x210: {  	v23 =	vmov s23  }
0x211: {  	vm10 =	veq.s32 v23, v0  }
0x212: {  	v22 =	vnsel vm10, $0x0, v50  }
0x213: {  	(xrf0) =	vadd.scan.msk.s32 $0xffff, v22;
	_ =	sdelay $0x5  }
0x214: {  	v14 =	vmul.f32 v15, v14;
	v51, _, _ =	vpop (xrf0)  }
0x215: {  	(v2sf) =	vpush v51, $0xF  }
0x216: {  	v16 =	vmul.f32 v17, v16;
	v14 =	vadd.f32 $0.0e+00, v14;
	_ =	sdelay $0x1  }
0x217: {  	v52 =	vmul.f32 v19, v18;
	v14 =	vadd.f32 v16, v14;
	_ =	sdelay $0x1  }
0x218: {  	v53 =	vmul.f32 v21, v20;
	v14 =	vadd.f32 v52, v14;
	_ =	sdelay $0x1  }
0x219: {  	v14 =	vadd.f32 v53, v14;
	_ =	sdelay $0x1  }
0x21a: {  	(xrf2) =	vadd.scan.msk.f32 $0xffff, v14;
	_ =	sdelay $0x5  }
0x21b: {  	s31 =	spop (v2sf)  }
0x21c: {  	s16 =	sand.u32 $0xFFFFF80, s31  }
0x21d: {  	s23 =	sadd.s32 s3, s16  }
0x21e: {  	[tilespmem:s24], [sflag:$0x6] =	stream.strided.gather [hbm4b:s23+s26], $0x2000, s10, s26, $0x38;
	[tilespmem:$0x18600] =	vst v63  }
0x21f: {  	v14, _, _ =	vpop (xrf2);
	s23 =	simm.s32 $0x3  }
0x220: {  	_ =	swait.ge [sflag:s23], $0x2000  }
0x221: {  	[sflag:s23] =	ssyncset.done $0x0  }
0x222: {  	s24 =	simm.s32 $0x7;
	[sflag:s23] =	ssyncadd.s32 $0xFFFFE000  }
0x223: {  	_ =	swait.ge [sflag:s24], $0x2000  }
0x224: {  	[sflag:s24] =	ssyncset.done $0x0  }
0x225: {  	[sflag:s24] =	ssyncadd.s32 $0xFFFFE000  }
0x226: {  	v54 =	vld [tilespmem:s8+$0x0];
	_ =	sdelay $0x4  }
0x227: {  	v15 =	vsel vm11, $0x0, v54  }
0x228: {  	(xrf0) =	vadd.scan.msk.s32 $0xffff, v15;
	_ =	sdelay $0x5  }
0x229: {  	v15, _, _ =	vpop (xrf0)  }
0x22a: {  	(v2sf) =	vpush v15, $0xF;
	_ =	sdelay $0x4  }
0x22b: {  	s0 =	sand.u32 $0x7F, s0  }
0x22c: {  	v56 =	vor.u32 s0, v1;
	s19 =	sand.u32 $0x7F, s19  }
0x22d: {  	v57 =	vor.u32 s19, v2  }
0x22e: {  	v58 =	vor.u32 s0, v2  }
0x22f: {  	v59 =	vor.u32 s19, v3  }
0x230: {  	v60 =	vor.u32 s0, v3  }
0x231: {  	v61 =	vor.u32 s19, v4;
	v16 =	vld.idx.msk [tilespmem:v56+s28+$0x0], $0xffff  }
0x232: {  	v62 =	vor.u32 s0, v4;
	v17 =	vld.idx.msk [tilespmem:v57+s15+$0x0], $0xffff  }
0x233: {  	v55 =	vor.u32 s19, v1;
	v18 =	vld.idx.msk [tilespmem:v58+s28+$0x0], $0xffff  }
0x234: {  	v19 =	vld.idx.msk [tilespmem:v59+s15+$0x0], $0xffff  }
0x235: {  	v20 =	vld.idx.msk [tilespmem:v60+s28+$0x0], $0xffff;
	s19 =	spop (v2sf)  }
0x236: {  	v21 =	vld.idx.msk [tilespmem:v61+s15+$0x0], $0xffff;
	s23 =	sand.u32 $0xFFFFF80, s19  }
0x237: {  	s24 =	smin.u32 s25, $0x1ED;
	v22 =	vld.idx.msk [tilespmem:v62+s28+$0x0], $0xffff;
	s0 =	sadd.s32 s1, s23  }
0x238: {  	v15 =	vld.idx.msk [tilespmem:v55+s15+$0x0], $0xffff;
	[tilespmem:s15], [sflag:$0x3] =	stream.strided.gather [hbm4b:s0+s26], $0x2000, s10, s26, $0x38  }
0x239: {  	s0 =	sadd.s32 $0x12, s24  }
0x23a: {  	s23 =	sand.u32 $0x3F0, s0  }
0x23b: {  	v63 =	vld [tilespmem:s23+$0x200];
	_ =	sdelay $0x1  }
0x23c: {  	s0 =	sand.u32 $0xF, s0  }
0x23d: {  	v24 =	vmov s0  }
0x23e: {  	vm11 =	veq.s32 v24, v0  }
0x23f: {  	v23 =	vnsel vm11, $0x0, v63  }
0x240: {  	(xrf0) =	vadd.scan.msk.s32 $0xffff, v23;
	_ =	sdelay $0x5  }
0x241: {  	v15 =	vmul.f32 v16, v15;
	v24, _, _ =	vpop (xrf0)  }
0x242: {  	(v2sf) =	vpush v24, $0xF  }
0x243: {  	v17 =	vmul.f32 v18, v17;
	v15 =	vadd.f32 $0.0e+00, v15;
	_ =	sdelay $0x1  }
0x244: {  	v25 =	vmul.f32 v20, v19;
	v15 =	vadd.f32 v17, v15;
	_ =	sdelay $0x1  }
0x245: {  	v26 =	vmul.f32 v22, v21;
	v15 =	vadd.f32 v25, v15;
	_ =	sdelay $0x1  }
0x246: {  	v15 =	vadd.f32 v26, v15;
	_ =	sdelay $0x1  }
0x247: {  	(xrf2) =	vadd.scan.msk.f32 $0xffff, v15;
	_ =	sdelay $0x5  }
0x248: {  	s0 =	spop (v2sf)  }
0x249: {  	s16 =	sand.u32 $0xFFFFF80, s0  }
0x24a: {  	s24 =	sadd.s32 s3, s16  }
0x24b: {  	[tilespmem:s28], [sflag:$0x7] =	stream.strided.gather [hbm4b:s24+s26], $0x2000, s10, s26, $0x38;
	[tilespmem:$0x18600] =	vst v63  }
0x24c: {  	v15, _, _ =	vpop (xrf2);
	s24 =	simm.s32 $0x4  }
0x24d: {  	_ =	swait.ge [sflag:s24], $0x2000  }
0x24e: {  	[sflag:s24] =	ssyncset.done $0x0  }
0x24f: {  	[sflag:s24] =	ssyncadd.s32 $0xFFFFE000;
	s24 =	simm.s32 $0x8  }
0x250: {  	_ =	swait.ge [sflag:s24], $0x2000  }
0x251: {  	[sflag:s24] =	ssyncset.done $0x0  }
0x252: {  	v28 =	vld [tilespmem:$0x1FFF0];
	[sflag:s24] =	ssyncadd.s32 $0xFFFFE000  }
0x253: {  	v27 =	vld [tilespmem:s8+$0x0];
	_ =	sdelay $0x3  }
0x254: {  	vm6 =	vnez.u8 v28  }
0x255: {  	v16 =	vsel vm6, $0x0, v27  }
0x256: {  	(xrf0) =	vadd.scan.msk.s32 $0xffff, v16;
	_ =	sdelay $0x5  }
0x257: {  	v16, _, _ =	vpop (xrf0)  }
0x258: {  	(v2sf) =	vpush v16, $0xF;
	_ =	sdelay $0x4  }
0x259: {  	s9 =	sand.u32 $0x7F, s9  }
0x25a: {  	s20 =	sand.u32 $0x7F, s20;
	v30 =	vor.u32 s9, v1  }
0x25b: {  	v31 =	vor.u32 s20, v2  }
0x25c: {  	v32 =	vor.u32 s9, v2  }
0x25d: {  	v33 =	vor.u32 s20, v3  }
0x25e: {  	v34 =	vor.u32 s9, v3  }
0x25f: {  	v35 =	vor.u32 s20, v4;
	v17 =	vld.idx.msk [tilespmem:v30+s2+$0x0], $0xffff  }
0x260: {  	v36 =	vor.u32 s9, v4;
	v18 =	vld.idx.msk [tilespmem:v31+s29+$0x0], $0xffff  }
0x261: {  	v29 =	vor.u32 s20, v1;
	v19 =	vld.idx.msk [tilespmem:v32+s2+$0x0], $0xffff  }
0x262: {  	v20 =	vld.idx.msk [tilespmem:v33+s29+$0x0], $0xffff  }
0x263: {  	v21 =	vld.idx.msk [tilespmem:v34+s2+$0x0], $0xffff;
	s20 =	spop (v2sf)  }
0x264: {  	v22 =	vld.idx.msk [tilespmem:v35+s29+$0x0], $0xffff;
	s24 =	sand.u32 $0xFFFFF80, s20  }
0x265: {  	v23 =	vld.idx.msk [tilespmem:v36+s2+$0x0], $0xffff;
	s9 =	sadd.s32 s1, s24;
	s24 =	smin.u32 s25, $0x1EC  }
0x266: {  	v16 =	vld.idx.msk [tilespmem:v29+s29+$0x0], $0xffff;
	[tilespmem:s29], [sflag:$0x4] =	stream.strided.gather [hbm4b:s9+s26], $0x2000, s10, s26, $0x38  }
0x267: {  	s9 =	sadd.s32 $0x13, s24  }
0x268: {  	s24 =	sand.u32 $0x3F0, s9  }
0x269: {  	vm6 =	vmmov vm0;
	vm0 =	vmmov vm8;
	v37 =	vld [tilespmem:s24+$0x200]  }
0x26a: {  	vm8 =	vmmov vm7;
	vm7 =	vmmov vm5;
	vm5 =	vmmov vm4  }
0x26b: {  	vm4 =	vmmov vm3;
	vm3 =	vmmov vm2;
	vm2 =	vmmov vm1;
	s9 =	sand.u32 $0xF, s9  }
0x26c: {  	vm1 =	vmmov vm15;
	vm15 =	vmmov vm14;
	v25 =	vmov s9  }
0x26d: {  	vm14 =	vmmov vm13;
	vm13 =	vmmov vm12;
	vm12 =	veq.s32 v25, v0  }
0x26e: {  	v24 =	vnsel vm12, $0x0, v37  }
0x26f: {  	(xrf0) =	vadd.scan.msk.s32 $0xffff, v24;
	_ =	sdelay $0x4  }
0x270: {  	v16 =	vmul.f32 v17, v16  }
0x271: {  	v38, _, _ =	vpop (xrf0)  }
0x272: {  	v18 =	vmul.f32 v19, v18;
	v16 =	vadd.f32 $0.0e+00, v16;
	(v2sf) =	vpush v38, $0xF;
	_ =	sdelay $0x1  }
0x273: {  	v39 =	vmul.f32 v21, v20;
	v16 =	vadd.f32 v18, v16;
	_ =	sdelay $0x1  }
0x274: {  	v40 =	vmul.f32 v23, v22;
	v16 =	vadd.f32 v39, v16;
	_ =	sdelay $0x1  }
0x275: {  	v16 =	vadd.f32 v40, v16;
	_ =	sdelay $0x1  }
0x276: {  	(xrf2) =	vadd.scan.msk.f32 $0xffff, v16;
	_ =	sdelay $0x6  }
0x277: {  	s9 =	spop (v2sf)  }
0x278: {  	s28 =	sand.u32 $0xFFFFF80, s9  }
0x279: {  	s4 =	simm.s32 $0x1;
	s28 =	sadd.s32 s3, s28  }
0x27a: {  	v16, _, _ =	vpop (xrf2);
	[tilespmem:s2], [sflag:$0x8] =	stream.strided.gather [hbm4b:s28+s26], $0x2000, s10, s26, $0x38;
	[tilespmem:$0x18600] =	vst v63  }
0x27b: {  	s2 =	rddreg [dreg:$0xa];
	_ =	swait.ge [sflag:s4], $0x2000  }
0x27c: {  	[sflag:s4] =	ssyncset.done $0x0  }
0x27d: {  	[sflag:s4] =	ssyncadd.s32 $0xFFFFE000;
	s4 =	simm.s32 $0x9  }
0x27e: {  	_ =	swait.ge [sflag:s4], $0x2000  }
0x27f: {  	[sflag:s4] =	ssyncset.done $0x0  }
0x280: {  	[sflag:s4] =	ssyncadd.s32 $0xFFFFE000  }
0x281: {  	v41 =	vld [tilespmem:s21+$0x0];
	_ =	sdelay $0x4  }
0x282: {  	v17 =	vnsel vm9, $0x0, v41  }
0x283: {  	(xrf0) =	vadd.scan.msk.s32 $0xffff, v17;
	_ =	sdelay $0x5  }
0x284: {  	v17, _, _ =	vpop (xrf0)  }
0x285: {  	(v2sf) =	vpush v17, $0xF;
	_ =	sdelay $0x4  }
0x286: {  	s17 =	sand.u32 $0x7F, s17  }
0x287: {  	v44 =	vor.u32 s17, v2  }
0x288: {  	v46 =	vor.u32 s17, v3;
	s21 =	rddreg [dreg:$0xe]  }
0x289: {  	v48 =	vor.u32 s17, v4;
	s4 =	sand.u32 $0x7F, s21  }
0x28a: {  	v43 =	vor.u32 s4, v1  }
0x28b: {  	v45 =	vor.u32 s4, v2  }
0x28c: {  	v19 =	vld.idx.msk [tilespmem:v44+s13+$0x0], $0xffff;
	v47 =	vor.u32 s4, v3  }
0x28d: {  	v21 =	vld.idx.msk [tilespmem:v46+s13+$0x0], $0xffff;
	v49 =	vor.u32 s4, v4  }
0x28e: {  	v42 =	vor.u32 s17, v1;
	v23 =	vld.idx.msk [tilespmem:v48+s13+$0x0], $0xffff  }
0x28f: {  	v18 =	vld.idx.msk [tilespmem:v43+s14+$0x0], $0xffff  }
0x290: {  	v20 =	vld.idx.msk [tilespmem:v45+s14+$0x0], $0xffff;
	s17 =	spop (v2sf)  }
0x291: {  	v22 =	vld.idx.msk [tilespmem:v47+s14+$0x0], $0xffff;
	s21 =	sand.u32 $0xFFFFF80, s17  }
0x292: {  	v24 =	vld.idx.msk [tilespmem:v49+s14+$0x0], $0xffff;
	s4 =	sadd.s32 s1, s21;
	s21 =	smin.u32 s25, $0x1EB  }
0x293: {  	v17 =	vld.idx.msk [tilespmem:v42+s13+$0x0], $0xffff;
	[tilespmem:s13], [sflag:$0x1] =	stream.strided.gather [hbm4b:s4+s26], $0x2000, s10, s26, $0x38  }
0x294: {  	s4 =	sadd.s32 $0x14, s21  }
0x295: {  	s21 =	sand.u32 $0x3F0, s4  }
0x296: {  	v50 =	vld [tilespmem:s21+$0x200];
	_ =	sdelay $0x1  }
0x297: {  	s4 =	sand.u32 $0xF, s4  }
0x298: {  	v26 =	vmov s4  }
0x299: {  	vm9 =	veq.s32 v26, v0  }
0x29a: {  	v25 =	vnsel vm9, $0x0, v50  }
0x29b: {  	(xrf0) =	vadd.scan.msk.s32 $0xffff, v25;
	_ =	sdelay $0x4  }
0x29c: {  	v17 =	vmul.f32 v18, v17  }
0x29d: {  	v51, _, _ =	vpop (xrf0)  }
0x29e: {  	v19 =	vmul.f32 v20, v19;
	v17 =	vadd.f32 $0.0e+00, v17;
	(v2sf) =	vpush v51, $0xF;
	_ =	sdelay $0x1  }
0x29f: {  	v52 =	vmul.f32 v22, v21;
	v17 =	vadd.f32 v19, v17;
	_ =	sdelay $0x1  }
0x2a0: {  	v53 =	vmul.f32 v24, v23;
	v17 =	vadd.f32 v52, v17;
	_ =	sdelay $0x1  }
0x2a1: {  	v17 =	vadd.f32 v53, v17;
	_ =	sdelay $0x1  }
0x2a2: {  	(xrf2) =	vadd.scan.msk.f32 $0xffff, v17;
	_ =	sdelay $0x6  }
0x2a3: {  	s4 =	spop (v2sf)  }
0x2a4: {  	s21 =	sand.u32 $0xFFFFF80, s4  }
0x2a5: {  	s6 =	simm.s32 $0x2;
	s21 =	sadd.s32 s3, s21  }
0x2a6: {  	v17, _, _ =	vpop (xrf2);
	[tilespmem:s14], [sflag:$0x9] =	stream.strided.gather [hbm4b:s21+s26], $0x2000, s10, s26, $0x38;
	[tilespmem:$0x18600] =	vst v63  }
0x2a7: {  	_ =	swait.ge [sflag:s6], $0x2000  }
0x2a8: {  	[sflag:s6] =	ssyncset.done $0x0  }
0x2a9: {  	s14 =	simm.s32 $0xA;
	[sflag:s6] =	ssyncadd.s32 $0xFFFFE000  }
0x2aa: {  	_ =	swait.ge [sflag:s14], $0x2000  }
0x2ab: {  	[sflag:s14] =	ssyncset.done $0x0  }
0x2ac: {  	[sflag:s14] =	ssyncadd.s32 $0xFFFFE000  }
0x2ad: {  	v54 =	vld [tilespmem:s22+$0x0];
	_ =	sdelay $0x4  }
0x2ae: {  	v18 =	vnsel vm10, $0x0, v54  }
0x2af: {  	(xrf0) =	vadd.scan.msk.s32 $0xffff, v18;
	_ =	sdelay $0x5  }
0x2b0: {  	v18, _, _ =	vpop (xrf0)  }
0x2b1: {  	(v2sf) =	vpush v18, $0xF;
	_ =	sdelay $0x4  }
0x2b2: {  	s18 =	sand.u32 $0x7F, s18  }
0x2b3: {  	v57 =	vor.u32 s18, v2  }
0x2b4: {  	v59 =	vor.u32 s18, v3;
	s21 =	rddreg [dreg:$0xd]  }
0x2b5: {  	v61 =	vor.u32 s18, v4;
	s6 =	sand.u32 $0x7F, s21  }
0x2b6: {  	v56 =	vor.u32 s6, v1  }
0x2b7: {  	v58 =	vor.u32 s6, v2  }
0x2b8: {  	v60 =	vor.u32 s6, v3;
	v20 =	vld.idx.msk [tilespmem:v57+s30+$0x0], $0xffff  }
0x2b9: {  	v62 =	vor.u32 s6, v4;
	v22 =	vld.idx.msk [tilespmem:v59+s30+$0x0], $0xffff  }
0x2ba: {  	v55 =	vor.u32 s18, v1;
	s22 =	simm.s32 $0x12600;
	v24 =	vld.idx.msk [tilespmem:v61+s30+$0x0], $0xffff  }
0x2bb: {  	v19 =	vld.idx.msk [tilespmem:v56+s22+$0x0], $0xffff  }
0x2bc: {  	v21 =	vld.idx.msk [tilespmem:v58+s22+$0x0], $0xffff;
	s18 =	spop (v2sf)  }
0x2bd: {  	v23 =	vld.idx.msk [tilespmem:v60+s22+$0x0], $0xffff;
	s14 =	sand.u32 $0xFFFFF80, s18  }
0x2be: {  	s21 =	smin.u32 s25, $0x1EA;
	v25 =	vld.idx.msk [tilespmem:v62+s22+$0x0], $0xffff;
	s6 =	sadd.s32 s1, s14  }
0x2bf: {  	v18 =	vld.idx.msk [tilespmem:v55+s30+$0x0], $0xffff;
	[tilespmem:s30], [sflag:$0x2] =	stream.strided.gather [hbm4b:s6+s26], $0x2000, s10, s26, $0x38  }
0x2c0: {  	s6 =	sadd.s32 $0x15, s21  }
0x2c1: {  	s14 =	sand.u32 $0x3F0, s6  }
0x2c2: {  	v63 =	vld [tilespmem:s14+$0x200];
	_ =	sdelay $0x1  }
0x2c3: {  	s6 =	sand.u32 $0xF, s6  }
0x2c4: {  	v27 =	vmov s6  }
0x2c5: {  	vm9 =	veq.s32 v27, v0  }
0x2c6: {  	v26 =	vnsel vm9, $0x0, v63  }
0x2c7: {  	(xrf0) =	vadd.scan.msk.s32 $0xffff, v26;
	_ =	sdelay $0x4  }
0x2c8: {  	v18 =	vmul.f32 v19, v18  }
0x2c9: {  	v28, _, _ =	vpop (xrf0)  }
0x2ca: {  	v20 =	vmul.f32 v21, v20;
	v18 =	vadd.f32 $0.0e+00, v18;
	(v2sf) =	vpush v28, $0xF;
	_ =	sdelay $0x1  }
0x2cb: {  	v29 =	vmul.f32 v23, v22;
	v18 =	vadd.f32 v20, v18;
	_ =	sdelay $0x1  }
0x2cc: {  	v30 =	vmul.f32 v25, v24;
	v18 =	vadd.f32 v29, v18;
	_ =	sdelay $0x1  }
0x2cd: {  	v18 =	vadd.f32 v30, v18;
	_ =	sdelay $0x1  }
0x2ce: {  	(xrf2) =	vadd.scan.msk.f32 $0xffff, v18;
	_ =	sdelay $0x6  }
0x2cf: {  	s6 =	spop (v2sf)  }
0x2d0: {  	s14 =	sand.u32 $0xFFFFF80, s6  }
0x2d1: {  	s7 =	simm.s32 $0x3;
	s21 =	sadd.s32 s3, s14  }
0x2d2: {  	v18, _, _ =	vpop (xrf2);
	[tilespmem:s22], [sflag:$0xA] =	stream.strided.gather [hbm4b:s21+s26], $0x2000, s10, s26, $0x38;
	[tilespmem:$0x18600] =	vst v63  }
0x2d3: {  	_ =	swait.ge [sflag:s7], $0x2000  }
0x2d4: {  	[sflag:s7] =	ssyncset.done $0x0  }
0x2d5: {  	s14 =	simm.s32 $0xB;
	[sflag:s7] =	ssyncadd.s32 $0xFFFFE000  }
0x2d6: {  	_ =	swait.ge [sflag:s14], $0x2000  }
0x2d7: {  	[sflag:s14] =	ssyncset.done $0x0  }
0x2d8: {  	[sflag:s14] =	ssyncadd.s32 $0xFFFFE000  }
0x2d9: {  	v31 =	vld [tilespmem:s23+$0x0];
	_ =	sdelay $0x4  }
0x2da: {  	v19 =	vnsel vm11, $0x0, v31  }
0x2db: {  	(xrf0) =	vadd.scan.msk.s32 $0xffff, v19;
	_ =	sdelay $0x5  }
0x2dc: {  	v19, _, _ =	vpop (xrf0)  }
0x2dd: {  	(v2sf) =	vpush v19, $0xF;
	_ =	sdelay $0x4  }
0x2de: {  	s19 =	sand.u32 $0x7F, s19  }
0x2df: {  	v34 =	vor.u32 s19, v2  }
0x2e0: {  	v36 =	vor.u32 s19, v3;
	s21 =	rddreg [dreg:$0xc]  }
0x2e1: {  	v38 =	vor.u32 s19, v4;
	s7 =	sand.u32 $0x7F, s21  }
0x2e2: {  	v33 =	vor.u32 s7, v1  }
0x2e3: {  	v35 =	vor.u32 s7, v2  }
0x2e4: {  	v37 =	vor.u32 s7, v3;
	v21 =	vld.idx.msk [tilespmem:v34+s15+$0x0], $0xffff  }
0x2e5: {  	v39 =	vor.u32 s7, v4;
	v23 =	vld.idx.msk [tilespmem:v36+s15+$0x0], $0xffff  }
0x2e6: {  	v32 =	vor.u32 s19, v1;
	v25 =	vld.idx.msk [tilespmem:v38+s15+$0x0], $0xffff  }
0x2e7: {  	v20 =	vld.idx.msk [tilespmem:v33+s11+$0x0], $0xffff  }
0x2e8: {  	v22 =	vld.idx.msk [tilespmem:v35+s11+$0x0], $0xffff;
	s19 =	spop (v2sf)  }
0x2e9: {  	v24 =	vld.idx.msk [tilespmem:v37+s11+$0x0], $0xffff;
	s14 =	sand.u32 $0xFFFFF80, s19  }
0x2ea: {  	s21 =	smin.u32 s25, $0x1E9;
	v26 =	vld.idx.msk [tilespmem:v39+s11+$0x0], $0xffff;
	s7 =	sadd.s32 s1, s14  }
0x2eb: {  	v19 =	vld.idx.msk [tilespmem:v32+s15+$0x0], $0xffff;
	[tilespmem:s15], [sflag:$0x3] =	stream.strided.gather [hbm4b:s7+s26], $0x2000, s10, s26, $0x38  }
0x2ec: {  	s7 =	sadd.s32 $0x16, s21  }
0x2ed: {  	s14 =	sand.u32 $0x3F0, s7  }
0x2ee: {  	v40 =	vld [tilespmem:s14+$0x200];
	_ =	sdelay $0x1  }
0x2ef: {  	s7 =	sand.u32 $0xF, s7  }
0x2f0: {  	v28 =	vmov s7  }
0x2f1: {  	vm9 =	veq.s32 v28, v0  }
0x2f2: {  	v27 =	vnsel vm9, $0x0, v40  }
0x2f3: {  	(xrf0) =	vadd.scan.msk.s32 $0xffff, v27;
	_ =	sdelay $0x4  }
0x2f4: {  	v19 =	vmul.f32 v20, v19  }
0x2f5: {  	v41, _, _ =	vpop (xrf0)  }
0x2f6: {  	v21 =	vmul.f32 v22, v21;
	v19 =	vadd.f32 $0.0e+00, v19;
	(v2sf) =	vpush v41, $0xF;
	_ =	sdelay $0x1  }
0x2f7: {  	v42 =	vmul.f32 v24, v23;
	v19 =	vadd.f32 v21, v19;
	_ =	sdelay $0x1  }
0x2f8: {  	v43 =	vmul.f32 v26, v25;
	v19 =	vadd.f32 v42, v19;
	_ =	sdelay $0x1  }
0x2f9: {  	v19 =	vadd.f32 v43, v19;
	_ =	sdelay $0x1  }
0x2fa: {  	(xrf2) =	vadd.scan.msk.f32 $0xffff, v19;
	_ =	sdelay $0x6  }
0x2fb: {  	s7 =	spop (v2sf)  }
0x2fc: {  	s14 =	sand.u32 $0xFFFFF80, s7  }
0x2fd: {  	s16 =	simm.s32 $0x4;
	s21 =	sadd.s32 s3, s14  }
0x2fe: {  	v19, _, _ =	vpop (xrf2);
	[tilespmem:s11], [sflag:$0xB] =	stream.strided.gather [hbm4b:s21+s26], $0x2000, s10, s26, $0x38;
	[tilespmem:$0x18600] =	vst v63  }
0x2ff: {  	s11 =	smov.u32 s31;
	s31 =	rddreg [dreg:$0x11];
	_ =	swait.ge [sflag:s16], $0x2000  }
0x300: {  	[sflag:s16] =	ssyncset.done $0x0  }
0x301: {  	s21 =	simm.s32 $0xC;
	[sflag:s16] =	ssyncadd.s32 $0xFFFFE000  }
0x302: {  	_ =	swait.ge [sflag:s21], $0x2000  }
0x303: {  	[sflag:s21] =	ssyncset.done $0x0  }
0x304: {  	[sflag:s21] =	ssyncadd.s32 $0xFFFFE000  }
0x305: {  	v44 =	vld [tilespmem:s24+$0x0];
	_ =	sdelay $0x4  }
0x306: {  	v20 =	vnsel vm12, $0x0, v44  }
0x307: {  	(xrf0) =	vadd.scan.msk.s32 $0xffff, v20;
	_ =	sdelay $0x5  }
0x308: {  	v20, _, _ =	vpop (xrf0)  }
0x309: {  	(v2sf) =	vpush v20, $0xF;
	_ =	sdelay $0x4  }
0x30a: {  	s20 =	sand.u32 $0x7F, s20  }
0x30b: {  	v47 =	vor.u32 s20, v2  }
0x30c: {  	v49 =	vor.u32 s20, v3;
	s16 =	rddreg [dreg:$0xb]  }
0x30d: {  	v51 =	vor.u32 s20, v4;
	s21 =	sand.u32 $0x7F, s16  }
0x30e: {  	v46 =	vor.u32 s21, v1  }
0x30f: {  	v48 =	vor.u32 s21, v2  }
0x310: {  	v50 =	vor.u32 s21, v3;
	v22 =	vld.idx.msk [tilespmem:v47+s29+$0x0], $0xffff  }
0x311: {  	v52 =	vor.u32 s21, v4;
	v24 =	vld.idx.msk [tilespmem:v49+s29+$0x0], $0xffff  }
0x312: {  	v45 =	vor.u32 s20, v1;
	v26 =	vld.idx.msk [tilespmem:v51+s29+$0x0], $0xffff  }
0x313: {  	v21 =	vld.idx.msk [tilespmem:v46+s12+$0x0], $0xffff  }
0x314: {  	v23 =	vld.idx.msk [tilespmem:v48+s12+$0x0], $0xffff;
	s20 =	spop (v2sf)  }
0x315: {  	v25 =	vld.idx.msk [tilespmem:v50+s12+$0x0], $0xffff;
	s14 =	sand.u32 $0xFFFFF80, s20  }
0x316: {  	s21 =	smin.u32 s25, $0x1E8;
	v27 =	vld.idx.msk [tilespmem:v52+s12+$0x0], $0xffff;
	s16 =	sadd.s32 s1, s14  }
0x317: {  	v20 =	vld.idx.msk [tilespmem:v45+s29+$0x0], $0xffff;
	[tilespmem:s29], [sflag:$0x4] =	stream.strided.gather [hbm4b:s16+s26], $0x2000, s10, s26, $0x38  }
0x318: {  	s16 =	sadd.s32 $0x17, s21  }
0x319: {  	s14 =	sand.u32 $0x3F0, s16  }
0x31a: {  	v53 =	vld [tilespmem:s14+$0x200];
	_ =	sdelay $0x1  }
0x31b: {  	s16 =	sand.u32 $0xF, s16  }
0x31c: {  	v29 =	vmov s16  }
0x31d: {  	vm9 =	veq.s32 v29, v0  }
0x31e: {  	v5 =	vbroadcast v5, $0xF;
	v6 =	vbroadcast v6, $0xF;
	v28 =	vnsel vm9, $0x0, v53  }
0x31f: {  	v7 =	vbroadcast v7, $0xF;
	v20 =	vmul.f32 v21, v20;
	(xrf0) =	vadd.scan.msk.s32 $0xffff, v28  }
0x320: {  	vm12 =	vmmov vm13;
	vm13 =	vmmov vm14;
	vm14 =	vmmov vm15  }
0x321: {  	vm15 =	vmmov vm1;
	v54 =	vmul.f32 v23, v22;
	v20 =	vadd.f32 $0.0e+00, v20  }
0x322: {  	vm1 =	vmmov vm2;
	vm2 =	vmmov vm3;
	vm3 =	vmmov vm4  }
0x323: {  	vm4 =	vmmov vm5;
	v56 =	vmul.f32 v25, v24;
	v20 =	vadd.f32 v54, v20  }
0x324: {  	v59 =	vld [tilespmem:$0x1FFA0];
	vm5 =	vmmov vm7;
	vm7 =	vmmov vm8;
	vm8 =	vmmov vm0  }
0x325: {  	v60 =	vld [tilespmem:$0x1FFB0];
	vm0 =	vmmov vm6;
	v57 =	vmul.f32 v27, v26;
	v20 =	vadd.f32 v56, v20;
	v55, _, _ =	vpop (xrf0)  }
0x326: {  	v61 =	vld [tilespmem:$0x1FFC0];
	v5 =	vsel vm0, v5, v6;
	v6 =	vbroadcast v8, $0xF;
	(v2sf) =	vpush v55, $0xF  }
0x327: {  	v58 =	vbroadcast v9, $0xF;
	v62 =	vld [tilespmem:$0x1FFD0];
	v5 =	vsel vm3, v5, v7;
	v7 =	vadd.f32 v57, v20  }
0x328: {  	v63 =	vld [tilespmem:$0x1FFE0];
	v5 =	vsel vm5, v5, v6;
	v6 =	vbroadcast v10, $0xF  }
0x329: {  	v5 =	vsel vm8, v5, v58;
	(xrf2) =	vadd.scan.msk.f32 $0xffff, v7;
	v7 =	vbroadcast v11, $0xF;
	vm9 =	vnez.u8 v59  }
0x32a: {  	v5 =	vsel vm9, v5, v6;
	v6 =	vbroadcast v12, $0xF;
	vm9 =	vnez.u8 v60  }
0x32b: {  	v5 =	vsel vm9, v5, v7;
	v7 =	vbroadcast v13, $0xF;
	vm9 =	vnez.u8 v61  }
0x32c: {  	v5 =	vsel vm9, v5, v6;
	v6 =	vbroadcast v14, $0xF;
	vm9 =	vnez.u8 v62  }
0x32d: {  	v5 =	vsel vm9, v5, v7;
	v7 =	vbroadcast v15, $0xF;
	vm9 =	vnez.u8 v63  }
0x32e: {  	v5 =	vsel vm9, v5, v6;
	vm9 =	vmmov $0x3ff;
	v6 =	vbroadcast v16, $0xF  }
0x32f: {  	v5 =	vsel vm9, v5, v7;
	vm9 =	vmmov $0x7ff;
	v7 =	vbroadcast v17, $0xF  }
0x330: {  	v5 =	vsel vm9, v5, v6;
	vm9 =	vmmov $0xfff;
	v6 =	vbroadcast v18, $0xF  }
0x331: {  	v5 =	vsel vm9, v5, v7;
	vm9 =	vmmov $0x1fff  }
0x332: {  	v5 =	vsel vm9, v5, v6;
	v6 =	vld [tilespmem:$0x1FFF0];
	_ =	sdelay $0x1  }
0x333: {  	p0 =	sne.s32 s25, $0x1F0  }
.Ltmp0:
0x334: {  	v7 =	vbroadcast v19, $0xF;
	s16 =	spop (v2sf);
	(pc) =	sbr.rel @p0 .LBB2_2-.Ltmp0, $4  }
0x335: {  	s5 =	sadd.s32 $0x10, s5;
	s8 =	sadd.s32 $0x10, s8;
	vm9 =	vmmov $0x3fff;
	s14 =	sand.u32 $0xFFFFF80, s16  }
0x336: {  	s28 =	simm.s32 $0xC600;
	s23 =	simm.s32 $0x8600;
	v5 =	vsel vm9, v5, v7;
	vm9 =	vnez.u8 v6;
	v6, _, _ =	vpop (xrf2);
	s21 =	sadd.s32 s3, s14  }
0x337: {  	v5 =	vsel vm9, v5, v6;
	[tilespmem:s12], [sflag:$0xC] =	stream.strided.gather [hbm4b:s21+s26], $0x2000, s10, s26, $0x38;
	[tilespmem:$0x18600] =	vst v63  }
0x338: {  	s24 =	simm.s32 $0xA600;
	s25 =	sadd.s32 $0x10, s25;
	vm6 =	vcmask $0x2F34;
	[tilespmem:s2+$0x0] =	vst v5;
	s2 =	sadd.s32 $0x10, s2  }
0x339: {  	s0 =	simm.s32 $0x1  }
0x33a: {  	_ =	swait.ge [sflag:s0], $0x2000  }
0x33b: {  	[sflag:s0] =	ssyncset.done $0x0  }
0x33c: {  	s9 =	simm.s32 $0x2;
	[sflag:s0] =	ssyncadd.s32 $0xFFFFE000  }
0x33d: {  	_ =	swait.ge [sflag:s9], $0x2000  }
0x33e: {  	[sflag:s9] =	ssyncset.done $0x0  }
0x33f: {  	s11 =	simm.s32 $0x3;
	[sflag:s9] =	ssyncadd.s32 $0xFFFFE000  }
0x340: {  	_ =	swait.ge [sflag:s11], $0x2000  }
0x341: {  	[sflag:s11] =	ssyncset.done $0x0  }
0x342: {  	s12 =	simm.s32 $0x4;
	[sflag:s11] =	ssyncadd.s32 $0xFFFFE000  }
0x343: {  	_ =	swait.ge [sflag:s12], $0x2000  }
0x344: {  	[sflag:s12] =	ssyncset.done $0x0  }
0x345: {  	s13 =	simm.s32 $0x5;
	[sflag:s12] =	ssyncadd.s32 $0xFFFFE000  }
0x346: {  	_ =	swait.ge [sflag:s13], $0x2000  }
0x347: {  	[sflag:s13] =	ssyncset.done $0x0  }
0x348: {  	s14 =	simm.s32 $0x6;
	[sflag:s13] =	ssyncadd.s32 $0xFFFFE000  }
0x349: {  	_ =	swait.ge [sflag:s14], $0x2000  }
0x34a: {  	[sflag:s14] =	ssyncset.done $0x0  }
0x34b: {  	s16 =	simm.s32 $0x7;
	[sflag:s14] =	ssyncadd.s32 $0xFFFFE000  }
0x34c: {  	_ =	swait.ge [sflag:s16], $0x2000  }
0x34d: {  	[sflag:s16] =	ssyncset.done $0x0  }
0x34e: {  	s17 =	simm.s32 $0x8;
	[sflag:s16] =	ssyncadd.s32 $0xFFFFE000  }
0x34f: {  	_ =	swait.ge [sflag:s17], $0x2000  }
0x350: {  	[sflag:s17] =	ssyncset.done $0x0  }
0x351: {  	s18 =	simm.s32 $0x9;
	[sflag:s17] =	ssyncadd.s32 $0xFFFFE000  }
0x352: {  	_ =	swait.ge [sflag:s18], $0x2000  }
0x353: {  	[sflag:s18] =	ssyncset.done $0x0  }
0x354: {  	s19 =	simm.s32 $0xA;
	[sflag:s18] =	ssyncadd.s32 $0xFFFFE000  }
0x355: {  	_ =	swait.ge [sflag:s19], $0x2000  }
0x356: {  	[sflag:s19] =	ssyncset.done $0x0  }
0x357: {  	s20 =	simm.s32 $0xB;
	[sflag:s19] =	ssyncadd.s32 $0xFFFFE000  }
0x358: {  	_ =	swait.ge [sflag:s20], $0x2000  }
0x359: {  	[sflag:s20] =	ssyncset.done $0x0  }
0x35a: {  	s21 =	simm.s32 $0xC;
	[sflag:s20] =	ssyncadd.s32 $0xFFFFE000  }
0x35b: {  	_ =	swait.ge [sflag:s21], $0x2000  }
0x35c: {  	s8 =	simm.s32 $0x0;
	[sflag:s21] =	ssyncset.done $0x0  }
0x35d: {  	s6 =	simm.s32 $0xD;
	s25 =	rddreg [dreg:$0x7];
	[sflag:s21] =	ssyncadd.s32 $0xFFFFE000  }
0x35e: {  	[hbm4b:s25+s8] =	stream.linear.scatter [tilespmem:s26], [sflag:$0xD], $0x200, $0x38;
	[tilespmem:$0x18600] =	vst v63  }
0x35f: {  	_ =	swait.ge [sflag:s6], $0x200  }
0x360: {  	s2 =	rddreg [dreg:$0x9]  }
0x361: {  	s31 =	rddreg [dreg:$0x8];
	s2 =	sadd.s32 $0x1, s2  }
0x362: {  	p0 =	sne.s32 s2, s31  }
.Ltmp1:
0x363: {  	_ = 	snop;
	(pc) =	sbr.rel @p0 .LBB2_1-.Ltmp1, $4  }
0x364: {  	s7 =	simm.s32 $0xE600  }
0x365: {  	s9 =	simm.s32 $0x600;
	s11 =	simm.s32 $0x2600;
	s12 =	simm.s32 $0x10600  }
0x366: {  	s13 =	simm.s32 $0x4600;
	s14 =	simm.s32 $0x6600;
	[sflag:s6] =	ssyncset.done $0x0  }
0x367: {  	s16 =	simm.s32 $0x14600;
	s21 =	simm.s32 $0x16600;
	[sflag:s6] =	ssyncadd.s32 $0xFFFFFE00  }
0x368: {  	_ =	sfence.sel $0x180000  }
0x369: {  	[bflag:$0x0] =	sbarrier.arrive $0xFFFF  }
0x36a: {  	_ =	strace $0x90000047  }
0x36b: {  	s0 =	stileid.u32;
	[bflag:$0x2] =	sbarrier.arrive $0xFFFF  }
0x36c: {  	p0 =	sne.s32 s0, $0x0;
	s0 =	rddreg [dreg:$0x4]  }
0x36d: {  	s0 =	sadd.s32 @!p0 $0x100000, s0  }
0x36e: {  	[sflag:s0] =	ssyncadd.tile.s32 @!p0 $0x1;
	_ =	shalt  }
.Lfunc_end2:
_tile_overlayer_lowered:
.L_overlay_start_2:
0x36f: {  	(tag) =	ssettag $0x2  }
0x370: {  	s0 =	rddreg [dreg:$0x0];
	s2 =	stileid.u32  }
0x371: {  	s1 =	rddreg [dreg:$0x1];
	p0 =	sne.s32 s2, $0x0  }
0x372: {  	s3 =	rddreg [dreg:$0x2];
	[bflag:$0x3] =	sbarrier.arrive $0xFFFF;
	s2 =	simm.s32 @!p0 $0x1C0D  }
0x373: {  	[timem:s3], [sflag:s2] =	dma.local @!p0 [hbm:s0], s1  }
0x374: {  	s0 =	simm.s32 @!p0 $0xD  }
0x375: {  	_ =	swait.ge @!p0 [sflag:s0], s1  }
0x376: {  	s1 =	ssub.s32 @!p0 $0x0, s1;
	[sflag:s0] =	ssyncset.done @!p0 $0x0  }
0x377: {  	[sflag:s0] =	ssyncadd.s32 @!p0 s1  }
0x378: {  	[bflag:$0x3] =	sbarrier.arrive $0xFFFF  }
0x379: {  	_ =	shalt  }

</sc_bundles>
